<compile_context>
chip_gen: v7x
topology: tpu7x:2x2x1
jax: 0.10.2.dev20260603
libtpu: 0.0.44.dev20260713+nightly
codegen_flags: <defaults>
</compile_context>

<pallas_src>
import functools

import jax
import jax.numpy as jnp
from jax import lax
from jax.experimental import pallas as pl
from jax.experimental.pallas import tpu as pltpu
from jax.experimental.pallas import tpu_sc as plsc

_N = 10000
_E = 160000
_NP = 10240
_EP = 163840
_NC = 2
_NS = 16
_NW = _NC * _NS
_CHUNK = 128

_ROWS_PER_TILE = _NP // _NS



_GBATCH = 512


def _sc_gather(table, idx):
    d = table.shape[1]
    per_w = _EP // _NW
    n_b = per_w // _GBATCH
    n_fire = _GBATCH // _CHUNK
    mesh = plsc.VectorSubcoreMesh(core_axis_name="c", subcore_axis_name="s")

    @functools.partial(
        pl.kernel, mesh=mesh,
        out_type=jax.ShapeDtypeStruct((_EP, d), jnp.float32),
        scratch_types=[
            pltpu.VMEM((_GBATCH,), jnp.int32),
            pltpu.VMEM((_GBATCH, d), jnp.float32),
            pltpu.SemaphoreType.DMA,
        ],
    )
    def k(table_hbm, idx_hbm, out_hbm, idx_v, rows_v, sem):
        wid = lax.axis_index("s") * _NC + lax.axis_index("c")
        base = wid * per_w

        def body(i, carry):
            off = base + i * _GBATCH
            pltpu.sync_copy(idx_hbm.at[pl.ds(off, _GBATCH)], idx_v)
            cps = [
                pltpu.async_copy(
                    table_hbm.at[idx_v.at[pl.ds(j * _CHUNK, _CHUNK)]],
                    rows_v.at[pl.ds(j * _CHUNK, _CHUNK)], sem)
                for j in range(n_fire)
            ]
            for c in cps:
                c.wait()
            pltpu.sync_copy(rows_v, out_hbm.at[pl.ds(off, _GBATCH)])
            return carry

        lax.fori_loop(0, n_b, body, 0)

    return k(table, idx)


def _sc_scatter_add(msg, idx, zeros_nd):
    d = msg.shape[1]
    per_w = _EP // _NW
    n_chunks = per_w // _CHUNK
    mesh = plsc.VectorSubcoreMesh(core_axis_name="c", subcore_axis_name="s")

    @functools.partial(
        pl.kernel, mesh=mesh,
        out_type=jax.ShapeDtypeStruct((_NC, _NP, d), jnp.float32),
        scratch_types=[
            pltpu.VMEM((_CHUNK,), jnp.int32),
            pltpu.VMEM((_CHUNK, d), jnp.float32),
            pltpu.VMEM_SHARED((_NP, d), jnp.float32),
        ],
    )
    def k(msg_hbm, idx_hbm, zero_hbm, out_hbm, idx_v, chunk_v, acc_sh):
        cid = lax.axis_index("c")
        sid = lax.axis_index("s")
        wid = sid * _NC + cid
        r0 = sid * _ROWS_PER_TILE
        pltpu.sync_copy(zero_hbm.at[pl.ds(r0, _ROWS_PER_TILE)],
                        acc_sh.at[pl.ds(r0, _ROWS_PER_TILE)])
        plsc.subcore_barrier()
        base = wid * per_w

        def body(i, carry):
            off = base + i * _CHUNK
            pltpu.sync_copy(idx_hbm.at[pl.ds(off, _CHUNK)], idx_v)
            pltpu.sync_copy(msg_hbm.at[pl.ds(off, _CHUNK)], chunk_v)
            pltpu.sync_copy(chunk_v, acc_sh.at[idx_v], add=True)
            return carry

        lax.fori_loop(0, n_chunks, body, 0)
        plsc.subcore_barrier()
        pltpu.sync_copy(acc_sh.at[pl.ds(r0, _ROWS_PER_TILE)],
                        out_hbm.at[cid, pl.ds(r0, _ROWS_PER_TILE)])

    return k(msg, idx, zeros_nd)



def _ln(h, g, b):
    m = jnp.mean(h, axis=-1, keepdims=True)
    v = jnp.mean((h - m) ** 2, axis=-1, keepdims=True)
    return (h - m) * lax.rsqrt(v + 1e-5) * g + b


def _full2d(arr):
    return pl.BlockSpec(arr.shape, lambda i: (0, 0))


_NODE_T = 1024


def _rowspec(width, tile=_NODE_T):
    return pl.BlockSpec((tile, width), lambda i: (i, 0))


def _embed(xp, w0, b0, g0, be0, w1, b1, g1, be1):
    def body(x_ref, w0r, b0r, g0r, be0r, w1r, b1r, g1r, be1r, out_ref):
        h = jnp.maximum(x_ref[...] @ w0r[...] + b0r[...], 0.0)
        h = _ln(h, g0r[...], be0r[...])
        h = jnp.maximum(h @ w1r[...] + b1r[...], 0.0)
        out_ref[...] = _ln(h, g1r[...], be1r[...])

    ws = [w0, b0, g0, be0, w1, b1, g1, be1]
    return pl.pallas_call(
        body,
        grid=(_NP // _NODE_T,),
        in_specs=[_rowspec(9)] + [_full2d(w) for w in ws],
        out_specs=_rowspec(64),
        out_shape=jax.ShapeDtypeStruct((_NP, 64), jnp.float32),
    )(xp, *ws)


_EDGE_T = 512


def _msg(ea, xs, w1, b1, w2p, b2r, sel, out_c, in_c, out_w):
    xs_w = xs.shape[1]
    width = 32 * out_c
    n128 = width // 128
    g = 128 // out_c

    def body(ea_ref, xs_ref, w1r, b1r, w2pr, b2rr, selr, out_ref):
        hh = jnp.maximum(ea_ref[...] @ w1r[...] + b1r[...], 0.0)
        hhb = hh @ selr[...]
        xsv = xs_ref[...][:, :in_c]
        p = xsv @ w2pr[...]
        s = hhb[:, 0:128] * p[:, 0:128]
        for c in range(1, n128):
            s = s + hhb[:, c * 128:(c + 1) * 128] * p[:, c * 128:(c + 1) * 128]
        acc = xsv @ b2rr[...]
        for j in range(g):
            acc = acc + s[:, j * out_c:(j + 1) * out_c]
        if out_w > out_c:
            acc = jnp.concatenate(
                [acc, jnp.zeros((acc.shape[0], out_w - out_c), jnp.float32)],
                axis=1)
        out_ref[...] = acc

    ws = [w1, b1, w2p, b2r, sel]
    return pl.pallas_call(
        body,
        grid=(_EP // _EDGE_T,),
        in_specs=[_rowspec(8, _EDGE_T), _rowspec(xs_w, _EDGE_T)]
        + [_full2d(w) for w in ws],
        out_specs=_rowspec(out_w, _EDGE_T),
        out_shape=jax.ShapeDtypeStruct((_EP, out_w), jnp.float32),
    )(ea, xs, *ws)


def _node_update(h, a0, a1, root, bias, g, be):
    in_c = h.shape[1]
    out_c = root.shape[1]
    agg_w = a0.shape[1]

    def body(h_ref, a0_ref, a1_ref, rootr, biasr, gr, ber, out_ref):
        aggr = a0_ref[...][:, :out_c] + a1_ref[...][:, :out_c]
        s = aggr + h_ref[...] @ rootr[...] + biasr[...]
        out_ref[...] = _ln(jnp.maximum(s, 0.0), gr[...], ber[...])

    ws = [root, bias, g, be]
    return pl.pallas_call(
        body,
        grid=(_NP // _NODE_T,),
        in_specs=[_rowspec(in_c), _rowspec(agg_w), _rowspec(agg_w)]
        + [_full2d(w) for w in ws],
        out_specs=_rowspec(out_c),
        out_shape=jax.ShapeDtypeStruct((_NP, out_c), jnp.float32),
    )(h, a0, a1, *ws)


def _qkv_proj(h, wqkv, bqkv):
    def body(h_ref, wr, br, out_ref):
        out_ref[...] = h_ref[...] @ wr[...] + br[...]

    return pl.pallas_call(
        body,
        grid=(_NP // _NODE_T,),
        in_specs=[_rowspec(32), _full2d(wqkv), _full2d(bqkv)],
        out_specs=_rowspec(96),
        out_shape=jax.ShapeDtypeStruct((_NP, 96), jnp.float32),
    )(h, wqkv, bqkv)


_ATT_TQ = 256
_ATT_TK = 1024
_NHEAD = 4
_HD = 8


def _enc_layer(h, qkv, wo, bo, g1, be1, w1, b1, w2, b2, g2, be2):
    scale = 1.0 / (_HD ** 0.5)
    n_kt = _NP // _ATT_TK

    def body(h_ref, qkv_ref, wor, bor, g1r, be1r, w1r, b1r, w2r, b2r,
             g2r, be2r, out_ref):
        i = pl.program_id(0)
        q_all = qkv_ref[pl.ds(i * _ATT_TQ, _ATT_TQ), 0:32] * scale
        outs = []
        for hd in range(_NHEAD):
            qh = q_all[:, hd * _HD:(hd + 1) * _HD]

            def kv_step(j, carry, hd=hd, qh=qh):
                m, l, acc = carry
                kv = qkv_ref[pl.ds(j * _ATT_TK, _ATT_TK), :]
                kh = kv[:, 32 + hd * _HD:32 + (hd + 1) * _HD]
                vh = kv[:, 64 + hd * _HD:64 + (hd + 1) * _HD]
                s = lax.dot_general(qh, kh, (((1,), (1,)), ((), ())))
                kidx = j * _ATT_TK + lax.broadcasted_iota(
                    jnp.int32, (_ATT_TQ, _ATT_TK), 1)
                s = jnp.where(kidx >= _N, -1e30, s)
                m_new = jnp.maximum(m, jnp.max(s, axis=-1, keepdims=True))
                pexp = jnp.exp(s - m_new)
                corr = jnp.exp(m - m_new)
                l_new = l * corr + jnp.sum(pexp, axis=-1, keepdims=True)
                acc_new = acc * corr + pexp @ vh
                return m_new, l_new, acc_new

            m0 = jnp.full((_ATT_TQ, 1), -1e30, jnp.float32)
            l0 = jnp.zeros((_ATT_TQ, 1), jnp.float32)
            a0 = jnp.zeros((_ATT_TQ, _HD), jnp.float32)
            m, l, acc = lax.fori_loop(0, n_kt, kv_step, (m0, l0, a0))
            outs.append(acc / l)
        o = jnp.concatenate(outs, axis=-1)
        attn = o @ wor[...] + bor[...]
        x1 = _ln(h_ref[...] + attn, g1r[...], be1r[...])
        f = jnp.maximum(x1 @ w1r[...] + b1r[...], 0.0) @ w2r[...] + b2r[...]
        out_ref[...] = _ln(x1 + f, g2r[...], be2r[...])

    ws = [wo, bo, g1, be1, w1, b1, w2, b2, g2, be2]
    return pl.pallas_call(
        body,
        grid=(_NP // _ATT_TQ,),
        in_specs=[_rowspec(32, _ATT_TQ), _full2d(qkv)]
        + [_full2d(w) for w in ws],
        out_specs=_rowspec(32, _ATT_TQ),
        out_shape=jax.ShapeDtypeStruct((_NP, 32), jnp.float32),
    )(h, qkv, *ws)


def _head(h, fc_w, fc_b, out_w, out_b):
    def body(h_ref, fwr, fbr, owr, obr, out_ref):
        f = jnp.maximum(h_ref[...] @ fwr[...] + fbr[...], 0.0)
        out_ref[...] = f @ owr[...] + obr[...]

    ws = [fc_w, fc_b, out_w, out_b]
    return pl.pallas_call(
        body,
        grid=(_NP // _NODE_T,),
        in_specs=[_rowspec(32)] + [_full2d(w) for w in ws],
        out_specs=_rowspec(7),
        out_shape=jax.ShapeDtypeStruct((_NP, 7), jnp.float32),
    )(h, *ws)



def _r2(v):
    return v.reshape(1, -1)


def kernel(x, edge_index, edge_attr, params):
    p = params
    f32 = jnp.float32
    src = edge_index[0]
    dst = edge_index[1]

    xp = jnp.zeros((_NP, 9), f32).at[:_N].set(x)
    eap = jnp.zeros((_EP, 8), f32).at[:_E].set(edge_attr)
    srcp = jnp.zeros((_EP,), jnp.int32).at[:_E].set(src)
    dstp = jnp.full((_EP,), _N, jnp.int32).at[:_E].set(dst)
    z128 = jnp.zeros((_NP, 128), f32)

    w2p1 = p['c1_w2'].reshape(32, 64, 128).transpose(1, 0, 2).reshape(64, 32 * 128)
    b2r1 = p['c1_b2'].reshape(64, 128)
    w2p2 = p['c2_w2'].reshape(32, 128, 32).transpose(1, 0, 2).reshape(128, 32 * 32)
    b2r2 = p['c2_b2'].reshape(128, 32)
    sel1 = jnp.kron(jnp.eye(32, dtype=f32), jnp.ones((1, 128), f32))
    sel2 = jnp.kron(jnp.eye(32, dtype=f32), jnp.ones((1, 32), f32))

    h64 = _embed(xp, p['emb_w0'], _r2(p['emb_b0']), _r2(p['emb_g0']),
                 _r2(p['emb_be0']), p['emb_w1'], _r2(p['emb_b1']),
                 _r2(p['emb_g1']), _r2(p['emb_be1']))

    h64p = jnp.concatenate([h64, jnp.zeros((_NP, 64), f32)], axis=1)
    xs1 = _sc_gather(h64p, srcp)
    msg1 = _msg(eap, xs1, p['c1_w1'], _r2(p['c1_b1']), w2p1, b2r1, sel1,
                128, 64, 128)
    agg1 = _sc_scatter_add(msg1, dstp, z128)
    h128 = _node_update(h64, agg1[0], agg1[1], p['c1_root'],
                        _r2(p['c1_bias']), _r2(p['n1_g']), _r2(p['n1_be']))

    xs2 = _sc_gather(h128, srcp)
    msg2 = _msg(eap, xs2, p['c2_w1'], _r2(p['c2_b1']), w2p2, b2r2, sel2,
                32, 128, 128)
    agg2 = _sc_scatter_add(msg2, dstp, z128)
    h32 = _node_update(h128, agg2[0], agg2[1], p['c2_root'],
                       _r2(p['c2_bias']), _r2(p['n2_g']), _r2(p['n2_be']))

    for lp in p['layers']:
        qkv = _qkv_proj(h32, lp['wqkv'], _r2(lp['bqkv']))
        h32 = _enc_layer(h32, qkv, lp['wo'], _r2(lp['bo']), _r2(lp['g1']),
                         _r2(lp['be1']), lp['w1'], _r2(lp['b1']), lp['w2'],
                         _r2(lp['b2']), _r2(lp['g2']), _r2(lp['be2']))

    out = _head(h32, p['fc_w'], _r2(p['fc_b']), p['out_w'], _r2(p['out_b']))
    return out[:_N]

# --- scband reference (transcript-rebuilt; emitter-appended) ---
"""Pipeline reference for scband-graph-gpsnetwork-22711787061298 (READ-ONLY COPY).

The authoritative reference and input builder live on the scoring server;
editing this copy changes nothing except your own understanding.
"""

import jax, jax.numpy as jnp
import numpy as np

N_NODES = 10000
E_EDGES = 160000

def _ln(x, g, b, eps=1e-5):
    m = jnp.mean(x, axis=-1, keepdims=True)
    v = jnp.mean((x - m) ** 2, axis=-1, keepdims=True)
    return (x - m) / jnp.sqrt(v + eps) * g + b

def _nnconv(x, src, dst, ea, w1, b1, w2, b2, root, bias, in_c, out_c):
    # PyG NNConv: per-edge weight matrix W_e = mlp(edge_attr).reshape(in_c, out_c)
    # message_e = x[src_e] @ W_e ; aggr = scatter_add at dst ; out = aggr + x @ root + bias
    hh = jax.nn.relu(ea @ w1 + b1)              # [E, 32]
    xs = x[src]                                  # [E, in_c]
    w2r = w2.reshape(32, in_c, out_c)
    b2r = b2.reshape(in_c, out_c)
    # Factorized einsum: identical math to materializing [E, in_c, out_c], but
    # contracted in an order that keeps the intermediate small.
    if in_c <= out_c:
        t = jnp.einsum('ei,ek->eik', xs, hh)
        msg = jnp.einsum('eik,kio->eo', t, w2r)
    else:
        t = jnp.einsum('ei,kio->eko', xs, w2r)
        msg = jnp.einsum('eko,ek->eo', t, hh)
    msg = msg + xs @ b2r
    aggr = jax.ops.segment_sum(msg, dst, num_segments=N_NODES)
    return aggr + x @ root + bias

def _mha(x, p, nhead):
    n, d = x.shape
    hd = d // nhead
    qkv = x @ p['wqkv'] + p['bqkv']
    q, k, v = jnp.split(qkv, 3, axis=-1)
    q = q.reshape(n, nhead, hd).transpose(1, 0, 2)
    k = k.reshape(n, nhead, hd).transpose(1, 0, 2)
    v = v.reshape(n, nhead, hd).transpose(1, 0, 2)
    scores = jnp.einsum('hqd,hkd->hqk', q, k) / np.float32(np.sqrt(hd))
    a = jax.nn.softmax(scores, axis=-1)
    o = jnp.einsum('hqk,hkd->hqd', a, v)
    o = o.transpose(1, 0, 2).reshape(n, d)
    return o @ p['wo'] + p['bo']

def _enc(x, p, nhead):
    # torch TransformerEncoderLayer, post-norm, relu activation, dropout off (eval)
    a = _mha(x, p, nhead)
    x = _ln(x + a, p['g1'], p['be1'])
    f = jax.nn.relu(x @ p['w1'] + p['b1']) @ p['w2'] + p['b2']
    return _ln(x + f, p['g2'], p['be2'])

def _forward(x, edge_attr, params, edge_index):
    src = edge_index[0]
    dst = edge_index[1]
    p = params
    h = jax.nn.relu(x @ p['emb_w0'] + p['emb_b0'])
    h = _ln(h, p['emb_g0'], p['emb_be0'])
    h = jax.nn.relu(h @ p['emb_w1'] + p['emb_b1'])
    h = _ln(h, p['emb_g1'], p['emb_be1'])
    h = jax.nn.relu(_nnconv(h, src, dst, edge_attr, p['c1_w1'], p['c1_b1'], p['c1_w2'], p['c1_b2'], p['c1_root'], p['c1_bias'], 64, 128))
    h = _ln(h, p['n1_g'], p['n1_be'])
    h = jax.nn.relu(_nnconv(h, src, dst, edge_attr, p['c2_w1'], p['c2_b1'], p['c2_w2'], p['c2_b2'], p['c2_root'], p['c2_bias'], 128, 32))
    h = _ln(h, p['n2_g'], p['n2_be'])
    for lp in p['layers']:
        h = _enc(h, lp, 4)
    h = jax.nn.relu(h @ p['fc_w'] + p['fc_b'])
    return h @ p['out_w'] + p['out_b']

def setup_inputs(seed: int = 0):
    key = jax.random.key(seed)
    keys = iter(jax.random.split(key, 80))
    def nrm(shape, scale=0.05):
        return jax.random.normal(next(keys), shape, dtype=jnp.float32) * scale
    x = jax.random.normal(next(keys), (N_NODES, 9), dtype=jnp.float32)
    edge_index = jax.random.randint(next(keys), (2, E_EDGES), 0, N_NODES, dtype=jnp.int32)
    edge_attr = jax.random.normal(next(keys), (E_EDGES, 8), dtype=jnp.float32)
    def ones(n):
        return jnp.ones((n,), dtype=jnp.float32)
    def zeros(n):
        return jnp.zeros((n,), dtype=jnp.float32)
    params = {
        'emb_w0': nrm((9, 32)), 'emb_b0': zeros(32), 'emb_g0': ones(32), 'emb_be0': zeros(32),
        'emb_w1': nrm((32, 64)), 'emb_b1': zeros(64), 'emb_g1': ones(64), 'emb_be1': zeros(64),
        'c1_w1': nrm((8, 32)), 'c1_b1': zeros(32), 'c1_w2': nrm((32, 64 * 128)), 'c1_b2': zeros(64 * 128),
        'c1_root': nrm((64, 128)), 'c1_bias': zeros(128),
        'n1_g': ones(128), 'n1_be': zeros(128),
        'c2_w1': nrm((8, 32)), 'c2_b1': zeros(32), 'c2_w2': nrm((32, 128 * 32)), 'c2_b2': zeros(128 * 32),
        'c2_root': nrm((128, 32)), 'c2_bias': zeros(32),
        'n2_g': ones(32), 'n2_be': zeros(32),
        'layers': [
            {'wqkv': nrm((32, 96)), 'bqkv': zeros(96), 'wo': nrm((32, 32)), 'bo': zeros(32),
             'g1': ones(32), 'be1': zeros(32), 'w1': nrm((32, 64)), 'b1': zeros(64),
             'w2': nrm((64, 32)), 'b2': zeros(32), 'g2': ones(32), 'be2': zeros(32)}
            for _ in range(2)],
        'fc_w': nrm((32, 32)), 'fc_b': zeros(32),
        'out_w': nrm((32, 7)), 'out_b': zeros(7),
    }
    return {'x': x, 'edge_index': edge_index, 'edge_attr': edge_attr, 'params': params}

def reference(x, edge_index, edge_attr, params):
    return _forward(x, edge_attr, params, edge_index)

if __name__ == "__main__":
    import jax
    _d = setup_inputs()
    print(jax.jit(kernel)(*tuple(_d.values())))

</pallas_src>

<mosaic_0001>
#map = affine_map<(d0, d1) -> (0, 0)>
#map1 = affine_map<(d0, d1) -> (0)>
#map2 = affine_map<(d0, d1) -> (0, 0, 0)>
module attributes {stable_mosaic.version = 14 : i64} {
  func.func @k(%arg0: i32, %arg1: i32, %arg2: memref<163840x128xf32, #tpu.memory_space<hbm>>, %arg3: memref<163840xi32, #tpu.memory_space<hbm>>, %arg4: memref<10240x128xf32, #tpu.memory_space<hbm>>, %arg5: memref<2x10240x128xf32, #tpu.memory_space<hbm>>, %arg6: memref<128xi32, #tpu.memory_space<vmem>>, %arg7: memref<128x128xf32, #tpu.memory_space<vmem>>, %arg8: memref<10240x128xf32, #tpu.memory_space<vmem_shared>>) attributes {dimension_semantics = [#tpu.dimension_semantics<core_parallel>, #tpu.dimension_semantics<subcore_parallel>], iteration_bounds = array<i64: 2, 16>, scalar_prefetch = 0 : i64, scratch_operands = 3 : i64, tpu.core_type = #tpu.core_type<sc_vector_subcore>, window_params = [{transform_indices = #map}, {transform_indices = #map1}, {transform_indices = #map}, {transform_indices = #map2}]} {
    %mul3A = arith.constant 2 : i32
    %mul3A_0 = arith.muli %arg1, %mul3A : i32
    %add3A = arith.addi %mul3A_0, %arg0 : i32
    %mul3A_1 = arith.constant 640 : i32
    %mul3A_2 = arith.muli %arg1, %mul3A_1 : i32
    "tpu.region"() ({
      %run_scoped3A = tpu.sem_alloc : memref<!tpu.dma_semaphore, #tpu.memory_space<semaphore_mem>>
      %dma_start3A = arith.constant 0 : i32
      %dma_start3A_11 = tpu.memref_slice %arg8[%mul3A_2, %dma_start3A] : memref<10240x128xf32, #tpu.memory_space<vmem_shared>> -> memref<640x128xf32, #tpu.memory_space<vmem_shared>>
      %dma_start3A_12 = arith.constant 0 : i32
      %dma_start3A_13 = tpu.memref_slice %arg4[%mul3A_2, %dma_start3A_12] : memref<10240x128xf32, #tpu.memory_space<hbm>> -> memref<640x128xf32, #tpu.memory_space<hbm>>
      tpu.enqueue_dma source(%dma_start3A_13 : memref<640x128xf32, #tpu.memory_space<hbm>>) target(%dma_start3A_11 : memref<640x128xf32, #tpu.memory_space<vmem_shared>>) target_semaphore(%run_scoped3A : memref<!tpu.dma_semaphore, #tpu.memory_space<semaphore_mem>>)
      %dma_wait3A = arith.constant 0 : i32
      %dma_wait3A_14 = tpu.memref_slice %arg8[%mul3A_2, %dma_wait3A] : memref<10240x128xf32, #tpu.memory_space<vmem_shared>> -> memref<640x128xf32, #tpu.memory_space<vmem_shared>>
      %dma_wait3A_15 = arith.constant 0 : i32
      %dma_wait3A_16 = tpu.memref_slice %arg4[%mul3A_2, %dma_wait3A_15] : memref<10240x128xf32, #tpu.memory_space<hbm>> -> memref<640x128xf32, #tpu.memory_space<hbm>>
      tpu.wait_dma2 semaphore(%run_scoped3A : memref<!tpu.dma_semaphore, #tpu.memory_space<semaphore_mem>>) src(%dma_wait3A_16 : memref<640x128xf32, #tpu.memory_space<hbm>>) dst(%dma_wait3A_14 : memref<640x128xf32, #tpu.memory_space<vmem_shared>>)
      tpu.yield
    }) : () -> ()
    %barrier3A = arith.constant 0 : index
    tpu.barrier barrier_id(%barrier3A)
    %mul3A_3 = arith.constant 5120 : i32
    %mul3A_4 = arith.muli %add3A, %mul3A_3 : i32
    %scan3A = arith.constant 0 : i32
    %scan3A_5 = arith.constant 0 : i32
    %scan3A_6 = arith.constant 40 : i32
    %scan3A_7 = arith.addi %scan3A_5, %scan3A_6 : i32
    %scan3A_8 = arith.constant 1 : i32
    scf.for %scan3A_11 = %scan3A_5 to %scan3A_7 step %scan3A_8  : i32 {
      %mul3A_12 = arith.constant 128 : i32
      %mul3A_13 = arith.muli %scan3A_11, %mul3A_12 : i32
      %add3A_14 = arith.addi %mul3A_4, %mul3A_13 : i32
      "tpu.region"() ({
        %run_scoped3A = tpu.sem_alloc : memref<!tpu.dma_semaphore, #tpu.memory_space<semaphore_mem>>
        %dma_start3A = tpu.memref_slice %arg3[%add3A_14] : memref<163840xi32, #tpu.memory_space<hbm>> -> memref<128xi32, #tpu.memory_space<hbm>>
        %dma_start3A_15 = tpu.memref_slice %arg3[%add3A_14] : memref<163840xi32, #tpu.memory_space<hbm>> -> memref<128xi32, #tpu.memory_space<hbm>>
        tpu.enqueue_dma source(%dma_start3A_15 : memref<128xi32, #tpu.memory_space<hbm>>) target(%arg6 : memref<128xi32, #tpu.memory_space<vmem>>) target_semaphore(%run_scoped3A : memref<!tpu.dma_semaphore, #tpu.memory_space<semaphore_mem>>)
        %dma_wait3A = tpu.memref_slice %arg3[%add3A_14] : memref<163840xi32, #tpu.memory_space<hbm>> -> memref<128xi32, #tpu.memory_space<hbm>>
        %dma_wait3A_16 = tpu.memref_slice %arg3[%add3A_14] : memref<163840xi32, #tpu.memory_space<hbm>> -> memref<128xi32, #tpu.memory_space<hbm>>
        tpu.wait_dma2 semaphore(%run_scoped3A : memref<!tpu.dma_semaphore, #tpu.memory_space<semaphore_mem>>) src(%dma_wait3A_16 : memref<128xi32, #tpu.memory_space<hbm>>) dst(%arg6 : memref<128xi32, #tpu.memory_space<vmem>>)
        tpu.yield
      }) : () -> ()
      "tpu.region"() ({
        %run_scoped3A = tpu.sem_alloc : memref<!tpu.dma_semaphore, #tpu.memory_space<semaphore_mem>>
        %dma_start3A = arith.constant 0 : i32
        %dma_start3A_15 = tpu.memref_slice %arg2[%add3A_14, %dma_start3A] : memref<163840x128xf32, #tpu.memory_space<hbm>> -> memref<128x128xf32, #tpu.memory_space<hbm>>
        %dma_start3A_16 = arith.constant 0 : i32
        %dma_start3A_17 = tpu.memref_slice %arg2[%add3A_14, %dma_start3A_16] : memref<163840x128xf32, #tpu.memory_space<hbm>> -> memref<128x128xf32, #tpu.memory_space<hbm>>
        tpu.enqueue_dma source(%dma_start3A_17 : memref<128x128xf32, #tpu.memory_space<hbm>>) target(%arg7 : memref<128x128xf32, #tpu.memory_space<vmem>>) target_semaphore(%run_scoped3A : memref<!tpu.dma_semaphore, #tpu.memory_space<semaphore_mem>>)
        %dma_wait3A = arith.constant 0 : i32
        %dma_wait3A_18 = tpu.memref_slice %arg2[%add3A_14, %dma_wait3A] : memref<163840x128xf32, #tpu.memory_space<hbm>> -> memref<128x128xf32, #tpu.memory_space<hbm>>
        %dma_wait3A_19 = arith.constant 0 : i32
        %dma_wait3A_20 = tpu.memref_slice %arg2[%add3A_14, %dma_wait3A_19] : memref<163840x128xf32, #tpu.memory_space<hbm>> -> memref<128x128xf32, #tpu.memory_space<hbm>>
        tpu.wait_dma2 semaphore(%run_scoped3A : memref<!tpu.dma_semaphore, #tpu.memory_space<semaphore_mem>>) src(%dma_wait3A_20 : memref<128x128xf32, #tpu.memory_space<hbm>>) dst(%arg7 : memref<128x128xf32, #tpu.memory_space<vmem>>)
        tpu.yield
      }) : () -> ()
      "tpu.region"() ({
        %run_scoped3A = tpu.sem_alloc : memref<!tpu.dma_semaphore, #tpu.memory_space<semaphore_mem>>
        %dma_start3A = arith.constant 0 : i32
        %dma_start3A_15 = arith.constant 0 : i32
        %dma_start3A_16 = tpu.memref_slice %arg8[%dma_start3A, %dma_start3A_15] : memref<10240x128xf32, #tpu.memory_space<vmem_shared>> -> memref<10240x128xf32, #tpu.memory_space<vmem_shared>>
        tpu.enqueue_indirect_dma source(%arg7 : memref<128x128xf32, #tpu.memory_space<vmem>>) target(%dma_start3A_16 : memref<10240x128xf32, #tpu.memory_space<vmem_shared>>) offsets(%arg6 : memref<128xi32, #tpu.memory_space<vmem>>) semaphore(%run_scoped3A : memref<!tpu.dma_semaphore, #tpu.memory_space<semaphore_mem>>) {add = true}
        %dma_wait3A = arith.constant 0 : i32
        %dma_wait3A_17 = arith.constant 0 : i32
        %dma_wait3A_18 = tpu.memref_slice %arg8[%dma_wait3A, %dma_wait3A_17] : memref<10240x128xf32, #tpu.memory_space<vmem_shared>> -> memref<10240x128xf32, #tpu.memory_space<vmem_shared>>
        tpu.wait_indirect_dma semaphore(%run_scoped3A : memref<!tpu.dma_semaphore, #tpu.memory_space<semaphore_mem>>) src(%arg7 : memref<128x128xf32, #tpu.memory_space<vmem>>) dst(%dma_wait3A_18 : memref<10240x128xf32, #tpu.memory_space<vmem_shared>>)
        tpu.yield
      }) : () -> ()
    }
    %scan3A_9 = arith.constant 40 : i32
    %barrier3A_10 = arith.constant 0 : index
    tpu.barrier barrier_id(%barrier3A_10)
    "tpu.region"() ({
      %run_scoped3A = tpu.sem_alloc : memref<!tpu.dma_semaphore, #tpu.memory_space<semaphore_mem>>
      %dma_start3A = arith.constant 0 : i32
      %dma_start3A_11 = tpu.memref_slice %arg5[%arg0, %mul3A_2, %dma_start3A] : memref<2x10240x128xf32, #tpu.memory_space<hbm>> -> memref<1x640x128xf32, #tpu.memory_space<hbm>>
      %dma_start3A_12 = tpu.memref_squeeze %dma_start3A_11 : memref<1x640x128xf32, #tpu.memory_space<hbm>> -> memref<640x128xf32, #tpu.memory_space<hbm>>
      %dma_start3A_13 = arith.constant 0 : i32
      %dma_start3A_14 = tpu.memref_slice %arg8[%mul3A_2, %dma_start3A_13] : memref<10240x128xf32, #tpu.memory_space<vmem_shared>> -> memref<640x128xf32, #tpu.memory_space<vmem_shared>>
      tpu.enqueue_dma source(%dma_start3A_14 : memref<640x128xf32, #tpu.memory_space<vmem_shared>>) target(%dma_start3A_12 : memref<640x128xf32, #tpu.memory_space<hbm>>) target_semaphore(%run_scoped3A : memref<!tpu.dma_semaphore, #tpu.memory_space<semaphore_mem>>)
      %dma_wait3A = arith.constant 0 : i32
      %dma_wait3A_15 = tpu.memref_slice %arg5[%arg0, %mul3A_2, %dma_wait3A] : memref<2x10240x128xf32, #tpu.memory_space<hbm>> -> memref<1x640x128xf32, #tpu.memory_space<hbm>>
      %dma_wait3A_16 = tpu.memref_squeeze %dma_wait3A_15 : memref<1x640x128xf32, #tpu.memory_space<hbm>> -> memref<640x128xf32, #tpu.memory_space<hbm>>
      %dma_wait3A_17 = arith.constant 0 : i32
      %dma_wait3A_18 = tpu.memref_slice %arg8[%mul3A_2, %dma_wait3A_17] : memref<10240x128xf32, #tpu.memory_space<vmem_shared>> -> memref<640x128xf32, #tpu.memory_space<vmem_shared>>
      tpu.wait_dma2 semaphore(%run_scoped3A : memref<!tpu.dma_semaphore, #tpu.memory_space<semaphore_mem>>) src(%dma_wait3A_18 : memref<640x128xf32, #tpu.memory_space<vmem_shared>>) dst(%dma_wait3A_16 : memref<640x128xf32, #tpu.memory_space<hbm>>)
      tpu.yield
    }) : () -> ()
    return
  }
}

#map = affine_map<(d0, d1) -> (0, 0)>
#map1 = affine_map<(d0, d1) -> (0)>
#map2 = affine_map<(d0, d1) -> (0, 0, 0)>
module attributes {stable_mosaic.version = 14 : i64} {
  func.func @k(%arg0: i32, %arg1: i32, %arg2: memref<163840x128xf32, #tpu.memory_space<hbm>>, %arg3: memref<163840xi32, #tpu.memory_space<hbm>>, %arg4: memref<10240x128xf32, #tpu.memory_space<hbm>>, %arg5: memref<2x10240x128xf32, #tpu.memory_space<hbm>>, %arg6: memref<128xi32, #tpu.memory_space<vmem>>, %arg7: memref<128x128xf32, #tpu.memory_space<vmem>>, %arg8: memref<10240x128xf32, #tpu.memory_space<vmem_shared>>) attributes {dimension_semantics = [#tpu.dimension_semantics<core_parallel>, #tpu.dimension_semantics<subcore_parallel>], iteration_bounds = array<i64: 2, 16>, scalar_prefetch = 0 : i64, scratch_operands = 3 : i64, tpu.core_type = #tpu.core_type<sc_vector_subcore>, window_params = [{transform_indices = #map}, {transform_indices = #map1}, {transform_indices = #map}, {transform_indices = #map2}]} {
    %mul3A = arith.constant 2 : i32
    %mul3A_0 = arith.muli %arg1, %mul3A : i32
    %add3A = arith.addi %mul3A_0, %arg0 : i32
    %mul3A_1 = arith.constant 640 : i32
    %mul3A_2 = arith.muli %arg1, %mul3A_1 : i32
    "tpu.region"() ({
      %run_scoped3A = tpu.sem_alloc : memref<!tpu.dma_semaphore, #tpu.memory_space<semaphore_mem>>
      %dma_start3A = arith.constant 0 : i32
      %dma_start3A_11 = tpu.memref_slice %arg8[%mul3A_2, %dma_start3A] : memref<10240x128xf32, #tpu.memory_space<vmem_shared>> -> memref<640x128xf32, #tpu.memory_space<vmem_shared>>
      %dma_start3A_12 = arith.constant 0 : i32
      %dma_start3A_13 = tpu.memref_slice %arg4[%mul3A_2, %dma_start3A_12] : memref<10240x128xf32, #tpu.memory_space<hbm>> -> memref<640x128xf32, #tpu.memory_space<hbm>>
      tpu.enqueue_dma source(%dma_start3A_13 : memref<640x128xf32, #tpu.memory_space<hbm>>) target(%dma_start3A_11 : memref<640x128xf32, #tpu.memory_space<vmem_shared>>) target_semaphore(%run_scoped3A : memref<!tpu.dma_semaphore, #tpu.memory_space<semaphore_mem>>)
      %dma_wait3A = arith.constant 0 : i32
      %dma_wait3A_14 = tpu.memref_slice %arg8[%mul3A_2, %dma_wait3A] : memref<10240x128xf32, #tpu.memory_space<vmem_shared>> -> memref<640x128xf32, #tpu.memory_space<vmem_shared>>
      %dma_wait3A_15 = arith.constant 0 : i32
      %dma_wait3A_16 = tpu.memref_slice %arg4[%mul3A_2, %dma_wait3A_15] : memref<10240x128xf32, #tpu.memory_space<hbm>> -> memref<640x128xf32, #tpu.memory_space<hbm>>
      tpu.wait_dma2 semaphore(%run_scoped3A : memref<!tpu.dma_semaphore, #tpu.memory_space<semaphore_mem>>) src(%dma_wait3A_16 : memref<640x128xf32, #tpu.memory_space<hbm>>) dst(%dma_wait3A_14 : memref<640x128xf32, #tpu.memory_space<vmem_shared>>)
      tpu.yield
    }) : () -> ()
    %barrier3A = arith.constant 0 : index
    tpu.barrier barrier_id(%barrier3A)
    %mul3A_3 = arith.constant 5120 : i32
    %mul3A_4 = arith.muli %add3A, %mul3A_3 : i32
    %scan3A = arith.constant 0 : i32
    %scan3A_5 = arith.constant 0 : i32
    %scan3A_6 = arith.constant 40 : i32
    %scan3A_7 = arith.addi %scan3A_5, %scan3A_6 : i32
    %scan3A_8 = arith.constant 1 : i32
    scf.for %scan3A_11 = %scan3A_5 to %scan3A_7 step %scan3A_8  : i32 {
      %mul3A_12 = arith.constant 128 : i32
      %mul3A_13 = arith.muli %scan3A_11, %mul3A_12 : i32
      %add3A_14 = arith.addi %mul3A_4, %mul3A_13 : i32
      "tpu.region"() ({
        %run_scoped3A = tpu.sem_alloc : memref<!tpu.dma_semaphore, #tpu.memory_space<semaphore_mem>>
        %dma_start3A = tpu.memref_slice %arg3[%add3A_14] : memref<163840xi32, #tpu.memory_space<hbm>> -> memref<128xi32, #tpu.memory_space<hbm>>
        %dma_start3A_15 = tpu.memref_slice %arg3[%add3A_14] : memref<163840xi32, #tpu.memory_space<hbm>> -> memref<128xi32, #tpu.memory_space<hbm>>
        tpu.enqueue_dma source(%dma_start3A_15 : memref<128xi32, #tpu.memory_space<hbm>>) target(%arg6 : memref<128xi32, #tpu.memory_space<vmem>>) target_semaphore(%run_scoped3A : memref<!tpu.dma_semaphore, #tpu.memory_space<semaphore_mem>>)
        %dma_wait3A = tpu.memref_slice %arg3[%add3A_14] : memref<163840xi32, #tpu.memory_space<hbm>> -> memref<128xi32, #tpu.memory_space<hbm>>
        %dma_wait3A_16 = tpu.memref_slice %arg3[%add3A_14] : memref<163840xi32, #tpu.memory_space<hbm>> -> memref<128xi32, #tpu.memory_space<hbm>>
        tpu.wait_dma2 semaphore(%run_scoped3A : memref<!tpu.dma_semaphore, #tpu.memory_space<semaphore_mem>>) src(%dma_wait3A_16 : memref<128xi32, #tpu.memory_space<hbm>>) dst(%arg6 : memref<128xi32, #tpu.memory_space<vmem>>)
        tpu.yield
      }) : () -> ()
      "tpu.region"() ({
        %run_scoped3A = tpu.sem_alloc : memref<!tpu.dma_semaphore, #tpu.memory_space<semaphore_mem>>
        %dma_start3A = arith.constant 0 : i32
        %dma_start3A_15 = tpu.memref_slice %arg2[%add3A_14, %dma_start3A] : memref<163840x128xf32, #tpu.memory_space<hbm>> -> memref<128x128xf32, #tpu.memory_space<hbm>>
        %dma_start3A_16 = arith.constant 0 : i32
        %dma_start3A_17 = tpu.memref_slice %arg2[%add3A_14, %dma_start3A_16] : memref<163840x128xf32, #tpu.memory_space<hbm>> -> memref<128x128xf32, #tpu.memory_space<hbm>>
        tpu.enqueue_dma source(%dma_start3A_17 : memref<128x128xf32, #tpu.memory_space<hbm>>) target(%arg7 : memref<128x128xf32, #tpu.memory_space<vmem>>) target_semaphore(%run_scoped3A : memref<!tpu.dma_semaphore, #tpu.memory_space<semaphore_mem>>)
        %dma_wait3A = arith.constant 0 : i32
        %dma_wait3A_18 = tpu.memref_slice %arg2[%add3A_14, %dma_wait3A] : memref<163840x128xf32, #tpu.memory_space<hbm>> -> memref<128x128xf32, #tpu.memory_space<hbm>>
        %dma_wait3A_19 = arith.constant 0 : i32
        %dma_wait3A_20 = tpu.memref_slice %arg2[%add3A_14, %dma_wait3A_19] : memref<163840x128xf32, #tpu.memory_space<hbm>> -> memref<128x128xf32, #tpu.memory_space<hbm>>
        tpu.wait_dma2 semaphore(%run_scoped3A : memref<!tpu.dma_semaphore, #tpu.memory_space<semaphore_mem>>) src(%dma_wait3A_20 : memref<128x128xf32, #tpu.memory_space<hbm>>) dst(%arg7 : memref<128x128xf32, #tpu.memory_space<vmem>>)
        tpu.yield
      }) : () -> ()
      "tpu.region"() ({
        %run_scoped3A = tpu.sem_alloc : memref<!tpu.dma_semaphore, #tpu.memory_space<semaphore_mem>>
        %dma_start3A = arith.constant 0 : i32
        %dma_start3A_15 = arith.constant 0 : i32
        %dma_start3A_16 = tpu.memref_slice %arg8[%dma_start3A, %dma_start3A_15] : memref<10240x128xf32, #tpu.memory_space<vmem_shared>> -> memref<10240x128xf32, #tpu.memory_space<vmem_shared>>
        tpu.enqueue_indirect_dma source(%arg7 : memref<128x128xf32, #tpu.memory_space<vmem>>) target(%dma_start3A_16 : memref<10240x128xf32, #tpu.memory_space<vmem_shared>>) offsets(%arg6 : memref<128xi32, #tpu.memory_space<vmem>>) semaphore(%run_scoped3A : memref<!tpu.dma_semaphore, #tpu.memory_space<semaphore_mem>>) {add = true}
        %dma_wait3A = arith.constant 0 : i32
        %dma_wait3A_17 = arith.constant 0 : i32
        %dma_wait3A_18 = tpu.memref_slice %arg8[%dma_wait3A, %dma_wait3A_17] : memref<10240x128xf32, #tpu.memory_space<vmem_shared>> -> memref<10240x128xf32, #tpu.memory_space<vmem_shared>>
        tpu.wait_indirect_dma semaphore(%run_scoped3A : memref<!tpu.dma_semaphore, #tpu.memory_space<semaphore_mem>>) src(%arg7 : memref<128x128xf32, #tpu.memory_space<vmem>>) dst(%dma_wait3A_18 : memref<10240x128xf32, #tpu.memory_space<vmem_shared>>)
        tpu.yield
      }) : () -> ()
    }
    %scan3A_9 = arith.constant 40 : i32
    %barrier3A_10 = arith.constant 0 : index
    tpu.barrier barrier_id(%barrier3A_10)
    "tpu.region"() ({
      %run_scoped3A = tpu.sem_alloc : memref<!tpu.dma_semaphore, #tpu.memory_space<semaphore_mem>>
      %dma_start3A = arith.constant 0 : i32
      %dma_start3A_11 = tpu.memref_slice %arg5[%arg0, %mul3A_2, %dma_start3A] : memref<2x10240x128xf32, #tpu.memory_space<hbm>> -> memref<1x640x128xf32, #tpu.memory_space<hbm>>
      %dma_start3A_12 = tpu.memref_squeeze %dma_start3A_11 : memref<1x640x128xf32, #tpu.memory_space<hbm>> -> memref<640x128xf32, #tpu.memory_space<hbm>>
      %dma_start3A_13 = arith.constant 0 : i32
      %dma_start3A_14 = tpu.memref_slice %arg8[%mul3A_2, %dma_start3A_13] : memref<10240x128xf32, #tpu.memory_space<vmem_shared>> -> memref<640x128xf32, #tpu.memory_space<vmem_shared>>
      tpu.enqueue_dma source(%dma_start3A_14 : memref<640x128xf32, #tpu.memory_space<vmem_shared>>) target(%dma_start3A_12 : memref<640x128xf32, #tpu.memory_space<hbm>>) target_semaphore(%run_scoped3A : memref<!tpu.dma_semaphore, #tpu.memory_space<semaphore_mem>>)
      %dma_wait3A = arith.constant 0 : i32
      %dma_wait3A_15 = tpu.memref_slice %arg5[%arg0, %mul3A_2, %dma_wait3A] : memref<2x10240x128xf32, #tpu.memory_space<hbm>> -> memref<1x640x128xf32, #tpu.memory_space<hbm>>
      %dma_wait3A_16 = tpu.memref_squeeze %dma_wait3A_15 : memref<1x640x128xf32, #tpu.memory_space<hbm>> -> memref<640x128xf32, #tpu.memory_space<hbm>>
      %dma_wait3A_17 = arith.constant 0 : i32
      %dma_wait3A_18 = tpu.memref_slice %arg8[%mul3A_2, %dma_wait3A_17] : memref<10240x128xf32, #tpu.memory_space<vmem_shared>> -> memref<640x128xf32, #tpu.memory_space<vmem_shared>>
      tpu.wait_dma2 semaphore(%run_scoped3A : memref<!tpu.dma_semaphore, #tpu.memory_space<semaphore_mem>>) src(%dma_wait3A_18 : memref<640x128xf32, #tpu.memory_space<vmem_shared>>) dst(%dma_wait3A_16 : memref<640x128xf32, #tpu.memory_space<hbm>>)
      tpu.yield
    }) : () -> ()
    return
  }
}

#map = affine_map<(d0, d1) -> (0, 0)>
#map1 = affine_map<(d0, d1) -> (0)>
module attributes {stable_mosaic.version = 14 : i64} {
  func.func @k(%arg0: i32, %arg1: i32, %arg2: memref<10240x128xf32, #tpu.memory_space<hbm>>, %arg3: memref<163840xi32, #tpu.memory_space<hbm>>, %arg4: memref<163840x128xf32, #tpu.memory_space<hbm>>, %arg5: memref<512xi32, #tpu.memory_space<vmem>>, %arg6: memref<512x128xf32, #tpu.memory_space<vmem>>, %arg7: memref<!tpu.dma_semaphore, #tpu.memory_space<semaphore_mem>>) attributes {dimension_semantics = [#tpu.dimension_semantics<core_parallel>, #tpu.dimension_semantics<subcore_parallel>], iteration_bounds = array<i64: 2, 16>, scalar_prefetch = 0 : i64, scratch_operands = 3 : i64, tpu.core_type = #tpu.core_type<sc_vector_subcore>, window_params = [{transform_indices = #map}, {transform_indices = #map1}, {transform_indices = #map}]} {
    %mul3A = arith.constant 2 : i32
    %mul3A_0 = arith.muli %arg1, %mul3A : i32
    %add3A = arith.addi %mul3A_0, %arg0 : i32
    %mul3A_1 = arith.constant 5120 : i32
    %mul3A_2 = arith.muli %add3A, %mul3A_1 : i32
    %scan3A = arith.constant 0 : i32
    %scan3A_3 = arith.constant 0 : i32
    %scan3A_4 = arith.constant 10 : i32
    %scan3A_5 = arith.addi %scan3A_3, %scan3A_4 : i32
    %scan3A_6 = arith.constant 1 : i32
    scf.for %scan3A_8 = %scan3A_3 to %scan3A_5 step %scan3A_6  : i32 {
      %mul3A_9 = arith.constant 512 : i32
      %mul3A_10 = arith.muli %scan3A_8, %mul3A_9 : i32
      %add3A_11 = arith.addi %mul3A_2, %mul3A_10 : i32
      "tpu.region"() ({
        %run_scoped3A = tpu.sem_alloc : memref<!tpu.dma_semaphore, #tpu.memory_space<semaphore_mem>>
        %dma_start3A_74 = tpu.memref_slice %arg3[%add3A_11] : memref<163840xi32, #tpu.memory_space<hbm>> -> memref<512xi32, #tpu.memory_space<hbm>>
        %dma_start3A_75 = tpu.memref_slice %arg3[%add3A_11] : memref<163840xi32, #tpu.memory_space<hbm>> -> memref<512xi32, #tpu.memory_space<hbm>>
        tpu.enqueue_dma source(%dma_start3A_75 : memref<512xi32, #tpu.memory_space<hbm>>) target(%arg5 : memref<512xi32, #tpu.memory_space<vmem>>) target_semaphore(%run_scoped3A : memref<!tpu.dma_semaphore, #tpu.memory_space<semaphore_mem>>)
        %dma_wait3A_76 = tpu.memref_slice %arg3[%add3A_11] : memref<163840xi32, #tpu.memory_space<hbm>> -> memref<512xi32, #tpu.memory_space<hbm>>
        %dma_wait3A_77 = tpu.memref_slice %arg3[%add3A_11] : memref<163840xi32, #tpu.memory_space<hbm>> -> memref<512xi32, #tpu.memory_space<hbm>>
        tpu.wait_dma2 semaphore(%run_scoped3A : memref<!tpu.dma_semaphore, #tpu.memory_space<semaphore_mem>>) src(%dma_wait3A_77 : memref<512xi32, #tpu.memory_space<hbm>>) dst(%arg5 : memref<512xi32, #tpu.memory_space<vmem>>)
        tpu.yield
      }) : () -> ()
      %dma_start3A = arith.constant 0 : i32
      %dma_start3A_12 = arith.constant 0 : i32
      %dma_start3A_13 = tpu.memref_slice %arg6[%dma_start3A, %dma_start3A_12] : memref<512x128xf32, #tpu.memory_space<vmem>> -> memref<128x128xf32, #tpu.memory_space<vmem>>
      %dma_start3A_14 = arith.constant 0 : i32
      %dma_start3A_15 = tpu.memref_slice %arg5[%dma_start3A_14] : memref<512xi32, #tpu.memory_space<vmem>> -> memref<128xi32, #tpu.memory_space<vmem>>
      %dma_start3A_16 = arith.constant 0 : i32
      %dma_start3A_17 = arith.constant 0 : i32
      %dma_start3A_18 = tpu.memref_slice %arg2[%dma_start3A_16, %dma_start3A_17] : memref<10240x128xf32, #tpu.memory_space<hbm>> -> memref<10240x128xf32, #tpu.memory_space<hbm>>
      tpu.enqueue_indirect_dma source(%dma_start3A_18 : memref<10240x128xf32, #tpu.memory_space<hbm>>) target(%dma_start3A_13 : memref<128x128xf32, #tpu.memory_space<vmem>>) offsets(%dma_start3A_15 : memref<128xi32, #tpu.memory_space<vmem>>) semaphore(%arg7 : memref<!tpu.dma_semaphore, #tpu.memory_space<semaphore_mem>>)
      %dma_start3A_19 = arith.constant 128 : i32
      %dma_start3A_20 = arith.constant 0 : i32
      %dma_start3A_21 = tpu.memref_slice %arg6[%dma_start3A_19, %dma_start3A_20] : memref<512x128xf32, #tpu.memory_space<vmem>> -> memref<128x128xf32, #tpu.memory_space<vmem>>
      %dma_start3A_22 = arith.constant 128 : i32
      %dma_start3A_23 = tpu.memref_slice %arg5[%dma_start3A_22] : memref<512xi32, #tpu.memory_space<vmem>> -> memref<128xi32, #tpu.memory_space<vmem>>
      %dma_start3A_24 = arith.constant 0 : i32
      %dma_start3A_25 = arith.constant 0 : i32
      %dma_start3A_26 = tpu.memref_slice %arg2[%dma_start3A_24, %dma_start3A_25] : memref<10240x128xf32, #tpu.memory_space<hbm>> -> memref<10240x128xf32, #tpu.memory_space<hbm>>
      tpu.enqueue_indirect_dma source(%dma_start3A_26 : memref<10240x128xf32, #tpu.memory_space<hbm>>) target(%dma_start3A_21 : memref<128x128xf32, #tpu.memory_space<vmem>>) offsets(%dma_start3A_23 : memref<128xi32, #tpu.memory_space<vmem>>) semaphore(%arg7 : memref<!tpu.dma_semaphore, #tpu.memory_space<semaphore_mem>>)
      %dma_start3A_27 = arith.constant 256 : i32
      %dma_start3A_28 = arith.constant 0 : i32
      %dma_start3A_29 = tpu.memref_slice %arg6[%dma_start3A_27, %dma_start3A_28] : memref<512x128xf32, #tpu.memory_space<vmem>> -> memref<128x128xf32, #tpu.memory_space<vmem>>
      %dma_start3A_30 = arith.constant 256 : i32
      %dma_start3A_31 = tpu.memref_slice %arg5[%dma_start3A_30] : memref<512xi32, #tpu.memory_space<vmem>> -> memref<128xi32, #tpu.memory_space<vmem>>
      %dma_start3A_32 = arith.constant 0 : i32
      %dma_start3A_33 = arith.constant 0 : i32
      %dma_start3A_34 = tpu.memref_slice %arg2[%dma_start3A_32, %dma_start3A_33] : memref<10240x128xf32, #tpu.memory_space<hbm>> -> memref<10240x128xf32, #tpu.memory_space<hbm>>
      tpu.enqueue_indirect_dma source(%dma_start3A_34 : memref<10240x128xf32, #tpu.memory_space<hbm>>) target(%dma_start3A_29 : memref<128x128xf32, #tpu.memory_space<vmem>>) offsets(%dma_start3A_31 : memref<128xi32, #tpu.memory_space<vmem>>) semaphore(%arg7 : memref<!tpu.dma_semaphore, #tpu.memory_space<semaphore_mem>>)
      %dma_start3A_35 = arith.constant 384 : i32
      %dma_start3A_36 = arith.constant 0 : i32
      %dma_start3A_37 = tpu.memref_slice %arg6[%dma_start3A_35, %dma_start3A_36] : memref<512x128xf32, #tpu.memory_space<vmem>> -> memref<128x128xf32, #tpu.memory_space<vmem>>
      %dma_start3A_38 = arith.constant 384 : i32
      %dma_start3A_39 = tpu.memref_slice %arg5[%dma_start3A_38] : memref<512xi32, #tpu.memory_space<vmem>> -> memref<128xi32, #tpu.memory_space<vmem>>
      %dma_start3A_40 = arith.constant 0 : i32
      %dma_start3A_41 = arith.constant 0 : i32
      %dma_start3A_42 = tpu.memref_slice %arg2[%dma_start3A_40, %dma_start3A_41] : memref<10240x128xf32, #tpu.memory_space<hbm>> -> memref<10240x128xf32, #tpu.memory_space<hbm>>
      tpu.enqueue_indirect_dma source(%dma_start3A_42 : memref<10240x128xf32, #tpu.memory_space<hbm>>) target(%dma_start3A_37 : memref<128x128xf32, #tpu.memory_space<vmem>>) offsets(%dma_start3A_39 : memref<128xi32, #tpu.memory_space<vmem>>) semaphore(%arg7 : memref<!tpu.dma_semaphore, #tpu.memory_space<semaphore_mem>>)
      %dma_wait3A = arith.constant 0 : i32
      %dma_wait3A_43 = arith.constant 0 : i32
      %dma_wait3A_44 = tpu.memref_slice %arg6[%dma_wait3A, %dma_wait3A_43] : memref<512x128xf32, #tpu.memory_space<vmem>> -> memref<128x128xf32, #tpu.memory_space<vmem>>
      %dma_wait3A_45 = arith.constant 0 : i32
      %dma_wait3A_46 = tpu.memref_slice %arg5[%dma_wait3A_45] : memref<512xi32, #tpu.memory_space<vmem>> -> memref<128xi32, #tpu.memory_space<vmem>>
      %dma_wait3A_47 = arith.constant 0 : i32
      %dma_wait3A_48 = arith.constant 0 : i32
      %dma_wait3A_49 = tpu.memref_slice %arg2[%dma_wait3A_47, %dma_wait3A_48] : memref<10240x128xf32, #tpu.memory_space<hbm>> -> memref<10240x128xf32, #tpu.memory_space<hbm>>
      tpu.wait_indirect_dma semaphore(%arg7 : memref<!tpu.dma_semaphore, #tpu.memory_space<semaphore_mem>>) src(%dma_wait3A_49 : memref<10240x128xf32, #tpu.memory_space<hbm>>) dst(%dma_wait3A_44 : memref<128x128xf32, #tpu.memory_space<vmem>>)
      %dma_wait3A_50 = arith.constant 128 : i32
      %dma_wait3A_51 = arith.constant 0 : i32
      %dma_wait3A_52 = tpu.memref_slice %arg6[%dma_wait3A_50, %dma_wait3A_51] : memref<512x128xf32, #tpu.memory_space<vmem>> -> memref<128x128xf32, #tpu.memory_space<vmem>>
      %dma_wait3A_53 = arith.constant 128 : i32
      %dma_wait3A_54 = tpu.memref_slice %arg5[%dma_wait3A_53] : memref<512xi32, #tpu.memory_space<vmem>> -> memref<128xi32, #tpu.memory_space<vmem>>
      %dma_wait3A_55 = arith.constant 0 : i32
      %dma_wait3A_56 = arith.constant 0 : i32
      %dma_wait3A_57 = tpu.memref_slice %arg2[%dma_wait3A_55, %dma_wait3A_56] : memref<10240x128xf32, #tpu.memory_space<hbm>> -> memref<10240x128xf32, #tpu.memory_space<hbm>>
      tpu.wait_indirect_dma semaphore(%arg7 : memref<!tpu.dma_semaphore, #tpu.memory_space<semaphore_mem>>) src(%dma_wait3A_57 : memref<10240x128xf32, #tpu.memory_space<hbm>>) dst(%dma_wait3A_52 : memref<128x128xf32, #tpu.memory_space<vmem>>)
      %dma_wait3A_58 = arith.constant 256 : i32
      %dma_wait3A_59 = arith.constant 0 : i32
      %dma_wait3A_60 = tpu.memref_slice %arg6[%dma_wait3A_58, %dma_wait3A_59] : memref<512x128xf32, #tpu.memory_space<vmem>> -> memref<128x128xf32, #tpu.memory_space<vmem>>
      %dma_wait3A_61 = arith.constant 256 : i32
      %dma_wait3A_62 = tpu.memref_slice %arg5[%dma_wait3A_61] : memref<512xi32, #tpu.memory_space<vmem>> -> memref<128xi32, #tpu.memory_space<vmem>>
      %dma_wait3A_63 = arith.constant 0 : i32
      %dma_wait3A_64 = arith.constant 0 : i32
      %dma_wait3A_65 = tpu.memref_slice %arg2[%dma_wait3A_63, %dma_wait3A_64] : memref<10240x128xf32, #tpu.memory_space<hbm>> -> memref<10240x128xf32, #tpu.memory_space<hbm>>
      tpu.wait_indirect_dma semaphore(%arg7 : memref<!tpu.dma_semaphore, #tpu.memory_space<semaphore_mem>>) src(%dma_wait3A_65 : memref<10240x128xf32, #tpu.memory_space<hbm>>) dst(%dma_wait3A_60 : memref<128x128xf32, #tpu.memory_space<vmem>>)
      %dma_wait3A_66 = arith.constant 384 : i32
      %dma_wait3A_67 = arith.constant 0 : i32
      %dma_wait3A_68 = tpu.memref_slice %arg6[%dma_wait3A_66, %dma_wait3A_67] : memref<512x128xf32, #tpu.memory_space<vmem>> -> memref<128x128xf32, #tpu.memory_space<vmem>>
      %dma_wait3A_69 = arith.constant 384 : i32
      %dma_wait3A_70 = tpu.memref_slice %arg5[%dma_wait3A_69] : memref<512xi32, #tpu.memory_space<vmem>> -> memref<128xi32, #tpu.memory_space<vmem>>
      %dma_wait3A_71 = arith.constant 0 : i32
      %dma_wait3A_72 = arith.constant 0 : i32
      %dma_wait3A_73 = tpu.memref_slice %arg2[%dma_wait3A_71, %dma_wait3A_72] : memref<10240x128xf32, #tpu.memory_space<hbm>> -> memref<10240x128xf32, #tpu.memory_space<hbm>>
      tpu.wait_indirect_dma semaphore(%arg7 : memref<!tpu.dma_semaphore, #tpu.memory_space<semaphore_mem>>) src(%dma_wait3A_73 : memref<10240x128xf32, #tpu.memory_space<hbm>>) dst(%dma_wait3A_68 : memref<128x128xf32, #tpu.memory_space<vmem>>)
      "tpu.region"() ({
        %run_scoped3A = tpu.sem_alloc : memref<!tpu.dma_semaphore, #tpu.memory_space<semaphore_mem>>
        %dma_start3A_74 = arith.constant 0 : i32
        %dma_start3A_75 = tpu.memref_slice %arg4[%add3A_11, %dma_start3A_74] : memref<163840x128xf32, #tpu.memory_space<hbm>> -> memref<512x128xf32, #tpu.memory_space<hbm>>
        %dma_start3A_76 = arith.constant 0 : i32
        %dma_start3A_77 = tpu.memref_slice %arg4[%add3A_11, %dma_start3A_76] : memref<163840x128xf32, #tpu.memory_space<hbm>> -> memref<512x128xf32, #tpu.memory_space<hbm>>
        tpu.enqueue_dma source(%arg6 : memref<512x128xf32, #tpu.memory_space<vmem>>) target(%dma_start3A_77 : memref<512x128xf32, #tpu.memory_space<hbm>>) target_semaphore(%run_scoped3A : memref<!tpu.dma_semaphore, #tpu.memory_space<semaphore_mem>>)
        %dma_wait3A_78 = arith.constant 0 : i32
        %dma_wait3A_79 = tpu.memref_slice %arg4[%add3A_11, %dma_wait3A_78] : memref<163840x128xf32, #tpu.memory_space<hbm>> -> memref<512x128xf32, #tpu.memory_space<hbm>>
        %dma_wait3A_80 = arith.constant 0 : i32
        %dma_wait3A_81 = tpu.memref_slice %arg4[%add3A_11, %dma_wait3A_80] : memref<163840x128xf32, #tpu.memory_space<hbm>> -> memref<512x128xf32, #tpu.memory_space<hbm>>
        tpu.wait_dma2 semaphore(%run_scoped3A : memref<!tpu.dma_semaphore, #tpu.memory_space<semaphore_mem>>) src(%arg6 : memref<512x128xf32, #tpu.memory_space<vmem>>) dst(%dma_wait3A_81 : memref<512x128xf32, #tpu.memory_space<hbm>>)
        tpu.yield
      }) : () -> ()
    }
    %scan3A_7 = arith.constant 10 : i32
    return
  }
}

#map = affine_map<(d0, d1) -> (0, 0)>
#map1 = affine_map<(d0, d1) -> (0)>
module attributes {stable_mosaic.version = 14 : i64} {
  func.func @k(%arg0: i32, %arg1: i32, %arg2: memref<10240x128xf32, #tpu.memory_space<hbm>>, %arg3: memref<163840xi32, #tpu.memory_space<hbm>>, %arg4: memref<163840x128xf32, #tpu.memory_space<hbm>>, %arg5: memref<512xi32, #tpu.memory_space<vmem>>, %arg6: memref<512x128xf32, #tpu.memory_space<vmem>>, %arg7: memref<!tpu.dma_semaphore, #tpu.memory_space<semaphore_mem>>) attributes {dimension_semantics = [#tpu.dimension_semantics<core_parallel>, #tpu.dimension_semantics<subcore_parallel>], iteration_bounds = array<i64: 2, 16>, scalar_prefetch = 0 : i64, scratch_operands = 3 : i64, tpu.core_type = #tpu.core_type<sc_vector_subcore>, window_params = [{transform_indices = #map}, {transform_indices = #map1}, {transform_indices = #map}]} {
    %mul3A = arith.constant 2 : i32
    %mul3A_0 = arith.muli %arg1, %mul3A : i32
    %add3A = arith.addi %mul3A_0, %arg0 : i32
    %mul3A_1 = arith.constant 5120 : i32
    %mul3A_2 = arith.muli %add3A, %mul3A_1 : i32
    %scan3A = arith.constant 0 : i32
    %scan3A_3 = arith.constant 0 : i32
    %scan3A_4 = arith.constant 10 : i32
    %scan3A_5 = arith.addi %scan3A_3, %scan3A_4 : i32
    %scan3A_6 = arith.constant 1 : i32
    scf.for %scan3A_8 = %scan3A_3 to %scan3A_5 step %scan3A_6  : i32 {
      %mul3A_9 = arith.constant 512 : i32
      %mul3A_10 = arith.muli %scan3A_8, %mul3A_9 : i32
      %add3A_11 = arith.addi %mul3A_2, %mul3A_10 : i32
      "tpu.region"() ({
        %run_scoped3A = tpu.sem_alloc : memref<!tpu.dma_semaphore, #tpu.memory_space<semaphore_mem>>
        %dma_start3A_74 = tpu.memref_slice %arg3[%add3A_11] : memref<163840xi32, #tpu.memory_space<hbm>> -> memref<512xi32, #tpu.memory_space<hbm>>
        %dma_start3A_75 = tpu.memref_slice %arg3[%add3A_11] : memref<163840xi32, #tpu.memory_space<hbm>> -> memref<512xi32, #tpu.memory_space<hbm>>
        tpu.enqueue_dma source(%dma_start3A_75 : memref<512xi32, #tpu.memory_space<hbm>>) target(%arg5 : memref<512xi32, #tpu.memory_space<vmem>>) target_semaphore(%run_scoped3A : memref<!tpu.dma_semaphore, #tpu.memory_space<semaphore_mem>>)
        %dma_wait3A_76 = tpu.memref_slice %arg3[%add3A_11] : memref<163840xi32, #tpu.memory_space<hbm>> -> memref<512xi32, #tpu.memory_space<hbm>>
        %dma_wait3A_77 = tpu.memref_slice %arg3[%add3A_11] : memref<163840xi32, #tpu.memory_space<hbm>> -> memref<512xi32, #tpu.memory_space<hbm>>
        tpu.wait_dma2 semaphore(%run_scoped3A : memref<!tpu.dma_semaphore, #tpu.memory_space<semaphore_mem>>) src(%dma_wait3A_77 : memref<512xi32, #tpu.memory_space<hbm>>) dst(%arg5 : memref<512xi32, #tpu.memory_space<vmem>>)
        tpu.yield
      }) : () -> ()
      %dma_start3A = arith.constant 0 : i32
      %dma_start3A_12 = arith.constant 0 : i32
      %dma_start3A_13 = tpu.memref_slice %arg6[%dma_start3A, %dma_start3A_12] : memref<512x128xf32, #tpu.memory_space<vmem>> -> memref<128x128xf32, #tpu.memory_space<vmem>>
      %dma_start3A_14 = arith.constant 0 : i32
      %dma_start3A_15 = tpu.memref_slice %arg5[%dma_start3A_14] : memref<512xi32, #tpu.memory_space<vmem>> -> memref<128xi32, #tpu.memory_space<vmem>>
      %dma_start3A_16 = arith.constant 0 : i32
      %dma_start3A_17 = arith.constant 0 : i32
      %dma_start3A_18 = tpu.memref_slice %arg2[%dma_start3A_16, %dma_start3A_17] : memref<10240x128xf32, #tpu.memory_space<hbm>> -> memref<10240x128xf32, #tpu.memory_space<hbm>>
      tpu.enqueue_indirect_dma source(%dma_start3A_18 : memref<10240x128xf32, #tpu.memory_space<hbm>>) target(%dma_start3A_13 : memref<128x128xf32, #tpu.memory_space<vmem>>) offsets(%dma_start3A_15 : memref<128xi32, #tpu.memory_space<vmem>>) semaphore(%arg7 : memref<!tpu.dma_semaphore, #tpu.memory_space<semaphore_mem>>)
      %dma_start3A_19 = arith.constant 128 : i32
      %dma_start3A_20 = arith.constant 0 : i32
      %dma_start3A_21 = tpu.memref_slice %arg6[%dma_start3A_19, %dma_start3A_20] : memref<512x128xf32, #tpu.memory_space<vmem>> -> memref<128x128xf32, #tpu.memory_space<vmem>>
      %dma_start3A_22 = arith.constant 128 : i32
      %dma_start3A_23 = tpu.memref_slice %arg5[%dma_start3A_22] : memref<512xi32, #tpu.memory_space<vmem>> -> memref<128xi32, #tpu.memory_space<vmem>>
      %dma_start3A_24 = arith.constant 0 : i32
      %dma_start3A_25 = arith.constant 0 : i32
      %dma_start3A_26 = tpu.memref_slice %arg2[%dma_start3A_24, %dma_start3A_25] : memref<10240x128xf32, #tpu.memory_space<hbm>> -> memref<10240x128xf32, #tpu.memory_space<hbm>>
      tpu.enqueue_indirect_dma source(%dma_start3A_26 : memref<10240x128xf32, #tpu.memory_space<hbm>>) target(%dma_start3A_21 : memref<128x128xf32, #tpu.memory_space<vmem>>) offsets(%dma_start3A_23 : memref<128xi32, #tpu.memory_space<vmem>>) semaphore(%arg7 : memref<!tpu.dma_semaphore, #tpu.memory_space<semaphore_mem>>)
      %dma_start3A_27 = arith.constant 256 : i32
      %dma_start3A_28 = arith.constant 0 : i32
      %dma_start3A_29 = tpu.memref_slice %arg6[%dma_start3A_27, %dma_start3A_28] : memref<512x128xf32, #tpu.memory_space<vmem>> -> memref<128x128xf32, #tpu.memory_space<vmem>>
      %dma_start3A_30 = arith.constant 256 : i32
      %dma_start3A_31 = tpu.memref_slice %arg5[%dma_start3A_30] : memref<512xi32, #tpu.memory_space<vmem>> -> memref<128xi32, #tpu.memory_space<vmem>>
      %dma_start3A_32 = arith.constant 0 : i32
      %dma_start3A_33 = arith.constant 0 : i32
      %dma_start3A_34 = tpu.memref_slice %arg2[%dma_start3A_32, %dma_start3A_33] : memref<10240x128xf32, #tpu.memory_space<hbm>> -> memref<10240x128xf32, #tpu.memory_space<hbm>>
      tpu.enqueue_indirect_dma source(%dma_start3A_34 : memref<10240x128xf32, #tpu.memory_space<hbm>>) target(%dma_start3A_29 : memref<128x128xf32, #tpu.memory_space<vmem>>) offsets(%dma_start3A_31 : memref<128xi32, #tpu.memory_space<vmem>>) semaphore(%arg7 : memref<!tpu.dma_semaphore, #tpu.memory_space<semaphore_mem>>)
      %dma_start3A_35 = arith.constant 384 : i32
      %dma_start3A_36 = arith.constant 0 : i32
      %dma_start3A_37 = tpu.memref_slice %arg6[%dma_start3A_35, %dma_start3A_36] : memref<512x128xf32, #tpu.memory_space<vmem>> -> memref<128x128xf32, #tpu.memory_space<vmem>>
      %dma_start3A_38 = arith.constant 384 : i32
      %dma_start3A_39 = tpu.memref_slice %arg5[%dma_start3A_38] : memref<512xi32, #tpu.memory_space<vmem>> -> memref<128xi32, #tpu.memory_space<vmem>>
      %dma_start3A_40 = arith.constant 0 : i32
      %dma_start3A_41 = arith.constant 0 : i32
      %dma_start3A_42 = tpu.memref_slice %arg2[%dma_start3A_40, %dma_start3A_41] : memref<10240x128xf32, #tpu.memory_space<hbm>> -> memref<10240x128xf32, #tpu.memory_space<hbm>>
      tpu.enqueue_indirect_dma source(%dma_start3A_42 : memref<10240x128xf32, #tpu.memory_space<hbm>>) target(%dma_start3A_37 : memref<128x128xf32, #tpu.memory_space<vmem>>) offsets(%dma_start3A_39 : memref<128xi32, #tpu.memory_space<vmem>>) semaphore(%arg7 : memref<!tpu.dma_semaphore, #tpu.memory_space<semaphore_mem>>)
      %dma_wait3A = arith.constant 0 : i32
      %dma_wait3A_43 = arith.constant 0 : i32
      %dma_wait3A_44 = tpu.memref_slice %arg6[%dma_wait3A, %dma_wait3A_43] : memref<512x128xf32, #tpu.memory_space<vmem>> -> memref<128x128xf32, #tpu.memory_space<vmem>>
      %dma_wait3A_45 = arith.constant 0 : i32
      %dma_wait3A_46 = tpu.memref_slice %arg5[%dma_wait3A_45] : memref<512xi32, #tpu.memory_space<vmem>> -> memref<128xi32, #tpu.memory_space<vmem>>
      %dma_wait3A_47 = arith.constant 0 : i32
      %dma_wait3A_48 = arith.constant 0 : i32
      %dma_wait3A_49 = tpu.memref_slice %arg2[%dma_wait3A_47, %dma_wait3A_48] : memref<10240x128xf32, #tpu.memory_space<hbm>> -> memref<10240x128xf32, #tpu.memory_space<hbm>>
      tpu.wait_indirect_dma semaphore(%arg7 : memref<!tpu.dma_semaphore, #tpu.memory_space<semaphore_mem>>) src(%dma_wait3A_49 : memref<10240x128xf32, #tpu.memory_space<hbm>>) dst(%dma_wait3A_44 : memref<128x128xf32, #tpu.memory_space<vmem>>)
      %dma_wait3A_50 = arith.constant 128 : i32
      %dma_wait3A_51 = arith.constant 0 : i32
      %dma_wait3A_52 = tpu.memref_slice %arg6[%dma_wait3A_50, %dma_wait3A_51] : memref<512x128xf32, #tpu.memory_space<vmem>> -> memref<128x128xf32, #tpu.memory_space<vmem>>
      %dma_wait3A_53 = arith.constant 128 : i32
      %dma_wait3A_54 = tpu.memref_slice %arg5[%dma_wait3A_53] : memref<512xi32, #tpu.memory_space<vmem>> -> memref<128xi32, #tpu.memory_space<vmem>>
      %dma_wait3A_55 = arith.constant 0 : i32
      %dma_wait3A_56 = arith.constant 0 : i32
      %dma_wait3A_57 = tpu.memref_slice %arg2[%dma_wait3A_55, %dma_wait3A_56] : memref<10240x128xf32, #tpu.memory_space<hbm>> -> memref<10240x128xf32, #tpu.memory_space<hbm>>
      tpu.wait_indirect_dma semaphore(%arg7 : memref<!tpu.dma_semaphore, #tpu.memory_space<semaphore_mem>>) src(%dma_wait3A_57 : memref<10240x128xf32, #tpu.memory_space<hbm>>) dst(%dma_wait3A_52 : memref<128x128xf32, #tpu.memory_space<vmem>>)
      %dma_wait3A_58 = arith.constant 256 : i32
      %dma_wait3A_59 = arith.constant 0 : i32
      %dma_wait3A_60 = tpu.memref_slice %arg6[%dma_wait3A_58, %dma_wait3A_59] : memref<512x128xf32, #tpu.memory_space<vmem>> -> memref<128x128xf32, #tpu.memory_space<vmem>>
      %dma_wait3A_61 = arith.constant 256 : i32
      %dma_wait3A_62 = tpu.memref_slice %arg5[%dma_wait3A_61] : memref<512xi32, #tpu.memory_space<vmem>> -> memref<128xi32, #tpu.memory_space<vmem>>
      %dma_wait3A_63 = arith.constant 0 : i32
      %dma_wait3A_64 = arith.constant 0 : i32
      %dma_wait3A_65 = tpu.memref_slice %arg2[%dma_wait3A_63, %dma_wait3A_64] : memref<10240x128xf32, #tpu.memory_space<hbm>> -> memref<10240x128xf32, #tpu.memory_space<hbm>>
      tpu.wait_indirect_dma semaphore(%arg7 : memref<!tpu.dma_semaphore, #tpu.memory_space<semaphore_mem>>) src(%dma_wait3A_65 : memref<10240x128xf32, #tpu.memory_space<hbm>>) dst(%dma_wait3A_60 : memref<128x128xf32, #tpu.memory_space<vmem>>)
      %dma_wait3A_66 = arith.constant 384 : i32
      %dma_wait3A_67 = arith.constant 0 : i32
      %dma_wait3A_68 = tpu.memref_slice %arg6[%dma_wait3A_66, %dma_wait3A_67] : memref<512x128xf32, #tpu.memory_space<vmem>> -> memref<128x128xf32, #tpu.memory_space<vmem>>
      %dma_wait3A_69 = arith.constant 384 : i32
      %dma_wait3A_70 = tpu.memref_slice %arg5[%dma_wait3A_69] : memref<512xi32, #tpu.memory_space<vmem>> -> memref<128xi32, #tpu.memory_space<vmem>>
      %dma_wait3A_71 = arith.constant 0 : i32
      %dma_wait3A_72 = arith.constant 0 : i32
      %dma_wait3A_73 = tpu.memref_slice %arg2[%dma_wait3A_71, %dma_wait3A_72] : memref<10240x128xf32, #tpu.memory_space<hbm>> -> memref<10240x128xf32, #tpu.memory_space<hbm>>
      tpu.wait_indirect_dma semaphore(%arg7 : memref<!tpu.dma_semaphore, #tpu.memory_space<semaphore_mem>>) src(%dma_wait3A_73 : memref<10240x128xf32, #tpu.memory_space<hbm>>) dst(%dma_wait3A_68 : memref<128x128xf32, #tpu.memory_space<vmem>>)
      "tpu.region"() ({
        %run_scoped3A = tpu.sem_alloc : memref<!tpu.dma_semaphore, #tpu.memory_space<semaphore_mem>>
        %dma_start3A_74 = arith.constant 0 : i32
        %dma_start3A_75 = tpu.memref_slice %arg4[%add3A_11, %dma_start3A_74] : memref<163840x128xf32, #tpu.memory_space<hbm>> -> memref<512x128xf32, #tpu.memory_space<hbm>>
        %dma_start3A_76 = arith.constant 0 : i32
        %dma_start3A_77 = tpu.memref_slice %arg4[%add3A_11, %dma_start3A_76] : memref<163840x128xf32, #tpu.memory_space<hbm>> -> memref<512x128xf32, #tpu.memory_space<hbm>>
        tpu.enqueue_dma source(%arg6 : memref<512x128xf32, #tpu.memory_space<vmem>>) target(%dma_start3A_77 : memref<512x128xf32, #tpu.memory_space<hbm>>) target_semaphore(%run_scoped3A : memref<!tpu.dma_semaphore, #tpu.memory_space<semaphore_mem>>)
        %dma_wait3A_78 = arith.constant 0 : i32
        %dma_wait3A_79 = tpu.memref_slice %arg4[%add3A_11, %dma_wait3A_78] : memref<163840x128xf32, #tpu.memory_space<hbm>> -> memref<512x128xf32, #tpu.memory_space<hbm>>
        %dma_wait3A_80 = arith.constant 0 : i32
        %dma_wait3A_81 = tpu.memref_slice %arg4[%add3A_11, %dma_wait3A_80] : memref<163840x128xf32, #tpu.memory_space<hbm>> -> memref<512x128xf32, #tpu.memory_space<hbm>>
        tpu.wait_dma2 semaphore(%run_scoped3A : memref<!tpu.dma_semaphore, #tpu.memory_space<semaphore_mem>>) src(%arg6 : memref<512x128xf32, #tpu.memory_space<vmem>>) dst(%dma_wait3A_81 : memref<512x128xf32, #tpu.memory_space<hbm>>)
        tpu.yield
      }) : () -> ()
    }
    %scan3A_7 = arith.constant 10 : i32
    return
  }
}

module attributes {stable_mosaic.version = 14 : i64} {
  func.func @body(%arg0: i32, %arg1: memref<1024x9xf32, #tpu.memory_space<vmem>>, %arg2: memref<9x32xf32, #tpu.memory_space<vmem>>, %arg3: memref<1x32xf32, #tpu.memory_space<vmem>>, %arg4: memref<1x32xf32, #tpu.memory_space<vmem>>, %arg5: memref<1x32xf32, #tpu.memory_space<vmem>>, %arg6: memref<32x64xf32, #tpu.memory_space<vmem>>, %arg7: memref<1x64xf32, #tpu.memory_space<vmem>>, %arg8: memref<1x64xf32, #tpu.memory_space<vmem>>, %arg9: memref<1x64xf32, #tpu.memory_space<vmem>>, %arg10: memref<1024x64xf32, #tpu.memory_space<vmem>>) attributes {dimension_semantics = [#tpu.dimension_semantics<arbitrary>], iteration_bounds = array<i64: 10>, scalar_prefetch = 0 : i64, scratch_operands = 0 : i64, tpu.core_type = #tpu.core_type<tc>, window_params = [{transform_indices = @transform_0, window_bounds = array<i64: 1024, 9>}, {pipeline_mode = #tpu.pipeline_mode<synchronous>, transform_indices = @transform_1, window_bounds = array<i64: 9, 32>}, {pipeline_mode = #tpu.pipeline_mode<synchronous>, transform_indices = @transform_2, window_bounds = array<i64: 1, 32>}, {pipeline_mode = #tpu.pipeline_mode<synchronous>, transform_indices = @transform_3, window_bounds = array<i64: 1, 32>}, {pipeline_mode = #tpu.pipeline_mode<synchronous>, transform_indices = @transform_4, window_bounds = array<i64: 1, 32>}, {pipeline_mode = #tpu.pipeline_mode<synchronous>, transform_indices = @transform_5, window_bounds = array<i64: 32, 64>}, {pipeline_mode = #tpu.pipeline_mode<synchronous>, transform_indices = @transform_6, window_bounds = array<i64: 1, 64>}, {pipeline_mode = #tpu.pipeline_mode<synchronous>, transform_indices = @transform_7, window_bounds = array<i64: 1, 64>}, {pipeline_mode = #tpu.pipeline_mode<synchronous>, transform_indices = @transform_8, window_bounds = array<i64: 1, 64>}, {transform_indices = @transform_9, window_bounds = array<i64: 1024, 64>}]} {
    %get3A = arith.constant 0 : index
    %get3A_0 = arith.constant 0 : index
    %get3A_1 = vector.load %arg1[%get3A, %get3A_0] : memref<1024x9xf32, #tpu.memory_space<vmem>>, vector<1024x9xf32>
    %get3A_2 = arith.constant 0 : index
    %get3A_3 = arith.constant 0 : index
    %get3A_4 = vector.load %arg2[%get3A_2, %get3A_3] : memref<9x32xf32, #tpu.memory_space<vmem>>, vector<9x32xf32>
    %dot_general3A = arith.constant dense<0.000000e+00> : vector<1024x32xf32>
    %dot_general3A_5 = tpu.matmul %get3A_1, %get3A_4, %dot_general3A {dimension_numbers = #tpu.dot_dimension_numbers<[1], [0], [0], [1], [0, 0, 1, 1], [], []>, transpose_lhs_hint = false} : vector<1024x9xf32>, vector<9x32xf32>, vector<1024x32xf32> -> vector<1024x32xf32>
    %get3A_6 = arith.constant 0 : index
    %get3A_7 = arith.constant 0 : index
    %get3A_8 = vector.load %arg3[%get3A_6, %get3A_7] : memref<1x32xf32, #tpu.memory_space<vmem>>, vector<1x32xf32>
    %add3A = vector.broadcast %get3A_8 : vector<1x32xf32> to vector<1024x32xf32>
    %add3A_9 = arith.addf %dot_general3A_5, %add3A : vector<1024x32xf32>
    %max3A = arith.constant 0.000000e+00 : f32
    %max3A_10 = vector.broadcast %max3A : f32 to vector<1024x32xf32>
    %max3A_11 = arith.maximumf %add3A_9, %max3A_10 : vector<1024x32xf32>
    %get3A_12 = arith.constant 0 : index
    %get3A_13 = arith.constant 0 : index
    %get3A_14 = vector.load %arg4[%get3A_12, %get3A_13] : memref<1x32xf32, #tpu.memory_space<vmem>>, vector<1x32xf32>
    %get3A_15 = arith.constant 0 : index
    %get3A_16 = arith.constant 0 : index
    %get3A_17 = vector.load %arg5[%get3A_15, %get3A_16] : memref<1x32xf32, #tpu.memory_space<vmem>>, vector<1x32xf32>
    %reduce_sum3A = arith.constant dense<0.000000e+00> : vector<1024xf32>
    %reduce_sum3A_18 = vector.multi_reduction <add>, %max3A_11, %reduce_sum3A [1] : vector<1024x32xf32> to vector<1024xf32>
    %broadcast_in_dim3A = vector.shape_cast %reduce_sum3A_18 : vector<1024xf32> to vector<1024x1xf32>
    %div3A = arith.constant 3.200000e+01 : f32
    %div3A_19 = vector.broadcast %div3A : f32 to vector<1024x1xf32>
    %div3A_20 = arith.divf %broadcast_in_dim3A, %div3A_19 : vector<1024x1xf32>
    %sub3A = vector.broadcast %div3A_20 : vector<1024x1xf32> to vector<1024x32xf32>
    %sub3A_21 = arith.subf %max3A_11, %sub3A : vector<1024x32xf32>
    %integer_pow3A = arith.mulf %sub3A_21, %sub3A_21 : vector<1024x32xf32>
    %reduce_sum3A_22 = arith.constant dense<0.000000e+00> : vector<1024xf32>
    %reduce_sum3A_23 = vector.multi_reduction <add>, %integer_pow3A, %reduce_sum3A_22 [1] : vector<1024x32xf32> to vector<1024xf32>
    %broadcast_in_dim3A_24 = vector.shape_cast %reduce_sum3A_23 : vector<1024xf32> to vector<1024x1xf32>
    %div3A_25 = arith.constant 3.200000e+01 : f32
    %div3A_26 = vector.broadcast %div3A_25 : f32 to vector<1024x1xf32>
    %div3A_27 = arith.divf %broadcast_in_dim3A_24, %div3A_26 : vector<1024x1xf32>
    %sub3A_28 = vector.broadcast %div3A_20 : vector<1024x1xf32> to vector<1024x32xf32>
    %sub3A_29 = arith.subf %max3A_11, %sub3A_28 : vector<1024x32xf32>
    %add3A_30 = arith.constant 9.99999974E-6 : f32
    %add3A_31 = vector.broadcast %add3A_30 : f32 to vector<1024x1xf32>
    %add3A_32 = arith.addf %div3A_27, %add3A_31 : vector<1024x1xf32>
    %sqrt3A = math.sqrt %add3A_32 : vector<1024x1xf32>
    %div3A_33 = vector.broadcast %sqrt3A : vector<1024x1xf32> to vector<1024x32xf32>
    %div3A_34 = arith.divf %sub3A_29, %div3A_33 : vector<1024x32xf32>
    %mul3A = vector.broadcast %get3A_14 : vector<1x32xf32> to vector<1024x32xf32>
    %mul3A_35 = arith.mulf %div3A_34, %mul3A : vector<1024x32xf32>
    %add3A_36 = vector.broadcast %get3A_17 : vector<1x32xf32> to vector<1024x32xf32>
    %add3A_37 = arith.addf %mul3A_35, %add3A_36 : vector<1024x32xf32>
    %get3A_38 = arith.constant 0 : index
    %get3A_39 = arith.constant 0 : index
    %get3A_40 = vector.load %arg6[%get3A_38, %get3A_39] : memref<32x64xf32, #tpu.memory_space<vmem>>, vector<32x64xf32>
    %dot_general3A_41 = arith.constant dense<0.000000e+00> : vector<1024x64xf32>
    %dot_general3A_42 = tpu.matmul %add3A_37, %get3A_40, %dot_general3A_41 {dimension_numbers = #tpu.dot_dimension_numbers<[1], [0], [0], [1], [0, 0, 1, 1], [], []>, transpose_lhs_hint = false} : vector<1024x32xf32>, vector<32x64xf32>, vector<1024x64xf32> -> vector<1024x64xf32>
    %get3A_43 = arith.constant 0 : index
    %get3A_44 = arith.constant 0 : index
    %get3A_45 = vector.load %arg7[%get3A_43, %get3A_44] : memref<1x64xf32, #tpu.memory_space<vmem>>, vector<1x64xf32>
    %add3A_46 = vector.broadcast %get3A_45 : vector<1x64xf32> to vector<1024x64xf32>
    %add3A_47 = arith.addf %dot_general3A_42, %add3A_46 : vector<1024x64xf32>
    %max3A_48 = arith.constant 0.000000e+00 : f32
    %max3A_49 = vector.broadcast %max3A_48 : f32 to vector<1024x64xf32>
    %max3A_50 = arith.maximumf %add3A_47, %max3A_49 : vector<1024x64xf32>
    %get3A_51 = arith.constant 0 : index
    %get3A_52 = arith.constant 0 : index
    %get3A_53 = vector.load %arg8[%get3A_51, %get3A_52] : memref<1x64xf32, #tpu.memory_space<vmem>>, vector<1x64xf32>
    %get3A_54 = arith.constant 0 : index
    %get3A_55 = arith.constant 0 : index
    %get3A_56 = vector.load %arg9[%get3A_54, %get3A_55] : memref<1x64xf32, #tpu.memory_space<vmem>>, vector<1x64xf32>
    %reduce_sum3A_57 = arith.constant dense<0.000000e+00> : vector<1024xf32>
    %reduce_sum3A_58 = vector.multi_reduction <add>, %max3A_50, %reduce_sum3A_57 [1] : vector<1024x64xf32> to vector<1024xf32>
    %broadcast_in_dim3A_59 = vector.shape_cast %reduce_sum3A_58 : vector<1024xf32> to vector<1024x1xf32>
    %div3A_60 = arith.constant 6.400000e+01 : f32
    %div3A_61 = vector.broadcast %div3A_60 : f32 to vector<1024x1xf32>
    %div3A_62 = arith.divf %broadcast_in_dim3A_59, %div3A_61 : vector<1024x1xf32>
    %sub3A_63 = vector.broadcast %div3A_62 : vector<1024x1xf32> to vector<1024x64xf32>
    %sub3A_64 = arith.subf %max3A_50, %sub3A_63 : vector<1024x64xf32>
    %integer_pow3A_65 = arith.mulf %sub3A_64, %sub3A_64 : vector<1024x64xf32>
    %reduce_sum3A_66 = arith.constant dense<0.000000e+00> : vector<1024xf32>
    %reduce_sum3A_67 = vector.multi_reduction <add>, %integer_pow3A_65, %reduce_sum3A_66 [1] : vector<1024x64xf32> to vector<1024xf32>
    %broadcast_in_dim3A_68 = vector.shape_cast %reduce_sum3A_67 : vector<1024xf32> to vector<1024x1xf32>
    %div3A_69 = arith.constant 6.400000e+01 : f32
    %div3A_70 = vector.broadcast %div3A_69 : f32 to vector<1024x1xf32>
    %div3A_71 = arith.divf %broadcast_in_dim3A_68, %div3A_70 : vector<1024x1xf32>
    %sub3A_72 = vector.broadcast %div3A_62 : vector<1024x1xf32> to vector<1024x64xf32>
    %sub3A_73 = arith.subf %max3A_50, %sub3A_72 : vector<1024x64xf32>
    %add3A_74 = arith.constant 9.99999974E-6 : f32
    %add3A_75 = vector.broadcast %add3A_74 : f32 to vector<1024x1xf32>
    %add3A_76 = arith.addf %div3A_71, %add3A_75 : vector<1024x1xf32>
    %sqrt3A_77 = math.sqrt %add3A_76 : vector<1024x1xf32>
    %div3A_78 = vector.broadcast %sqrt3A_77 : vector<1024x1xf32> to vector<1024x64xf32>
    %div3A_79 = arith.divf %sub3A_73, %div3A_78 : vector<1024x64xf32>
    %mul3A_80 = vector.broadcast %get3A_53 : vector<1x64xf32> to vector<1024x64xf32>
    %mul3A_81 = arith.mulf %div3A_79, %mul3A_80 : vector<1024x64xf32>
    %add3A_82 = vector.broadcast %get3A_56 : vector<1x64xf32> to vector<1024x64xf32>
    %add3A_83 = arith.addf %mul3A_81, %add3A_82 : vector<1024x64xf32>
    %swap3A = arith.constant 0 : index
    %swap3A_84 = arith.constant 0 : index
    %swap3A_85 = vector.load %arg10[%swap3A, %swap3A_84] : memref<1024x64xf32, #tpu.memory_space<vmem>>, vector<1024x64xf32>
    tpu.vector_store %arg10[%swap3A, %swap3A_84], %add3A_83 {strides = array<i32>} : memref<1024x64xf32, #tpu.memory_space<vmem>>, vector<1024x64xf32>,
    return
  }
  func.func @transform_0(%arg0: i32) -> (i32, i32) {
    %c0_i32 = arith.constant 0 : i32
    %c0_i32_0 = arith.constant 0 : i32
    return %arg0, %c0_i32 : i32, i32
  }
  func.func @transform_1(%arg0: i32) -> (i32, i32) {
    %c0_i32 = arith.constant 0 : i32
    %c0_i32_0 = arith.constant 0 : i32
    %c0_i32_1 = arith.constant 0 : i32
    return %c0_i32, %c0_i32_0 : i32, i32
  }
  func.func @transform_2(%arg0: i32) -> (i32, i32) {
    %c0_i32 = arith.constant 0 : i32
    %c0_i32_0 = arith.constant 0 : i32
    %c0_i32_1 = arith.constant 0 : i32
    return %c0_i32, %c0_i32_0 : i32, i32
  }
  func.func @transform_3(%arg0: i32) -> (i32, i32) {
    %c0_i32 = arith.constant 0 : i32
    %c0_i32_0 = arith.constant 0 : i32
    %c0_i32_1 = arith.constant 0 : i32
    return %c0_i32, %c0_i32_0 : i32, i32
  }
  func.func @transform_4(%arg0: i32) -> (i32, i32) {
    %c0_i32 = arith.constant 0 : i32
    %c0_i32_0 = arith.constant 0 : i32
    %c0_i32_1 = arith.constant 0 : i32
    return %c0_i32, %c0_i32_0 : i32, i32
  }
  func.func @transform_5(%arg0: i32) -> (i32, i32) {
    %c0_i32 = arith.constant 0 : i32
    %c0_i32_0 = arith.constant 0 : i32
    %c0_i32_1 = arith.constant 0 : i32
    return %c0_i32, %c0_i32_0 : i32, i32
  }
  func.func @transform_6(%arg0: i32) -> (i32, i32) {
    %c0_i32 = arith.constant 0 : i32
    %c0_i32_0 = arith.constant 0 : i32
    %c0_i32_1 = arith.constant 0 : i32
    return %c0_i32, %c0_i32_0 : i32, i32
  }
  func.func @transform_7(%arg0: i32) -> (i32, i32) {
    %c0_i32 = arith.constant 0 : i32
    %c0_i32_0 = arith.constant 0 : i32
    %c0_i32_1 = arith.constant 0 : i32
    return %c0_i32, %c0_i32_0 : i32, i32
  }
  func.func @transform_8(%arg0: i32) -> (i32, i32) {
    %c0_i32 = arith.constant 0 : i32
    %c0_i32_0 = arith.constant 0 : i32
    %c0_i32_1 = arith.constant 0 : i32
    return %c0_i32, %c0_i32_0 : i32, i32
  }
  func.func @transform_9(%arg0: i32) -> (i32, i32) {
    %c0_i32 = arith.constant 0 : i32
    %c0_i32_0 = arith.constant 0 : i32
    return %arg0, %c0_i32 : i32, i32
  }
}

module attributes {stable_mosaic.version = 14 : i64} {
  func.func @body(%arg0: i32, %arg1: memref<512x8xf32, #tpu.memory_space<vmem>>, %arg2: memref<512x128xf32, #tpu.memory_space<vmem>>, %arg3: memref<8x32xf32, #tpu.memory_space<vmem>>, %arg4: memref<1x32xf32, #tpu.memory_space<vmem>>, %arg5: memref<64x4096xf32, #tpu.memory_space<vmem>>, %arg6: memref<64x128xf32, #tpu.memory_space<vmem>>, %arg7: memref<32x4096xf32, #tpu.memory_space<vmem>>, %arg8: memref<512x128xf32, #tpu.memory_space<vmem>>) attributes {dimension_semantics = [#tpu.dimension_semantics<arbitrary>], iteration_bounds = array<i64: 320>, scalar_prefetch = 0 : i64, scratch_operands = 0 : i64, tpu.core_type = #tpu.core_type<tc>, window_params = [{transform_indices = @transform_0, window_bounds = array<i64: 512, 8>}, {transform_indices = @transform_1, window_bounds = array<i64: 512, 128>}, {pipeline_mode = #tpu.pipeline_mode<synchronous>, transform_indices = @transform_2, window_bounds = array<i64: 8, 32>}, {pipeline_mode = #tpu.pipeline_mode<synchronous>, transform_indices = @transform_3, window_bounds = array<i64: 1, 32>}, {pipeline_mode = #tpu.pipeline_mode<synchronous>, transform_indices = @transform_4, window_bounds = array<i64: 64, 4096>}, {pipeline_mode = #tpu.pipeline_mode<synchronous>, transform_indices = @transform_5, window_bounds = array<i64: 64, 128>}, {pipeline_mode = #tpu.pipeline_mode<synchronous>, transform_indices = @transform_6, window_bounds = array<i64: 32, 4096>}, {transform_indices = @transform_7, window_bounds = array<i64: 512, 128>}]} {
    %get3A = arith.constant 0 : index
    %get3A_0 = arith.constant 0 : index
    %get3A_1 = vector.load %arg1[%get3A, %get3A_0] : memref<512x8xf32, #tpu.memory_space<vmem>>, vector<512x8xf32>
    %get3A_2 = arith.constant 0 : index
    %get3A_3 = arith.constant 0 : index
    %get3A_4 = vector.load %arg3[%get3A_2, %get3A_3] : memref<8x32xf32, #tpu.memory_space<vmem>>, vector<8x32xf32>
    %dot_general3A = arith.constant dense<0.000000e+00> : vector<512x32xf32>
    %dot_general3A_5 = tpu.matmul %get3A_1, %get3A_4, %dot_general3A {dimension_numbers = #tpu.dot_dimension_numbers<[1], [0], [0], [1], [0, 0, 1, 1], [], []>, transpose_lhs_hint = false} : vector<512x8xf32>, vector<8x32xf32>, vector<512x32xf32> -> vector<512x32xf32>
    %get3A_6 = arith.constant 0 : index
    %get3A_7 = arith.constant 0 : index
    %get3A_8 = vector.load %arg4[%get3A_6, %get3A_7] : memref<1x32xf32, #tpu.memory_space<vmem>>, vector<1x32xf32>
    %add3A = vector.broadcast %get3A_8 : vector<1x32xf32> to vector<512x32xf32>
    %add3A_9 = arith.addf %dot_general3A_5, %add3A : vector<512x32xf32>
    %max3A = arith.constant 0.000000e+00 : f32
    %max3A_10 = vector.broadcast %max3A : f32 to vector<512x32xf32>
    %max3A_11 = arith.maximumf %add3A_9, %max3A_10 : vector<512x32xf32>
    %get3A_12 = arith.constant 0 : index
    %get3A_13 = arith.constant 0 : index
    %get3A_14 = vector.load %arg7[%get3A_12, %get3A_13] : memref<32x4096xf32, #tpu.memory_space<vmem>>, vector<32x4096xf32>
    %dot_general3A_15 = arith.constant dense<0.000000e+00> : vector<512x4096xf32>
    %dot_general3A_16 = tpu.matmul %max3A_11, %get3A_14, %dot_general3A_15 {dimension_numbers = #tpu.dot_dimension_numbers<[1], [0], [0], [1], [0, 0, 1, 1], [], []>, transpose_lhs_hint = false} : vector<512x32xf32>, vector<32x4096xf32>, vector<512x4096xf32> -> vector<512x4096xf32>
    %get3A_17 = arith.constant 0 : index
    %get3A_18 = arith.constant 0 : index
    %get3A_19 = vector.load %arg2[%get3A_17, %get3A_18] : memref<512x128xf32, #tpu.memory_space<vmem>>, vector<512x128xf32>
    %slice3A = vector.extract_strided_slice %get3A_19 {offsets = [0, 0], sizes = [512, 64], strides = [1, 1]} : vector<512x128xf32> to vector<512x64xf32>
    %get3A_20 = arith.constant 0 : index
    %get3A_21 = arith.constant 0 : index
    %get3A_22 = vector.load %arg5[%get3A_20, %get3A_21] : memref<64x4096xf32, #tpu.memory_space<vmem>>, vector<64x4096xf32>
    %dot_general3A_23 = arith.constant dense<0.000000e+00> : vector<512x4096xf32>
    %dot_general3A_24 = tpu.matmul %slice3A, %get3A_22, %dot_general3A_23 {dimension_numbers = #tpu.dot_dimension_numbers<[1], [0], [0], [1], [0, 0, 1, 1], [], []>, transpose_lhs_hint = false} : vector<512x64xf32>, vector<64x4096xf32>, vector<512x4096xf32> -> vector<512x4096xf32>
    %slice3A_25 = vector.extract_strided_slice %dot_general3A_16 {offsets = [0, 0], sizes = [512, 128], strides = [1, 1]} : vector<512x4096xf32> to vector<512x128xf32>
    %slice3A_26 = vector.extract_strided_slice %dot_general3A_24 {offsets = [0, 0], sizes = [512, 128], strides = [1, 1]} : vector<512x4096xf32> to vector<512x128xf32>
    %mul3A = arith.mulf %slice3A_25, %slice3A_26 : vector<512x128xf32>
    %slice3A_27 = vector.extract_strided_slice %dot_general3A_16 {offsets = [0, 128], sizes = [512, 128], strides = [1, 1]} : vector<512x4096xf32> to vector<512x128xf32>
    %slice3A_28 = vector.extract_strided_slice %dot_general3A_24 {offsets = [0, 128], sizes = [512, 128], strides = [1, 1]} : vector<512x4096xf32> to vector<512x128xf32>
    %mul3A_29 = arith.mulf %slice3A_27, %slice3A_28 : vector<512x128xf32>
    %add3A_30 = arith.addf %mul3A, %mul3A_29 : vector<512x128xf32>
    %slice3A_31 = vector.extract_strided_slice %dot_general3A_16 {offsets = [0, 256], sizes = [512, 128], strides = [1, 1]} : vector<512x4096xf32> to vector<512x128xf32>
    %slice3A_32 = vector.extract_strided_slice %dot_general3A_24 {offsets = [0, 256], sizes = [512, 128], strides = [1, 1]} : vector<512x4096xf32> to vector<512x128xf32>
    %mul3A_33 = arith.mulf %slice3A_31, %slice3A_32 : vector<512x128xf32>
    %add3A_34 = arith.addf %add3A_30, %mul3A_33 : vector<512x128xf32>
    %slice3A_35 = vector.extract_strided_slice %dot_general3A_16 {offsets = [0, 384], sizes = [512, 128], strides = [1, 1]} : vector<512x4096xf32> to vector<512x128xf32>
    %slice3A_36 = vector.extract_strided_slice %dot_general3A_24 {offsets = [0, 384], sizes = [512, 128], strides = [1, 1]} : vector<512x4096xf32> to vector<512x128xf32>
    %mul3A_37 = arith.mulf %slice3A_35, %slice3A_36 : vector<512x128xf32>
    %add3A_38 = arith.addf %add3A_34, %mul3A_37 : vector<512x128xf32>
    %slice3A_39 = vector.extract_strided_slice %dot_general3A_16 {offsets = [0, 512], sizes = [512, 128], strides = [1, 1]} : vector<512x4096xf32> to vector<512x128xf32>
    %slice3A_40 = vector.extract_strided_slice %dot_general3A_24 {offsets = [0, 512], sizes = [512, 128], strides = [1, 1]} : vector<512x4096xf32> to vector<512x128xf32>
    %mul3A_41 = arith.mulf %slice3A_39, %slice3A_40 : vector<512x128xf32>
    %add3A_42 = arith.addf %add3A_38, %mul3A_41 : vector<512x128xf32>
    %slice3A_43 = vector.extract_strided_slice %dot_general3A_16 {offsets = [0, 640], sizes = [512, 128], strides = [1, 1]} : vector<512x4096xf32> to vector<512x128xf32>
    %slice3A_44 = vector.extract_strided_slice %dot_general3A_24 {offsets = [0, 640], sizes = [512, 128], strides = [1, 1]} : vector<512x4096xf32> to vector<512x128xf32>
    %mul3A_45 = arith.mulf %slice3A_43, %slice3A_44 : vector<512x128xf32>
    %add3A_46 = arith.addf %add3A_42, %mul3A_45 : vector<512x128xf32>
    %slice3A_47 = vector.extract_strided_slice %dot_general3A_16 {offsets = [0, 768], sizes = [512, 128], strides = [1, 1]} : vector<512x4096xf32> to vector<512x128xf32>
    %slice3A_48 = vector.extract_strided_slice %dot_general3A_24 {offsets = [0, 768], sizes = [512, 128], strides = [1, 1]} : vector<512x4096xf32> to vector<512x128xf32>
    %mul3A_49 = arith.mulf %slice3A_47, %slice3A_48 : vector<512x128xf32>
    %add3A_50 = arith.addf %add3A_46, %mul3A_49 : vector<512x128xf32>
    %slice3A_51 = vector.extract_strided_slice %dot_general3A_16 {offsets = [0, 896], sizes = [512, 128], strides = [1, 1]} : vector<512x4096xf32> to vector<512x128xf32>
    %slice3A_52 = vector.extract_strided_slice %dot_general3A_24 {offsets = [0, 896], sizes = [512, 128], strides = [1, 1]} : vector<512x4096xf32> to vector<512x128xf32>
    %mul3A_53 = arith.mulf %slice3A_51, %slice3A_52 : vector<512x128xf32>
    %add3A_54 = arith.addf %add3A_50, %mul3A_53 : vector<512x128xf32>
    %slice3A_55 = vector.extract_strided_slice %dot_general3A_16 {offsets = [0, 1024], sizes = [512, 128], strides = [1, 1]} : vector<512x4096xf32> to vector<512x128xf32>
    %slice3A_56 = vector.extract_strided_slice %dot_general3A_24 {offsets = [0, 1024], sizes = [512, 128], strides = [1, 1]} : vector<512x4096xf32> to vector<512x128xf32>
    %mul3A_57 = arith.mulf %slice3A_55, %slice3A_56 : vector<512x128xf32>
    %add3A_58 = arith.addf %add3A_54, %mul3A_57 : vector<512x128xf32>
    %slice3A_59 = vector.extract_strided_slice %dot_general3A_16 {offsets = [0, 1152], sizes = [512, 128], strides = [1, 1]} : vector<512x4096xf32> to vector<512x128xf32>
    %slice3A_60 = vector.extract_strided_slice %dot_general3A_24 {offsets = [0, 1152], sizes = [512, 128], strides = [1, 1]} : vector<512x4096xf32> to vector<512x128xf32>
    %mul3A_61 = arith.mulf %slice3A_59, %slice3A_60 : vector<512x128xf32>
    %add3A_62 = arith.addf %add3A_58, %mul3A_61 : vector<512x128xf32>
    %slice3A_63 = vector.extract_strided_slice %dot_general3A_16 {offsets = [0, 1280], sizes = [512, 128], strides = [1, 1]} : vector<512x4096xf32> to vector<512x128xf32>
    %slice3A_64 = vector.extract_strided_slice %dot_general3A_24 {offsets = [0, 1280], sizes = [512, 128], strides = [1, 1]} : vector<512x4096xf32> to vector<512x128xf32>
    %mul3A_65 = arith.mulf %slice3A_63, %slice3A_64 : vector<512x128xf32>
    %add3A_66 = arith.addf %add3A_62, %mul3A_65 : vector<512x128xf32>
    %slice3A_67 = vector.extract_strided_slice %dot_general3A_16 {offsets = [0, 1408], sizes = [512, 128], strides = [1, 1]} : vector<512x4096xf32> to vector<512x128xf32>
    %slice3A_68 = vector.extract_strided_slice %dot_general3A_24 {offsets = [0, 1408], sizes = [512, 128], strides = [1, 1]} : vector<512x4096xf32> to vector<512x128xf32>
    %mul3A_69 = arith.mulf %slice3A_67, %slice3A_68 : vector<512x128xf32>
    %add3A_70 = arith.addf %add3A_66, %mul3A_69 : vector<512x128xf32>
    %slice3A_71 = vector.extract_strided_slice %dot_general3A_16 {offsets = [0, 1536], sizes = [512, 128], strides = [1, 1]} : vector<512x4096xf32> to vector<512x128xf32>
    %slice3A_72 = vector.extract_strided_slice %dot_general3A_24 {offsets = [0, 1536], sizes = [512, 128], strides = [1, 1]} : vector<512x4096xf32> to vector<512x128xf32>
    %mul3A_73 = arith.mulf %slice3A_71, %slice3A_72 : vector<512x128xf32>
    %add3A_74 = arith.addf %add3A_70, %mul3A_73 : vector<512x128xf32>
    %slice3A_75 = vector.extract_strided_slice %dot_general3A_16 {offsets = [0, 1664], sizes = [512, 128], strides = [1, 1]} : vector<512x4096xf32> to vector<512x128xf32>
    %slice3A_76 = vector.extract_strided_slice %dot_general3A_24 {offsets = [0, 1664], sizes = [512, 128], strides = [1, 1]} : vector<512x4096xf32> to vector<512x128xf32>
    %mul3A_77 = arith.mulf %slice3A_75, %slice3A_76 : vector<512x128xf32>
    %add3A_78 = arith.addf %add3A_74, %mul3A_77 : vector<512x128xf32>
    %slice3A_79 = vector.extract_strided_slice %dot_general3A_16 {offsets = [0, 1792], sizes = [512, 128], strides = [1, 1]} : vector<512x4096xf32> to vector<512x128xf32>
    %slice3A_80 = vector.extract_strided_slice %dot_general3A_24 {offsets = [0, 1792], sizes = [512, 128], strides = [1, 1]} : vector<512x4096xf32> to vector<512x128xf32>
    %mul3A_81 = arith.mulf %slice3A_79, %slice3A_80 : vector<512x128xf32>
    %add3A_82 = arith.addf %add3A_78, %mul3A_81 : vector<512x128xf32>
    %slice3A_83 = vector.extract_strided_slice %dot_general3A_16 {offsets = [0, 1920], sizes = [512, 128], strides = [1, 1]} : vector<512x4096xf32> to vector<512x128xf32>
    %slice3A_84 = vector.extract_strided_slice %dot_general3A_24 {offsets = [0, 1920], sizes = [512, 128], strides = [1, 1]} : vector<512x4096xf32> to vector<512x128xf32>
    %mul3A_85 = arith.mulf %slice3A_83, %slice3A_84 : vector<512x128xf32>
    %add3A_86 = arith.addf %add3A_82, %mul3A_85 : vector<512x128xf32>
    %slice3A_87 = vector.extract_strided_slice %dot_general3A_16 {offsets = [0, 2048], sizes = [512, 128], strides = [1, 1]} : vector<512x4096xf32> to vector<512x128xf32>
    %slice3A_88 = vector.extract_strided_slice %dot_general3A_24 {offsets = [0, 2048], sizes = [512, 128], strides = [1, 1]} : vector<512x4096xf32> to vector<512x128xf32>
    %mul3A_89 = arith.mulf %slice3A_87, %slice3A_88 : vector<512x128xf32>
    %add3A_90 = arith.addf %add3A_86, %mul3A_89 : vector<512x128xf32>
    %slice3A_91 = vector.extract_strided_slice %dot_general3A_16 {offsets = [0, 2176], sizes = [512, 128], strides = [1, 1]} : vector<512x4096xf32> to vector<512x128xf32>
    %slice3A_92 = vector.extract_strided_slice %dot_general3A_24 {offsets = [0, 2176], sizes = [512, 128], strides = [1, 1]} : vector<512x4096xf32> to vector<512x128xf32>
    %mul3A_93 = arith.mulf %slice3A_91, %slice3A_92 : vector<512x128xf32>
    %add3A_94 = arith.addf %add3A_90, %mul3A_93 : vector<512x128xf32>
    %slice3A_95 = vector.extract_strided_slice %dot_general3A_16 {offsets = [0, 2304], sizes = [512, 128], strides = [1, 1]} : vector<512x4096xf32> to vector<512x128xf32>
    %slice3A_96 = vector.extract_strided_slice %dot_general3A_24 {offsets = [0, 2304], sizes = [512, 128], strides = [1, 1]} : vector<512x4096xf32> to vector<512x128xf32>
    %mul3A_97 = arith.mulf %slice3A_95, %slice3A_96 : vector<512x128xf32>
    %add3A_98 = arith.addf %add3A_94, %mul3A_97 : vector<512x128xf32>
    %slice3A_99 = vector.extract_strided_slice %dot_general3A_16 {offsets = [0, 2432], sizes = [512, 128], strides = [1, 1]} : vector<512x4096xf32> to vector<512x128xf32>
    %slice3A_100 = vector.extract_strided_slice %dot_general3A_24 {offsets = [0, 2432], sizes = [512, 128], strides = [1, 1]} : vector<512x4096xf32> to vector<512x128xf32>
    %mul3A_101 = arith.mulf %slice3A_99, %slice3A_100 : vector<512x128xf32>
    %add3A_102 = arith.addf %add3A_98, %mul3A_101 : vector<512x128xf32>
    %slice3A_103 = vector.extract_strided_slice %dot_general3A_16 {offsets = [0, 2560], sizes = [512, 128], strides = [1, 1]} : vector<512x4096xf32> to vector<512x128xf32>
    %slice3A_104 = vector.extract_strided_slice %dot_general3A_24 {offsets = [0, 2560], sizes = [512, 128], strides = [1, 1]} : vector<512x4096xf32> to vector<512x128xf32>
    %mul3A_105 = arith.mulf %slice3A_103, %slice3A_104 : vector<512x128xf32>
    %add3A_106 = arith.addf %add3A_102, %mul3A_105 : vector<512x128xf32>
    %slice3A_107 = vector.extract_strided_slice %dot_general3A_16 {offsets = [0, 2688], sizes = [512, 128], strides = [1, 1]} : vector<512x4096xf32> to vector<512x128xf32>
    %slice3A_108 = vector.extract_strided_slice %dot_general3A_24 {offsets = [0, 2688], sizes = [512, 128], strides = [1, 1]} : vector<512x4096xf32> to vector<512x128xf32>
    %mul3A_109 = arith.mulf %slice3A_107, %slice3A_108 : vector<512x128xf32>
    %add3A_110 = arith.addf %add3A_106, %mul3A_109 : vector<512x128xf32>
    %slice3A_111 = vector.extract_strided_slice %dot_general3A_16 {offsets = [0, 2816], sizes = [512, 128], strides = [1, 1]} : vector<512x4096xf32> to vector<512x128xf32>
    %slice3A_112 = vector.extract_strided_slice %dot_general3A_24 {offsets = [0, 2816], sizes = [512, 128], strides = [1, 1]} : vector<512x4096xf32> to vector<512x128xf32>
    %mul3A_113 = arith.mulf %slice3A_111, %slice3A_112 : vector<512x128xf32>
    %add3A_114 = arith.addf %add3A_110, %mul3A_113 : vector<512x128xf32>
    %slice3A_115 = vector.extract_strided_slice %dot_general3A_16 {offsets = [0, 2944], sizes = [512, 128], strides = [1, 1]} : vector<512x4096xf32> to vector<512x128xf32>
    %slice3A_116 = vector.extract_strided_slice %dot_general3A_24 {offsets = [0, 2944], sizes = [512, 128], strides = [1, 1]} : vector<512x4096xf32> to vector<512x128xf32>
    %mul3A_117 = arith.mulf %slice3A_115, %slice3A_116 : vector<512x128xf32>
    %add3A_118 = arith.addf %add3A_114, %mul3A_117 : vector<512x128xf32>
    %slice3A_119 = vector.extract_strided_slice %dot_general3A_16 {offsets = [0, 3072], sizes = [512, 128], strides = [1, 1]} : vector<512x4096xf32> to vector<512x128xf32>
    %slice3A_120 = vector.extract_strided_slice %dot_general3A_24 {offsets = [0, 3072], sizes = [512, 128], strides = [1, 1]} : vector<512x4096xf32> to vector<512x128xf32>
    %mul3A_121 = arith.mulf %slice3A_119, %slice3A_120 : vector<512x128xf32>
    %add3A_122 = arith.addf %add3A_118, %mul3A_121 : vector<512x128xf32>
    %slice3A_123 = vector.extract_strided_slice %dot_general3A_16 {offsets = [0, 3200], sizes = [512, 128], strides = [1, 1]} : vector<512x4096xf32> to vector<512x128xf32>
    %slice3A_124 = vector.extract_strided_slice %dot_general3A_24 {offsets = [0, 3200], sizes = [512, 128], strides = [1, 1]} : vector<512x4096xf32> to vector<512x128xf32>
    %mul3A_125 = arith.mulf %slice3A_123, %slice3A_124 : vector<512x128xf32>
    %add3A_126 = arith.addf %add3A_122, %mul3A_125 : vector<512x128xf32>
    %slice3A_127 = vector.extract_strided_slice %dot_general3A_16 {offsets = [0, 3328], sizes = [512, 128], strides = [1, 1]} : vector<512x4096xf32> to vector<512x128xf32>
    %slice3A_128 = vector.extract_strided_slice %dot_general3A_24 {offsets = [0, 3328], sizes = [512, 128], strides = [1, 1]} : vector<512x4096xf32> to vector<512x128xf32>
    %mul3A_129 = arith.mulf %slice3A_127, %slice3A_128 : vector<512x128xf32>
    %add3A_130 = arith.addf %add3A_126, %mul3A_129 : vector<512x128xf32>
    %slice3A_131 = vector.extract_strided_slice %dot_general3A_16 {offsets = [0, 3456], sizes = [512, 128], strides = [1, 1]} : vector<512x4096xf32> to vector<512x128xf32>
    %slice3A_132 = vector.extract_strided_slice %dot_general3A_24 {offsets = [0, 3456], sizes = [512, 128], strides = [1, 1]} : vector<512x4096xf32> to vector<512x128xf32>
    %mul3A_133 = arith.mulf %slice3A_131, %slice3A_132 : vector<512x128xf32>
    %add3A_134 = arith.addf %add3A_130, %mul3A_133 : vector<512x128xf32>
    %slice3A_135 = vector.extract_strided_slice %dot_general3A_16 {offsets = [0, 3584], sizes = [512, 128], strides = [1, 1]} : vector<512x4096xf32> to vector<512x128xf32>
    %slice3A_136 = vector.extract_strided_slice %dot_general3A_24 {offsets = [0, 3584], sizes = [512, 128], strides = [1, 1]} : vector<512x4096xf32> to vector<512x128xf32>
    %mul3A_137 = arith.mulf %slice3A_135, %slice3A_136 : vector<512x128xf32>
    %add3A_138 = arith.addf %add3A_134, %mul3A_137 : vector<512x128xf32>
    %slice3A_139 = vector.extract_strided_slice %dot_general3A_16 {offsets = [0, 3712], sizes = [512, 128], strides = [1, 1]} : vector<512x4096xf32> to vector<512x128xf32>
    %slice3A_140 = vector.extract_strided_slice %dot_general3A_24 {offsets = [0, 3712], sizes = [512, 128], strides = [1, 1]} : vector<512x4096xf32> to vector<512x128xf32>
    %mul3A_141 = arith.mulf %slice3A_139, %slice3A_140 : vector<512x128xf32>
    %add3A_142 = arith.addf %add3A_138, %mul3A_141 : vector<512x128xf32>
    %slice3A_143 = vector.extract_strided_slice %dot_general3A_16 {offsets = [0, 3840], sizes = [512, 128], strides = [1, 1]} : vector<512x4096xf32> to vector<512x128xf32>
    %slice3A_144 = vector.extract_strided_slice %dot_general3A_24 {offsets = [0, 3840], sizes = [512, 128], strides = [1, 1]} : vector<512x4096xf32> to vector<512x128xf32>
    %mul3A_145 = arith.mulf %slice3A_143, %slice3A_144 : vector<512x128xf32>
    %add3A_146 = arith.addf %add3A_142, %mul3A_145 : vector<512x128xf32>
    %slice3A_147 = vector.extract_strided_slice %dot_general3A_16 {offsets = [0, 3968], sizes = [512, 128], strides = [1, 1]} : vector<512x4096xf32> to vector<512x128xf32>
    %slice3A_148 = vector.extract_strided_slice %dot_general3A_24 {offsets = [0, 3968], sizes = [512, 128], strides = [1, 1]} : vector<512x4096xf32> to vector<512x128xf32>
    %mul3A_149 = arith.mulf %slice3A_147, %slice3A_148 : vector<512x128xf32>
    %add3A_150 = arith.addf %add3A_146, %mul3A_149 : vector<512x128xf32>
    %get3A_151 = arith.constant 0 : index
    %get3A_152 = arith.constant 0 : index
    %get3A_153 = vector.load %arg6[%get3A_151, %get3A_152] : memref<64x128xf32, #tpu.memory_space<vmem>>, vector<64x128xf32>
    %dot_general3A_154 = arith.constant dense<0.000000e+00> : vector<512x128xf32>
    %dot_general3A_155 = tpu.matmul %slice3A, %get3A_153, %dot_general3A_154 {dimension_numbers = #tpu.dot_dimension_numbers<[1], [0], [0], [1], [0, 0, 1, 1], [], []>, transpose_lhs_hint = false} : vector<512x64xf32>, vector<64x128xf32>, vector<512x128xf32> -> vector<512x128xf32>
    %add3A_156 = arith.addf %dot_general3A_155, %add3A_150 : vector<512x128xf32>
    %swap3A = arith.constant 0 : index
    %swap3A_157 = arith.constant 0 : index
    %swap3A_158 = vector.load %arg8[%swap3A, %swap3A_157] : memref<512x128xf32, #tpu.memory_space<vmem>>, vector<512x128xf32>
    tpu.vector_store %arg8[%swap3A, %swap3A_157], %add3A_156 {strides = array<i32>} : memref<512x128xf32, #tpu.memory_space<vmem>>, vector<512x128xf32>,
    return
  }
  func.func @transform_0(%arg0: i32) -> (i32, i32) {
    %c0_i32 = arith.constant 0 : i32
    %c0_i32_0 = arith.constant 0 : i32
    return %arg0, %c0_i32 : i32, i32
  }
  func.func @transform_1(%arg0: i32) -> (i32, i32) {
    %c0_i32 = arith.constant 0 : i32
    %c0_i32_0 = arith.constant 0 : i32
    return %arg0, %c0_i32 : i32, i32
  }
  func.func @transform_2(%arg0: i32) -> (i32, i32) {
    %c0_i32 = arith.constant 0 : i32
    %c0_i32_0 = arith.constant 0 : i32
    %c0_i32_1 = arith.constant 0 : i32
    return %c0_i32, %c0_i32_0 : i32, i32
  }
  func.func @transform_3(%arg0: i32) -> (i32, i32) {
    %c0_i32 = arith.constant 0 : i32
    %c0_i32_0 = arith.constant 0 : i32
    %c0_i32_1 = arith.constant 0 : i32
    return %c0_i32, %c0_i32_0 : i32, i32
  }
  func.func @transform_4(%arg0: i32) -> (i32, i32) {
    %c0_i32 = arith.constant 0 : i32
    %c0_i32_0 = arith.constant 0 : i32
    %c0_i32_1 = arith.constant 0 : i32
    return %c0_i32, %c0_i32_0 : i32, i32
  }
  func.func @transform_5(%arg0: i32) -> (i32, i32) {
    %c0_i32 = arith.constant 0 : i32
    %c0_i32_0 = arith.constant 0 : i32
    %c0_i32_1 = arith.constant 0 : i32
    return %c0_i32, %c0_i32_0 : i32, i32
  }
  func.func @transform_6(%arg0: i32) -> (i32, i32) {
    %c0_i32 = arith.constant 0 : i32
    %c0_i32_0 = arith.constant 0 : i32
    %c0_i32_1 = arith.constant 0 : i32
    return %c0_i32, %c0_i32_0 : i32, i32
  }
  func.func @transform_7(%arg0: i32) -> (i32, i32) {
    %c0_i32 = arith.constant 0 : i32
    %c0_i32_0 = arith.constant 0 : i32
    return %arg0, %c0_i32 : i32, i32
  }
}

module attributes {stable_mosaic.version = 14 : i64} {
  func.func @body(%arg0: i32, %arg1: memref<1024x64xf32, #tpu.memory_space<vmem>>, %arg2: memref<1024x128xf32, #tpu.memory_space<vmem>>, %arg3: memref<1024x128xf32, #tpu.memory_space<vmem>>, %arg4: memref<64x128xf32, #tpu.memory_space<vmem>>, %arg5: memref<1x128xf32, #tpu.memory_space<vmem>>, %arg6: memref<1x128xf32, #tpu.memory_space<vmem>>, %arg7: memref<1x128xf32, #tpu.memory_space<vmem>>, %arg8: memref<1024x128xf32, #tpu.memory_space<vmem>>) attributes {dimension_semantics = [#tpu.dimension_semantics<arbitrary>], iteration_bounds = array<i64: 10>, scalar_prefetch = 0 : i64, scratch_operands = 0 : i64, tpu.core_type = #tpu.core_type<tc>, window_params = [{transform_indices = @transform_0, window_bounds = array<i64: 1024, 64>}, {transform_indices = @transform_1, window_bounds = array<i64: 1024, 128>}, {transform_indices = @transform_2, window_bounds = array<i64: 1024, 128>}, {pipeline_mode = #tpu.pipeline_mode<synchronous>, transform_indices = @transform_3, window_bounds = array<i64: 64, 128>}, {pipeline_mode = #tpu.pipeline_mode<synchronous>, transform_indices = @transform_4, window_bounds = array<i64: 1, 128>}, {pipeline_mode = #tpu.pipeline_mode<synchronous>, transform_indices = @transform_5, window_bounds = array<i64: 1, 128>}, {pipeline_mode = #tpu.pipeline_mode<synchronous>, transform_indices = @transform_6, window_bounds = array<i64: 1, 128>}, {transform_indices = @transform_7, window_bounds = array<i64: 1024, 128>}]} {
    %get3A = arith.constant 0 : index
    %get3A_0 = arith.constant 0 : index
    %get3A_1 = vector.load %arg2[%get3A, %get3A_0] : memref<1024x128xf32, #tpu.memory_space<vmem>>, vector<1024x128xf32>
    %get3A_2 = arith.constant 0 : index
    %get3A_3 = arith.constant 0 : index
    %get3A_4 = vector.load %arg3[%get3A_2, %get3A_3] : memref<1024x128xf32, #tpu.memory_space<vmem>>, vector<1024x128xf32>
    %add3A = arith.addf %get3A_1, %get3A_4 : vector<1024x128xf32>
    %get3A_5 = arith.constant 0 : index
    %get3A_6 = arith.constant 0 : index
    %get3A_7 = vector.load %arg1[%get3A_5, %get3A_6] : memref<1024x64xf32, #tpu.memory_space<vmem>>, vector<1024x64xf32>
    %get3A_8 = arith.constant 0 : index
    %get3A_9 = arith.constant 0 : index
    %get3A_10 = vector.load %arg4[%get3A_8, %get3A_9] : memref<64x128xf32, #tpu.memory_space<vmem>>, vector<64x128xf32>
    %dot_general3A = arith.constant dense<0.000000e+00> : vector<1024x128xf32>
    %dot_general3A_11 = tpu.matmul %get3A_7, %get3A_10, %dot_general3A {dimension_numbers = #tpu.dot_dimension_numbers<[1], [0], [0], [1], [0, 0, 1, 1], [], []>, transpose_lhs_hint = false} : vector<1024x64xf32>, vector<64x128xf32>, vector<1024x128xf32> -> vector<1024x128xf32>
    %add3A_12 = arith.addf %add3A, %dot_general3A_11 : vector<1024x128xf32>
    %get3A_13 = arith.constant 0 : index
    %get3A_14 = arith.constant 0 : index
    %get3A_15 = vector.load %arg5[%get3A_13, %get3A_14] : memref<1x128xf32, #tpu.memory_space<vmem>>, vector<1x128xf32>
    %add3A_16 = vector.broadcast %get3A_15 : vector<1x128xf32> to vector<1024x128xf32>
    %add3A_17 = arith.addf %add3A_12, %add3A_16 : vector<1024x128xf32>
    %max3A = arith.constant 0.000000e+00 : f32
    %max3A_18 = vector.broadcast %max3A : f32 to vector<1024x128xf32>
    %max3A_19 = arith.maximumf %add3A_17, %max3A_18 : vector<1024x128xf32>
    %get3A_20 = arith.constant 0 : index
    %get3A_21 = arith.constant 0 : index
    %get3A_22 = vector.load %arg6[%get3A_20, %get3A_21] : memref<1x128xf32, #tpu.memory_space<vmem>>, vector<1x128xf32>
    %get3A_23 = arith.constant 0 : index
    %get3A_24 = arith.constant 0 : index
    %get3A_25 = vector.load %arg7[%get3A_23, %get3A_24] : memref<1x128xf32, #tpu.memory_space<vmem>>, vector<1x128xf32>
    %reduce_sum3A = arith.constant dense<0.000000e+00> : vector<1024xf32>
    %reduce_sum3A_26 = vector.multi_reduction <add>, %max3A_19, %reduce_sum3A [1] : vector<1024x128xf32> to vector<1024xf32>
    %broadcast_in_dim3A = vector.shape_cast %reduce_sum3A_26 : vector<1024xf32> to vector<1024x1xf32>
    %div3A = arith.constant 1.280000e+02 : f32
    %div3A_27 = vector.broadcast %div3A : f32 to vector<1024x1xf32>
    %div3A_28 = arith.divf %broadcast_in_dim3A, %div3A_27 : vector<1024x1xf32>
    %sub3A = vector.broadcast %div3A_28 : vector<1024x1xf32> to vector<1024x128xf32>
    %sub3A_29 = arith.subf %max3A_19, %sub3A : vector<1024x128xf32>
    %integer_pow3A = arith.mulf %sub3A_29, %sub3A_29 : vector<1024x128xf32>
    %reduce_sum3A_30 = arith.constant dense<0.000000e+00> : vector<1024xf32>
    %reduce_sum3A_31 = vector.multi_reduction <add>, %integer_pow3A, %reduce_sum3A_30 [1] : vector<1024x128xf32> to vector<1024xf32>
    %broadcast_in_dim3A_32 = vector.shape_cast %reduce_sum3A_31 : vector<1024xf32> to vector<1024x1xf32>
    %div3A_33 = arith.constant 1.280000e+02 : f32
    %div3A_34 = vector.broadcast %div3A_33 : f32 to vector<1024x1xf32>
    %div3A_35 = arith.divf %broadcast_in_dim3A_32, %div3A_34 : vector<1024x1xf32>
    %sub3A_36 = vector.broadcast %div3A_28 : vector<1024x1xf32> to vector<1024x128xf32>
    %sub3A_37 = arith.subf %max3A_19, %sub3A_36 : vector<1024x128xf32>
    %add3A_38 = arith.constant 9.99999974E-6 : f32
    %add3A_39 = vector.broadcast %add3A_38 : f32 to vector<1024x1xf32>
    %add3A_40 = arith.addf %div3A_35, %add3A_39 : vector<1024x1xf32>
    %sqrt3A = math.sqrt %add3A_40 : vector<1024x1xf32>
    %div3A_41 = vector.broadcast %sqrt3A : vector<1024x1xf32> to vector<1024x128xf32>
    %div3A_42 = arith.divf %sub3A_37, %div3A_41 : vector<1024x128xf32>
    %mul3A = vector.broadcast %get3A_22 : vector<1x128xf32> to vector<1024x128xf32>
    %mul3A_43 = arith.mulf %div3A_42, %mul3A : vector<1024x128xf32>
    %add3A_44 = vector.broadcast %get3A_25 : vector<1x128xf32> to vector<1024x128xf32>
    %add3A_45 = arith.addf %mul3A_43, %add3A_44 : vector<1024x128xf32>
    %swap3A = arith.constant 0 : index
    %swap3A_46 = arith.constant 0 : index
    %swap3A_47 = vector.load %arg8[%swap3A, %swap3A_46] : memref<1024x128xf32, #tpu.memory_space<vmem>>, vector<1024x128xf32>
    tpu.vector_store %arg8[%swap3A, %swap3A_46], %add3A_45 {strides = array<i32>} : memref<1024x128xf32, #tpu.memory_space<vmem>>, vector<1024x128xf32>,
    return
  }
  func.func @transform_0(%arg0: i32) -> (i32, i32) {
    %c0_i32 = arith.constant 0 : i32
    %c0_i32_0 = arith.constant 0 : i32
    return %arg0, %c0_i32 : i32, i32
  }
  func.func @transform_1(%arg0: i32) -> (i32, i32) {
    %c0_i32 = arith.constant 0 : i32
    %c0_i32_0 = arith.constant 0 : i32
    return %arg0, %c0_i32 : i32, i32
  }
  func.func @transform_2(%arg0: i32) -> (i32, i32) {
    %c0_i32 = arith.constant 0 : i32
    %c0_i32_0 = arith.constant 0 : i32
    return %arg0, %c0_i32 : i32, i32
  }
  func.func @transform_3(%arg0: i32) -> (i32, i32) {
    %c0_i32 = arith.constant 0 : i32
    %c0_i32_0 = arith.constant 0 : i32
    %c0_i32_1 = arith.constant 0 : i32
    return %c0_i32, %c0_i32_0 : i32, i32
  }
  func.func @transform_4(%arg0: i32) -> (i32, i32) {
    %c0_i32 = arith.constant 0 : i32
    %c0_i32_0 = arith.constant 0 : i32
    %c0_i32_1 = arith.constant 0 : i32
    return %c0_i32, %c0_i32_0 : i32, i32
  }
  func.func @transform_5(%arg0: i32) -> (i32, i32) {
    %c0_i32 = arith.constant 0 : i32
    %c0_i32_0 = arith.constant 0 : i32
    %c0_i32_1 = arith.constant 0 : i32
    return %c0_i32, %c0_i32_0 : i32, i32
  }
  func.func @transform_6(%arg0: i32) -> (i32, i32) {
    %c0_i32 = arith.constant 0 : i32
    %c0_i32_0 = arith.constant 0 : i32
    %c0_i32_1 = arith.constant 0 : i32
    return %c0_i32, %c0_i32_0 : i32, i32
  }
  func.func @transform_7(%arg0: i32) -> (i32, i32) {
    %c0_i32 = arith.constant 0 : i32
    %c0_i32_0 = arith.constant 0 : i32
    return %arg0, %c0_i32 : i32, i32
  }
}

module attributes {stable_mosaic.version = 14 : i64} {
  func.func @body(%arg0: i32, %arg1: memref<512x8xf32, #tpu.memory_space<vmem>>, %arg2: memref<512x128xf32, #tpu.memory_space<vmem>>, %arg3: memref<8x32xf32, #tpu.memory_space<vmem>>, %arg4: memref<1x32xf32, #tpu.memory_space<vmem>>, %arg5: memref<128x1024xf32, #tpu.memory_space<vmem>>, %arg6: memref<128x32xf32, #tpu.memory_space<vmem>>, %arg7: memref<32x1024xf32, #tpu.memory_space<vmem>>, %arg8: memref<512x128xf32, #tpu.memory_space<vmem>>) attributes {dimension_semantics = [#tpu.dimension_semantics<arbitrary>], iteration_bounds = array<i64: 320>, scalar_prefetch = 0 : i64, scratch_operands = 0 : i64, tpu.core_type = #tpu.core_type<tc>, window_params = [{transform_indices = @transform_0, window_bounds = array<i64: 512, 8>}, {transform_indices = @transform_1, window_bounds = array<i64: 512, 128>}, {pipeline_mode = #tpu.pipeline_mode<synchronous>, transform_indices = @transform_2, window_bounds = array<i64: 8, 32>}, {pipeline_mode = #tpu.pipeline_mode<synchronous>, transform_indices = @transform_3, window_bounds = array<i64: 1, 32>}, {pipeline_mode = #tpu.pipeline_mode<synchronous>, transform_indices = @transform_4, window_bounds = array<i64: 128, 1024>}, {pipeline_mode = #tpu.pipeline_mode<synchronous>, transform_indices = @transform_5, window_bounds = array<i64: 128, 32>}, {pipeline_mode = #tpu.pipeline_mode<synchronous>, transform_indices = @transform_6, window_bounds = array<i64: 32, 1024>}, {transform_indices = @transform_7, window_bounds = array<i64: 512, 128>}]} {
    %get3A = arith.constant 0 : index
    %get3A_0 = arith.constant 0 : index
    %get3A_1 = vector.load %arg1[%get3A, %get3A_0] : memref<512x8xf32, #tpu.memory_space<vmem>>, vector<512x8xf32>
    %get3A_2 = arith.constant 0 : index
    %get3A_3 = arith.constant 0 : index
    %get3A_4 = vector.load %arg3[%get3A_2, %get3A_3] : memref<8x32xf32, #tpu.memory_space<vmem>>, vector<8x32xf32>
    %dot_general3A = arith.constant dense<0.000000e+00> : vector<512x32xf32>
    %dot_general3A_5 = tpu.matmul %get3A_1, %get3A_4, %dot_general3A {dimension_numbers = #tpu.dot_dimension_numbers<[1], [0], [0], [1], [0, 0, 1, 1], [], []>, transpose_lhs_hint = false} : vector<512x8xf32>, vector<8x32xf32>, vector<512x32xf32> -> vector<512x32xf32>
    %get3A_6 = arith.constant 0 : index
    %get3A_7 = arith.constant 0 : index
    %get3A_8 = vector.load %arg4[%get3A_6, %get3A_7] : memref<1x32xf32, #tpu.memory_space<vmem>>, vector<1x32xf32>
    %add3A = vector.broadcast %get3A_8 : vector<1x32xf32> to vector<512x32xf32>
    %add3A_9 = arith.addf %dot_general3A_5, %add3A : vector<512x32xf32>
    %max3A = arith.constant 0.000000e+00 : f32
    %max3A_10 = vector.broadcast %max3A : f32 to vector<512x32xf32>
    %max3A_11 = arith.maximumf %add3A_9, %max3A_10 : vector<512x32xf32>
    %get3A_12 = arith.constant 0 : index
    %get3A_13 = arith.constant 0 : index
    %get3A_14 = vector.load %arg7[%get3A_12, %get3A_13] : memref<32x1024xf32, #tpu.memory_space<vmem>>, vector<32x1024xf32>
    %dot_general3A_15 = arith.constant dense<0.000000e+00> : vector<512x1024xf32>
    %dot_general3A_16 = tpu.matmul %max3A_11, %get3A_14, %dot_general3A_15 {dimension_numbers = #tpu.dot_dimension_numbers<[1], [0], [0], [1], [0, 0, 1, 1], [], []>, transpose_lhs_hint = false} : vector<512x32xf32>, vector<32x1024xf32>, vector<512x1024xf32> -> vector<512x1024xf32>
    %get3A_17 = arith.constant 0 : index
    %get3A_18 = arith.constant 0 : index
    %get3A_19 = vector.load %arg2[%get3A_17, %get3A_18] : memref<512x128xf32, #tpu.memory_space<vmem>>, vector<512x128xf32>
    %get3A_20 = arith.constant 0 : index
    %get3A_21 = arith.constant 0 : index
    %get3A_22 = vector.load %arg5[%get3A_20, %get3A_21] : memref<128x1024xf32, #tpu.memory_space<vmem>>, vector<128x1024xf32>
    %dot_general3A_23 = arith.constant dense<0.000000e+00> : vector<512x1024xf32>
    %dot_general3A_24 = tpu.matmul %get3A_19, %get3A_22, %dot_general3A_23 {dimension_numbers = #tpu.dot_dimension_numbers<[1], [0], [0], [1], [0, 0, 1, 1], [], []>, transpose_lhs_hint = false} : vector<512x128xf32>, vector<128x1024xf32>, vector<512x1024xf32> -> vector<512x1024xf32>
    %slice3A = vector.extract_strided_slice %dot_general3A_16 {offsets = [0, 0], sizes = [512, 128], strides = [1, 1]} : vector<512x1024xf32> to vector<512x128xf32>
    %slice3A_25 = vector.extract_strided_slice %dot_general3A_24 {offsets = [0, 0], sizes = [512, 128], strides = [1, 1]} : vector<512x1024xf32> to vector<512x128xf32>
    %mul3A = arith.mulf %slice3A, %slice3A_25 : vector<512x128xf32>
    %slice3A_26 = vector.extract_strided_slice %dot_general3A_16 {offsets = [0, 128], sizes = [512, 128], strides = [1, 1]} : vector<512x1024xf32> to vector<512x128xf32>
    %slice3A_27 = vector.extract_strided_slice %dot_general3A_24 {offsets = [0, 128], sizes = [512, 128], strides = [1, 1]} : vector<512x1024xf32> to vector<512x128xf32>
    %mul3A_28 = arith.mulf %slice3A_26, %slice3A_27 : vector<512x128xf32>
    %add3A_29 = arith.addf %mul3A, %mul3A_28 : vector<512x128xf32>
    %slice3A_30 = vector.extract_strided_slice %dot_general3A_16 {offsets = [0, 256], sizes = [512, 128], strides = [1, 1]} : vector<512x1024xf32> to vector<512x128xf32>
    %slice3A_31 = vector.extract_strided_slice %dot_general3A_24 {offsets = [0, 256], sizes = [512, 128], strides = [1, 1]} : vector<512x1024xf32> to vector<512x128xf32>
    %mul3A_32 = arith.mulf %slice3A_30, %slice3A_31 : vector<512x128xf32>
    %add3A_33 = arith.addf %add3A_29, %mul3A_32 : vector<512x128xf32>
    %slice3A_34 = vector.extract_strided_slice %dot_general3A_16 {offsets = [0, 384], sizes = [512, 128], strides = [1, 1]} : vector<512x1024xf32> to vector<512x128xf32>
    %slice3A_35 = vector.extract_strided_slice %dot_general3A_24 {offsets = [0, 384], sizes = [512, 128], strides = [1, 1]} : vector<512x1024xf32> to vector<512x128xf32>
    %mul3A_36 = arith.mulf %slice3A_34, %slice3A_35 : vector<512x128xf32>
    %add3A_37 = arith.addf %add3A_33, %mul3A_36 : vector<512x128xf32>
    %slice3A_38 = vector.extract_strided_slice %dot_general3A_16 {offsets = [0, 512], sizes = [512, 128], strides = [1, 1]} : vector<512x1024xf32> to vector<512x128xf32>
    %slice3A_39 = vector.extract_strided_slice %dot_general3A_24 {offsets = [0, 512], sizes = [512, 128], strides = [1, 1]} : vector<512x1024xf32> to vector<512x128xf32>
    %mul3A_40 = arith.mulf %slice3A_38, %slice3A_39 : vector<512x128xf32>
    %add3A_41 = arith.addf %add3A_37, %mul3A_40 : vector<512x128xf32>
    %slice3A_42 = vector.extract_strided_slice %dot_general3A_16 {offsets = [0, 640], sizes = [512, 128], strides = [1, 1]} : vector<512x1024xf32> to vector<512x128xf32>
    %slice3A_43 = vector.extract_strided_slice %dot_general3A_24 {offsets = [0, 640], sizes = [512, 128], strides = [1, 1]} : vector<512x1024xf32> to vector<512x128xf32>
    %mul3A_44 = arith.mulf %slice3A_42, %slice3A_43 : vector<512x128xf32>
    %add3A_45 = arith.addf %add3A_41, %mul3A_44 : vector<512x128xf32>
    %slice3A_46 = vector.extract_strided_slice %dot_general3A_16 {offsets = [0, 768], sizes = [512, 128], strides = [1, 1]} : vector<512x1024xf32> to vector<512x128xf32>
    %slice3A_47 = vector.extract_strided_slice %dot_general3A_24 {offsets = [0, 768], sizes = [512, 128], strides = [1, 1]} : vector<512x1024xf32> to vector<512x128xf32>
    %mul3A_48 = arith.mulf %slice3A_46, %slice3A_47 : vector<512x128xf32>
    %add3A_49 = arith.addf %add3A_45, %mul3A_48 : vector<512x128xf32>
    %slice3A_50 = vector.extract_strided_slice %dot_general3A_16 {offsets = [0, 896], sizes = [512, 128], strides = [1, 1]} : vector<512x1024xf32> to vector<512x128xf32>
    %slice3A_51 = vector.extract_strided_slice %dot_general3A_24 {offsets = [0, 896], sizes = [512, 128], strides = [1, 1]} : vector<512x1024xf32> to vector<512x128xf32>
    %mul3A_52 = arith.mulf %slice3A_50, %slice3A_51 : vector<512x128xf32>
    %add3A_53 = arith.addf %add3A_49, %mul3A_52 : vector<512x128xf32>
    %get3A_54 = arith.constant 0 : index
    %get3A_55 = arith.constant 0 : index
    %get3A_56 = vector.load %arg6[%get3A_54, %get3A_55] : memref<128x32xf32, #tpu.memory_space<vmem>>, vector<128x32xf32>
    %dot_general3A_57 = arith.constant dense<0.000000e+00> : vector<512x32xf32>
    %dot_general3A_58 = tpu.matmul %get3A_19, %get3A_56, %dot_general3A_57 {dimension_numbers = #tpu.dot_dimension_numbers<[1], [0], [0], [1], [0, 0, 1, 1], [], []>, transpose_lhs_hint = false} : vector<512x128xf32>, vector<128x32xf32>, vector<512x32xf32> -> vector<512x32xf32>
    %slice3A_59 = vector.extract_strided_slice %add3A_53 {offsets = [0, 0], sizes = [512, 32], strides = [1, 1]} : vector<512x128xf32> to vector<512x32xf32>
    %add3A_60 = arith.addf %dot_general3A_58, %slice3A_59 : vector<512x32xf32>
    %slice3A_61 = vector.extract_strided_slice %add3A_53 {offsets = [0, 32], sizes = [512, 32], strides = [1, 1]} : vector<512x128xf32> to vector<512x32xf32>
    %add3A_62 = arith.addf %add3A_60, %slice3A_61 : vector<512x32xf32>
    %slice3A_63 = vector.extract_strided_slice %add3A_53 {offsets = [0, 64], sizes = [512, 32], strides = [1, 1]} : vector<512x128xf32> to vector<512x32xf32>
    %add3A_64 = arith.addf %add3A_62, %slice3A_63 : vector<512x32xf32>
    %slice3A_65 = vector.extract_strided_slice %add3A_53 {offsets = [0, 96], sizes = [512, 32], strides = [1, 1]} : vector<512x128xf32> to vector<512x32xf32>
    %add3A_66 = arith.addf %add3A_64, %slice3A_65 : vector<512x32xf32>
    %broadcast_in_dim3A = arith.constant 0.000000e+00 : f32
    %broadcast_in_dim3A_67 = vector.broadcast %broadcast_in_dim3A : f32 to vector<512x96xf32>
    %concatenate3A = tpu.concatenate %add3A_66, %broadcast_in_dim3A_67 in 1 : vector<512x32xf32>, vector<512x96xf32> -> vector<512x128xf32>
    %swap3A = arith.constant 0 : index
    %swap3A_68 = arith.constant 0 : index
    %swap3A_69 = vector.load %arg8[%swap3A, %swap3A_68] : memref<512x128xf32, #tpu.memory_space<vmem>>, vector<512x128xf32>
    tpu.vector_store %arg8[%swap3A, %swap3A_68], %concatenate3A {strides = array<i32>} : memref<512x128xf32, #tpu.memory_space<vmem>>, vector<512x128xf32>,
    return
  }
  func.func @transform_0(%arg0: i32) -> (i32, i32) {
    %c0_i32 = arith.constant 0 : i32
    %c0_i32_0 = arith.constant 0 : i32
    return %arg0, %c0_i32 : i32, i32
  }
  func.func @transform_1(%arg0: i32) -> (i32, i32) {
    %c0_i32 = arith.constant 0 : i32
    %c0_i32_0 = arith.constant 0 : i32
    return %arg0, %c0_i32 : i32, i32
  }
  func.func @transform_2(%arg0: i32) -> (i32, i32) {
    %c0_i32 = arith.constant 0 : i32
    %c0_i32_0 = arith.constant 0 : i32
    %c0_i32_1 = arith.constant 0 : i32
    return %c0_i32, %c0_i32_0 : i32, i32
  }
  func.func @transform_3(%arg0: i32) -> (i32, i32) {
    %c0_i32 = arith.constant 0 : i32
    %c0_i32_0 = arith.constant 0 : i32
    %c0_i32_1 = arith.constant 0 : i32
    return %c0_i32, %c0_i32_0 : i32, i32
  }
  func.func @transform_4(%arg0: i32) -> (i32, i32) {
    %c0_i32 = arith.constant 0 : i32
    %c0_i32_0 = arith.constant 0 : i32
    %c0_i32_1 = arith.constant 0 : i32
    return %c0_i32, %c0_i32_0 : i32, i32
  }
  func.func @transform_5(%arg0: i32) -> (i32, i32) {
    %c0_i32 = arith.constant 0 : i32
    %c0_i32_0 = arith.constant 0 : i32
    %c0_i32_1 = arith.constant 0 : i32
    return %c0_i32, %c0_i32_0 : i32, i32
  }
  func.func @transform_6(%arg0: i32) -> (i32, i32) {
    %c0_i32 = arith.constant 0 : i32
    %c0_i32_0 = arith.constant 0 : i32
    %c0_i32_1 = arith.constant 0 : i32
    return %c0_i32, %c0_i32_0 : i32, i32
  }
  func.func @transform_7(%arg0: i32) -> (i32, i32) {
    %c0_i32 = arith.constant 0 : i32
    %c0_i32_0 = arith.constant 0 : i32
    return %arg0, %c0_i32 : i32, i32
  }
}

module attributes {stable_mosaic.version = 14 : i64} {
  func.func @body(%arg0: i32, %arg1: memref<1024x128xf32, #tpu.memory_space<vmem>>, %arg2: memref<1024x128xf32, #tpu.memory_space<vmem>>, %arg3: memref<1024x128xf32, #tpu.memory_space<vmem>>, %arg4: memref<128x32xf32, #tpu.memory_space<vmem>>, %arg5: memref<1x32xf32, #tpu.memory_space<vmem>>, %arg6: memref<1x32xf32, #tpu.memory_space<vmem>>, %arg7: memref<1x32xf32, #tpu.memory_space<vmem>>, %arg8: memref<1024x32xf32, #tpu.memory_space<vmem>>) attributes {dimension_semantics = [#tpu.dimension_semantics<arbitrary>], iteration_bounds = array<i64: 10>, scalar_prefetch = 0 : i64, scratch_operands = 0 : i64, tpu.core_type = #tpu.core_type<tc>, window_params = [{transform_indices = @transform_0, window_bounds = array<i64: 1024, 128>}, {transform_indices = @transform_1, window_bounds = array<i64: 1024, 128>}, {transform_indices = @transform_2, window_bounds = array<i64: 1024, 128>}, {pipeline_mode = #tpu.pipeline_mode<synchronous>, transform_indices = @transform_3, window_bounds = array<i64: 128, 32>}, {pipeline_mode = #tpu.pipeline_mode<synchronous>, transform_indices = @transform_4, window_bounds = array<i64: 1, 32>}, {pipeline_mode = #tpu.pipeline_mode<synchronous>, transform_indices = @transform_5, window_bounds = array<i64: 1, 32>}, {pipeline_mode = #tpu.pipeline_mode<synchronous>, transform_indices = @transform_6, window_bounds = array<i64: 1, 32>}, {transform_indices = @transform_7, window_bounds = array<i64: 1024, 32>}]} {
    %get3A = arith.constant 0 : index
    %get3A_0 = arith.constant 0 : index
    %get3A_1 = vector.load %arg2[%get3A, %get3A_0] : memref<1024x128xf32, #tpu.memory_space<vmem>>, vector<1024x128xf32>
    %slice3A = vector.extract_strided_slice %get3A_1 {offsets = [0, 0], sizes = [1024, 32], strides = [1, 1]} : vector<1024x128xf32> to vector<1024x32xf32>
    %get3A_2 = arith.constant 0 : index
    %get3A_3 = arith.constant 0 : index
    %get3A_4 = vector.load %arg3[%get3A_2, %get3A_3] : memref<1024x128xf32, #tpu.memory_space<vmem>>, vector<1024x128xf32>
    %slice3A_5 = vector.extract_strided_slice %get3A_4 {offsets = [0, 0], sizes = [1024, 32], strides = [1, 1]} : vector<1024x128xf32> to vector<1024x32xf32>
    %add3A = arith.addf %slice3A, %slice3A_5 : vector<1024x32xf32>
    %get3A_6 = arith.constant 0 : index
    %get3A_7 = arith.constant 0 : index
    %get3A_8 = vector.load %arg1[%get3A_6, %get3A_7] : memref<1024x128xf32, #tpu.memory_space<vmem>>, vector<1024x128xf32>
    %get3A_9 = arith.constant 0 : index
    %get3A_10 = arith.constant 0 : index
    %get3A_11 = vector.load %arg4[%get3A_9, %get3A_10] : memref<128x32xf32, #tpu.memory_space<vmem>>, vector<128x32xf32>
    %dot_general3A = arith.constant dense<0.000000e+00> : vector<1024x32xf32>
    %dot_general3A_12 = tpu.matmul %get3A_8, %get3A_11, %dot_general3A {dimension_numbers = #tpu.dot_dimension_numbers<[1], [0], [0], [1], [0, 0, 1, 1], [], []>, transpose_lhs_hint = false} : vector<1024x128xf32>, vector<128x32xf32>, vector<1024x32xf32> -> vector<1024x32xf32>
    %add3A_13 = arith.addf %add3A, %dot_general3A_12 : vector<1024x32xf32>
    %get3A_14 = arith.constant 0 : index
    %get3A_15 = arith.constant 0 : index
    %get3A_16 = vector.load %arg5[%get3A_14, %get3A_15] : memref<1x32xf32, #tpu.memory_space<vmem>>, vector<1x32xf32>
    %add3A_17 = vector.broadcast %get3A_16 : vector<1x32xf32> to vector<1024x32xf32>
    %add3A_18 = arith.addf %add3A_13, %add3A_17 : vector<1024x32xf32>
    %max3A = arith.constant 0.000000e+00 : f32
    %max3A_19 = vector.broadcast %max3A : f32 to vector<1024x32xf32>
    %max3A_20 = arith.maximumf %add3A_18, %max3A_19 : vector<1024x32xf32>
    %get3A_21 = arith.constant 0 : index
    %get3A_22 = arith.constant 0 : index
    %get3A_23 = vector.load %arg6[%get3A_21, %get3A_22] : memref<1x32xf32, #tpu.memory_space<vmem>>, vector<1x32xf32>
    %get3A_24 = arith.constant 0 : index
    %get3A_25 = arith.constant 0 : index
    %get3A_26 = vector.load %arg7[%get3A_24, %get3A_25] : memref<1x32xf32, #tpu.memory_space<vmem>>, vector<1x32xf32>
    %reduce_sum3A = arith.constant dense<0.000000e+00> : vector<1024xf32>
    %reduce_sum3A_27 = vector.multi_reduction <add>, %max3A_20, %reduce_sum3A [1] : vector<1024x32xf32> to vector<1024xf32>
    %broadcast_in_dim3A = vector.shape_cast %reduce_sum3A_27 : vector<1024xf32> to vector<1024x1xf32>
    %div3A = arith.constant 3.200000e+01 : f32
    %div3A_28 = vector.broadcast %div3A : f32 to vector<1024x1xf32>
    %div3A_29 = arith.divf %broadcast_in_dim3A, %div3A_28 : vector<1024x1xf32>
    %sub3A = vector.broadcast %div3A_29 : vector<1024x1xf32> to vector<1024x32xf32>
    %sub3A_30 = arith.subf %max3A_20, %sub3A : vector<1024x32xf32>
    %integer_pow3A = arith.mulf %sub3A_30, %sub3A_30 : vector<1024x32xf32>
    %reduce_sum3A_31 = arith.constant dense<0.000000e+00> : vector<1024xf32>
    %reduce_sum3A_32 = vector.multi_reduction <add>, %integer_pow3A, %reduce_sum3A_31 [1] : vector<1024x32xf32> to vector<1024xf32>
    %broadcast_in_dim3A_33 = vector.shape_cast %reduce_sum3A_32 : vector<1024xf32> to vector<1024x1xf32>
    %div3A_34 = arith.constant 3.200000e+01 : f32
    %div3A_35 = vector.broadcast %div3A_34 : f32 to vector<1024x1xf32>
    %div3A_36 = arith.divf %broadcast_in_dim3A_33, %div3A_35 : vector<1024x1xf32>
    %sub3A_37 = vector.broadcast %div3A_29 : vector<1024x1xf32> to vector<1024x32xf32>
    %sub3A_38 = arith.subf %max3A_20, %sub3A_37 : vector<1024x32xf32>
    %add3A_39 = arith.constant 9.99999974E-6 : f32
    %add3A_40 = vector.broadcast %add3A_39 : f32 to vector<1024x1xf32>
    %add3A_41 = arith.addf %div3A_36, %add3A_40 : vector<1024x1xf32>
    %sqrt3A = math.sqrt %add3A_41 : vector<1024x1xf32>
    %div3A_42 = vector.broadcast %sqrt3A : vector<1024x1xf32> to vector<1024x32xf32>
    %div3A_43 = arith.divf %sub3A_38, %div3A_42 : vector<1024x32xf32>
    %mul3A = vector.broadcast %get3A_23 : vector<1x32xf32> to vector<1024x32xf32>
    %mul3A_44 = arith.mulf %div3A_43, %mul3A : vector<1024x32xf32>
    %add3A_45 = vector.broadcast %get3A_26 : vector<1x32xf32> to vector<1024x32xf32>
    %add3A_46 = arith.addf %mul3A_44, %add3A_45 : vector<1024x32xf32>
    %swap3A = arith.constant 0 : index
    %swap3A_47 = arith.constant 0 : index
    %swap3A_48 = vector.load %arg8[%swap3A, %swap3A_47] : memref<1024x32xf32, #tpu.memory_space<vmem>>, vector<1024x32xf32>
    tpu.vector_store %arg8[%swap3A, %swap3A_47], %add3A_46 {strides = array<i32>} : memref<1024x32xf32, #tpu.memory_space<vmem>>, vector<1024x32xf32>,
    return
  }
  func.func @transform_0(%arg0: i32) -> (i32, i32) {
    %c0_i32 = arith.constant 0 : i32
    %c0_i32_0 = arith.constant 0 : i32
    return %arg0, %c0_i32 : i32, i32
  }
  func.func @transform_1(%arg0: i32) -> (i32, i32) {
    %c0_i32 = arith.constant 0 : i32
    %c0_i32_0 = arith.constant 0 : i32
    return %arg0, %c0_i32 : i32, i32
  }
  func.func @transform_2(%arg0: i32) -> (i32, i32) {
    %c0_i32 = arith.constant 0 : i32
    %c0_i32_0 = arith.constant 0 : i32
    return %arg0, %c0_i32 : i32, i32
  }
  func.func @transform_3(%arg0: i32) -> (i32, i32) {
    %c0_i32 = arith.constant 0 : i32
    %c0_i32_0 = arith.constant 0 : i32
    %c0_i32_1 = arith.constant 0 : i32
    return %c0_i32, %c0_i32_0 : i32, i32
  }
  func.func @transform_4(%arg0: i32) -> (i32, i32) {
    %c0_i32 = arith.constant 0 : i32
    %c0_i32_0 = arith.constant 0 : i32
    %c0_i32_1 = arith.constant 0 : i32
    return %c0_i32, %c0_i32_0 : i32, i32
  }
  func.func @transform_5(%arg0: i32) -> (i32, i32) {
    %c0_i32 = arith.constant 0 : i32
    %c0_i32_0 = arith.constant 0 : i32
    %c0_i32_1 = arith.constant 0 : i32
    return %c0_i32, %c0_i32_0 : i32, i32
  }
  func.func @transform_6(%arg0: i32) -> (i32, i32) {
    %c0_i32 = arith.constant 0 : i32
    %c0_i32_0 = arith.constant 0 : i32
    %c0_i32_1 = arith.constant 0 : i32
    return %c0_i32, %c0_i32_0 : i32, i32
  }
  func.func @transform_7(%arg0: i32) -> (i32, i32) {
    %c0_i32 = arith.constant 0 : i32
    %c0_i32_0 = arith.constant 0 : i32
    return %arg0, %c0_i32 : i32, i32
  }
}

module attributes {stable_mosaic.version = 14 : i64} {
  func.func @body(%arg0: i32, %arg1: memref<1024x32xf32, #tpu.memory_space<vmem>>, %arg2: memref<32x96xf32, #tpu.memory_space<vmem>>, %arg3: memref<1x96xf32, #tpu.memory_space<vmem>>, %arg4: memref<1024x96xf32, #tpu.memory_space<vmem>>) attributes {dimension_semantics = [#tpu.dimension_semantics<arbitrary>], iteration_bounds = array<i64: 10>, scalar_prefetch = 0 : i64, scratch_operands = 0 : i64, tpu.core_type = #tpu.core_type<tc>, window_params = [{transform_indices = @transform_0, window_bounds = array<i64: 1024, 32>}, {pipeline_mode = #tpu.pipeline_mode<synchronous>, transform_indices = @transform_1, window_bounds = array<i64: 32, 96>}, {pipeline_mode = #tpu.pipeline_mode<synchronous>, transform_indices = @transform_2, window_bounds = array<i64: 1, 96>}, {transform_indices = @transform_3, window_bounds = array<i64: 1024, 96>}]} {
    %get3A = arith.constant 0 : index
    %get3A_0 = arith.constant 0 : index
    %get3A_1 = vector.load %arg1[%get3A, %get3A_0] : memref<1024x32xf32, #tpu.memory_space<vmem>>, vector<1024x32xf32>
    %get3A_2 = arith.constant 0 : index
    %get3A_3 = arith.constant 0 : index
    %get3A_4 = vector.load %arg2[%get3A_2, %get3A_3] : memref<32x96xf32, #tpu.memory_space<vmem>>, vector<32x96xf32>
    %dot_general3A = arith.constant dense<0.000000e+00> : vector<1024x96xf32>
    %dot_general3A_5 = tpu.matmul %get3A_1, %get3A_4, %dot_general3A {dimension_numbers = #tpu.dot_dimension_numbers<[1], [0], [0], [1], [0, 0, 1, 1], [], []>, transpose_lhs_hint = false} : vector<1024x32xf32>, vector<32x96xf32>, vector<1024x96xf32> -> vector<1024x96xf32>
    %get3A_6 = arith.constant 0 : index
    %get3A_7 = arith.constant 0 : index
    %get3A_8 = vector.load %arg3[%get3A_6, %get3A_7] : memref<1x96xf32, #tpu.memory_space<vmem>>, vector<1x96xf32>
    %add3A = vector.broadcast %get3A_8 : vector<1x96xf32> to vector<1024x96xf32>
    %add3A_9 = arith.addf %dot_general3A_5, %add3A : vector<1024x96xf32>
    %swap3A = arith.constant 0 : index
    %swap3A_10 = arith.constant 0 : index
    %swap3A_11 = vector.load %arg4[%swap3A, %swap3A_10] : memref<1024x96xf32, #tpu.memory_space<vmem>>, vector<1024x96xf32>
    tpu.vector_store %arg4[%swap3A, %swap3A_10], %add3A_9 {strides = array<i32>} : memref<1024x96xf32, #tpu.memory_space<vmem>>, vector<1024x96xf32>,
    return
  }
  func.func @transform_0(%arg0: i32) -> (i32, i32) {
    %c0_i32 = arith.constant 0 : i32
    %c0_i32_0 = arith.constant 0 : i32
    return %arg0, %c0_i32 : i32, i32
  }
  func.func @transform_1(%arg0: i32) -> (i32, i32) {
    %c0_i32 = arith.constant 0 : i32
    %c0_i32_0 = arith.constant 0 : i32
    %c0_i32_1 = arith.constant 0 : i32
    return %c0_i32, %c0_i32_0 : i32, i32
  }
  func.func @transform_2(%arg0: i32) -> (i32, i32) {
    %c0_i32 = arith.constant 0 : i32
    %c0_i32_0 = arith.constant 0 : i32
    %c0_i32_1 = arith.constant 0 : i32
    return %c0_i32, %c0_i32_0 : i32, i32
  }
  func.func @transform_3(%arg0: i32) -> (i32, i32) {
    %c0_i32 = arith.constant 0 : i32
    %c0_i32_0 = arith.constant 0 : i32
    return %arg0, %c0_i32 : i32, i32
  }
}

module attributes {stable_mosaic.version = 14 : i64} {
  func.func @body(%arg0: i32, %arg1: memref<256x32xf32, #tpu.memory_space<vmem>>, %arg2: memref<10240x96xf32, #tpu.memory_space<vmem>>, %arg3: memref<32x32xf32, #tpu.memory_space<vmem>>, %arg4: memref<1x32xf32, #tpu.memory_space<vmem>>, %arg5: memref<1x32xf32, #tpu.memory_space<vmem>>, %arg6: memref<1x32xf32, #tpu.memory_space<vmem>>, %arg7: memref<32x64xf32, #tpu.memory_space<vmem>>, %arg8: memref<1x64xf32, #tpu.memory_space<vmem>>, %arg9: memref<64x32xf32, #tpu.memory_space<vmem>>, %arg10: memref<1x32xf32, #tpu.memory_space<vmem>>, %arg11: memref<1x32xf32, #tpu.memory_space<vmem>>, %arg12: memref<1x32xf32, #tpu.memory_space<vmem>>, %arg13: memref<256x32xf32, #tpu.memory_space<vmem>>) attributes {dimension_semantics = [#tpu.dimension_semantics<arbitrary>], iteration_bounds = array<i64: 40>, scalar_prefetch = 0 : i64, scratch_operands = 0 : i64, tpu.core_type = #tpu.core_type<tc>, window_params = [{transform_indices = @transform_0, window_bounds = array<i64: 256, 32>}, {pipeline_mode = #tpu.pipeline_mode<synchronous>, transform_indices = @transform_1, window_bounds = array<i64: 10240, 96>}, {pipeline_mode = #tpu.pipeline_mode<synchronous>, transform_indices = @transform_2, window_bounds = array<i64: 32, 32>}, {pipeline_mode = #tpu.pipeline_mode<synchronous>, transform_indices = @transform_3, window_bounds = array<i64: 1, 32>}, {pipeline_mode = #tpu.pipeline_mode<synchronous>, transform_indices = @transform_4, window_bounds = array<i64: 1, 32>}, {pipeline_mode = #tpu.pipeline_mode<synchronous>, transform_indices = @transform_5, window_bounds = array<i64: 1, 32>}, {pipeline_mode = #tpu.pipeline_mode<synchronous>, transform_indices = @transform_6, window_bounds = array<i64: 32, 64>}, {pipeline_mode = #tpu.pipeline_mode<synchronous>, transform_indices = @transform_7, window_bounds = array<i64: 1, 64>}, {pipeline_mode = #tpu.pipeline_mode<synchronous>, transform_indices = @transform_8, window_bounds = array<i64: 64, 32>}, {pipeline_mode = #tpu.pipeline_mode<synchronous>, transform_indices = @transform_9, window_bounds = array<i64: 1, 32>}, {pipeline_mode = #tpu.pipeline_mode<synchronous>, transform_indices = @transform_10, window_bounds = array<i64: 1, 32>}, {pipeline_mode = #tpu.pipeline_mode<synchronous>, transform_indices = @transform_11, window_bounds = array<i64: 1, 32>}, {transform_indices = @transform_12, window_bounds = array<i64: 256, 32>}]} {
    %mul3A = arith.constant 256 : i32
    %mul3A_0 = arith.muli %arg0, %mul3A : i32
    %get3A = arith.index_cast %mul3A_0 : i32 to index
    %get3A_1 = arith.constant 0 : index
    %get3A_2 = vector.load %arg2[%get3A, %get3A_1] : memref<10240x96xf32, #tpu.memory_space<vmem>>, vector<256x32xf32>
    %mul3A_3 = arith.constant 0.353553385 : f32
    %mul3A_4 = vector.broadcast %mul3A_3 : f32 to vector<256x32xf32>
    %mul3A_5 = arith.mulf %get3A_2, %mul3A_4 : vector<256x32xf32>
    %slice3A = vector.extract_strided_slice %mul3A_5 {offsets = [0, 0], sizes = [256, 8], strides = [1, 1]} : vector<256x32xf32> to vector<256x8xf32>
    %broadcast_in_dim3A = arith.constant -1.000000e+30 : f32
    %broadcast_in_dim3A_6 = vector.broadcast %broadcast_in_dim3A : f32 to vector<256x1xf32>
    %broadcast_in_dim3A_7 = arith.constant 0.000000e+00 : f32
    %broadcast_in_dim3A_8 = vector.broadcast %broadcast_in_dim3A_7 : f32 to vector<256x1xf32>
    %broadcast_in_dim3A_9 = arith.constant 0.000000e+00 : f32
    %broadcast_in_dim3A_10 = vector.broadcast %broadcast_in_dim3A_9 : f32 to vector<256x8xf32>
    %scan3A = arith.constant 0 : i32
    %scan3A_11 = arith.constant 10 : i32
    %scan3A_12 = arith.addi %scan3A, %scan3A_11 : i32
    %scan3A_13 = arith.constant 1 : i32
    %scan3A_14:3 = scf.for %scan3A_161 = %scan3A to %scan3A_12 step %scan3A_13 iter_args(%scan3A_162 = %broadcast_in_dim3A_6, %scan3A_163 = %broadcast_in_dim3A_8, %scan3A_164 = %broadcast_in_dim3A_10) -> (vector<256x1xf32>, vector<256x1xf32>, vector<256x8xf32>)  : i32 {
      %mul3A_165 = arith.constant 1024 : i32
      %mul3A_166 = arith.muli %scan3A_161, %mul3A_165 : i32
      %get3A_167 = arith.index_cast %mul3A_166 : i32 to index
      %get3A_168 = arith.constant 0 : index
      %get3A_169 = vector.load %arg2[%get3A_167, %get3A_168] : memref<10240x96xf32, #tpu.memory_space<vmem>>, vector<1024x96xf32>
      %slice3A_170 = vector.extract_strided_slice %get3A_169 {offsets = [0, 32], sizes = [1024, 8], strides = [1, 1]} : vector<1024x96xf32> to vector<1024x8xf32>
      %slice3A_171 = vector.extract_strided_slice %get3A_169 {offsets = [0, 64], sizes = [1024, 8], strides = [1, 1]} : vector<1024x96xf32> to vector<1024x8xf32>
      %dot_general3A_172 = arith.constant dense<0.000000e+00> : vector<256x1024xf32>
      %dot_general3A_173 = tpu.matmul %slice3A, %slice3A_170, %dot_general3A_172 {dimension_numbers = #tpu.dot_dimension_numbers<[1], [1], [0], [0], [0, 0, 1, 0], [], []>, transpose_lhs_hint = false} : vector<256x8xf32>, vector<1024x8xf32>, vector<256x1024xf32> -> vector<256x1024xf32>
      %mul3A_174 = arith.constant 1024 : i32
      %mul3A_175 = arith.muli %scan3A_161, %mul3A_174 : i32
      %iota3A = tpu.iota {dimensions = array<i32: 1>} : vector<256x1024xi32>
      %add3A_176 = vector.broadcast %mul3A_175 : i32 to vector<256x1024xi32>
      %add3A_177 = arith.addi %add3A_176, %iota3A : vector<256x1024xi32>
      %ge3A = arith.constant 10000 : i32
      %ge3A_178 = vector.broadcast %ge3A : i32 to vector<256x1024xi32>
      %ge3A_179 = arith.cmpi sge, %add3A_177, %ge3A_178 : vector<256x1024xi32>
      %jit3A = arith.constant -1.000000e+30 : f32
      %broadcast_in_dim3A_180 = vector.broadcast %jit3A : f32 to vector<256x1024xf32>
      %select_n3A = arith.select %ge3A_179, %broadcast_in_dim3A_180, %dot_general3A_173 : vector<256x1024xi1>, vector<256x1024xf32>
      %reduce_max3A = arith.constant dense<0xFF800000> : vector<256xf32>
      %reduce_max3A_181 = vector.multi_reduction <maximumf>, %select_n3A, %reduce_max3A [1] : vector<256x1024xf32> to vector<256xf32>
      %broadcast_in_dim3A_182 = vector.shape_cast %reduce_max3A_181 : vector<256xf32> to vector<256x1xf32>
      %max3A_183 = arith.maximumf %scan3A_162, %broadcast_in_dim3A_182 : vector<256x1xf32>
      %sub3A_184 = vector.broadcast %max3A_183 : vector<256x1xf32> to vector<256x1024xf32>
      %sub3A_185 = arith.subf %select_n3A, %sub3A_184 : vector<256x1024xf32>
      %exp3A = math.exp %sub3A_185 : vector<256x1024xf32>
      %sub3A_186 = arith.subf %scan3A_162, %max3A_183 : vector<256x1xf32>
      %exp3A_187 = math.exp %sub3A_186 : vector<256x1xf32>
      %mul3A_188 = arith.mulf %scan3A_163, %exp3A_187 : vector<256x1xf32>
      %reduce_sum3A_189 = arith.constant dense<0.000000e+00> : vector<256xf32>
      %reduce_sum3A_190 = vector.multi_reduction <add>, %exp3A, %reduce_sum3A_189 [1] : vector<256x1024xf32> to vector<256xf32>
      %broadcast_in_dim3A_191 = vector.shape_cast %reduce_sum3A_190 : vector<256xf32> to vector<256x1xf32>
      %add3A_192 = arith.addf %mul3A_188, %broadcast_in_dim3A_191 : vector<256x1xf32>
      %mul3A_193 = vector.broadcast %exp3A_187 : vector<256x1xf32> to vector<256x8xf32>
      %mul3A_194 = arith.mulf %scan3A_164, %mul3A_193 : vector<256x8xf32>
      %dot_general3A_195 = arith.constant dense<0.000000e+00> : vector<256x8xf32>
      %dot_general3A_196 = tpu.matmul %exp3A, %slice3A_171, %dot_general3A_195 {dimension_numbers = #tpu.dot_dimension_numbers<[1], [0], [0], [1], [0, 0, 1, 1], [], []>, transpose_lhs_hint = false} : vector<256x1024xf32>, vector<1024x8xf32>, vector<256x8xf32> -> vector<256x8xf32>
      %add3A_197 = arith.addf %mul3A_194, %dot_general3A_196 : vector<256x8xf32>
      scf.yield %max3A_183, %add3A_192, %add3A_197 : vector<256x1xf32>, vector<256x1xf32>, vector<256x8xf32>
    }
    %scan3A_15 = arith.constant 10 : i32
    %div3A = vector.broadcast %scan3A_14#1 : vector<256x1xf32> to vector<256x8xf32>
    %div3A_16 = arith.divf %scan3A_14#2, %div3A : vector<256x8xf32>
    %slice3A_17 = vector.extract_strided_slice %mul3A_5 {offsets = [0, 8], sizes = [256, 8], strides = [1, 1]} : vector<256x32xf32> to vector<256x8xf32>
    %broadcast_in_dim3A_18 = arith.constant -1.000000e+30 : f32
    %broadcast_in_dim3A_19 = vector.broadcast %broadcast_in_dim3A_18 : f32 to vector<256x1xf32>
    %broadcast_in_dim3A_20 = arith.constant 0.000000e+00 : f32
    %broadcast_in_dim3A_21 = vector.broadcast %broadcast_in_dim3A_20 : f32 to vector<256x1xf32>
    %broadcast_in_dim3A_22 = arith.constant 0.000000e+00 : f32
    %broadcast_in_dim3A_23 = vector.broadcast %broadcast_in_dim3A_22 : f32 to vector<256x8xf32>
    %scan3A_24 = arith.constant 0 : i32
    %scan3A_25 = arith.constant 10 : i32
    %scan3A_26 = arith.addi %scan3A_24, %scan3A_25 : i32
    %scan3A_27 = arith.constant 1 : i32
    %scan3A_28:3 = scf.for %scan3A_161 = %scan3A_24 to %scan3A_26 step %scan3A_27 iter_args(%scan3A_162 = %broadcast_in_dim3A_19, %scan3A_163 = %broadcast_in_dim3A_21, %scan3A_164 = %broadcast_in_dim3A_23) -> (vector<256x1xf32>, vector<256x1xf32>, vector<256x8xf32>)  : i32 {
      %mul3A_165 = arith.constant 1024 : i32
      %mul3A_166 = arith.muli %scan3A_161, %mul3A_165 : i32
      %get3A_167 = arith.index_cast %mul3A_166 : i32 to index
      %get3A_168 = arith.constant 0 : index
      %get3A_169 = vector.load %arg2[%get3A_167, %get3A_168] : memref<10240x96xf32, #tpu.memory_space<vmem>>, vector<1024x96xf32>
      %slice3A_170 = vector.extract_strided_slice %get3A_169 {offsets = [0, 40], sizes = [1024, 8], strides = [1, 1]} : vector<1024x96xf32> to vector<1024x8xf32>
      %slice3A_171 = vector.extract_strided_slice %get3A_169 {offsets = [0, 72], sizes = [1024, 8], strides = [1, 1]} : vector<1024x96xf32> to vector<1024x8xf32>
      %dot_general3A_172 = arith.constant dense<0.000000e+00> : vector<256x1024xf32>
      %dot_general3A_173 = tpu.matmul %slice3A_17, %slice3A_170, %dot_general3A_172 {dimension_numbers = #tpu.dot_dimension_numbers<[1], [1], [0], [0], [0, 0, 1, 0], [], []>, transpose_lhs_hint = false} : vector<256x8xf32>, vector<1024x8xf32>, vector<256x1024xf32> -> vector<256x1024xf32>
      %mul3A_174 = arith.constant 1024 : i32
      %mul3A_175 = arith.muli %scan3A_161, %mul3A_174 : i32
      %iota3A = tpu.iota {dimensions = array<i32: 1>} : vector<256x1024xi32>
      %add3A_176 = vector.broadcast %mul3A_175 : i32 to vector<256x1024xi32>
      %add3A_177 = arith.addi %add3A_176, %iota3A : vector<256x1024xi32>
      %ge3A = arith.constant 10000 : i32
      %ge3A_178 = vector.broadcast %ge3A : i32 to vector<256x1024xi32>
      %ge3A_179 = arith.cmpi sge, %add3A_177, %ge3A_178 : vector<256x1024xi32>
      %jit3A = arith.constant -1.000000e+30 : f32
      %broadcast_in_dim3A_180 = vector.broadcast %jit3A : f32 to vector<256x1024xf32>
      %select_n3A = arith.select %ge3A_179, %broadcast_in_dim3A_180, %dot_general3A_173 : vector<256x1024xi1>, vector<256x1024xf32>
      %reduce_max3A = arith.constant dense<0xFF800000> : vector<256xf32>
      %reduce_max3A_181 = vector.multi_reduction <maximumf>, %select_n3A, %reduce_max3A [1] : vector<256x1024xf32> to vector<256xf32>
      %broadcast_in_dim3A_182 = vector.shape_cast %reduce_max3A_181 : vector<256xf32> to vector<256x1xf32>
      %max3A_183 = arith.maximumf %scan3A_162, %broadcast_in_dim3A_182 : vector<256x1xf32>
      %sub3A_184 = vector.broadcast %max3A_183 : vector<256x1xf32> to vector<256x1024xf32>
      %sub3A_185 = arith.subf %select_n3A, %sub3A_184 : vector<256x1024xf32>
      %exp3A = math.exp %sub3A_185 : vector<256x1024xf32>
      %sub3A_186 = arith.subf %scan3A_162, %max3A_183 : vector<256x1xf32>
      %exp3A_187 = math.exp %sub3A_186 : vector<256x1xf32>
      %mul3A_188 = arith.mulf %scan3A_163, %exp3A_187 : vector<256x1xf32>
      %reduce_sum3A_189 = arith.constant dense<0.000000e+00> : vector<256xf32>
      %reduce_sum3A_190 = vector.multi_reduction <add>, %exp3A, %reduce_sum3A_189 [1] : vector<256x1024xf32> to vector<256xf32>
      %broadcast_in_dim3A_191 = vector.shape_cast %reduce_sum3A_190 : vector<256xf32> to vector<256x1xf32>
      %add3A_192 = arith.addf %mul3A_188, %broadcast_in_dim3A_191 : vector<256x1xf32>
      %mul3A_193 = vector.broadcast %exp3A_187 : vector<256x1xf32> to vector<256x8xf32>
      %mul3A_194 = arith.mulf %scan3A_164, %mul3A_193 : vector<256x8xf32>
      %dot_general3A_195 = arith.constant dense<0.000000e+00> : vector<256x8xf32>
      %dot_general3A_196 = tpu.matmul %exp3A, %slice3A_171, %dot_general3A_195 {dimension_numbers = #tpu.dot_dimension_numbers<[1], [0], [0], [1], [0, 0, 1, 1], [], []>, transpose_lhs_hint = false} : vector<256x1024xf32>, vector<1024x8xf32>, vector<256x8xf32> -> vector<256x8xf32>
      %add3A_197 = arith.addf %mul3A_194, %dot_general3A_196 : vector<256x8xf32>
      scf.yield %max3A_183, %add3A_192, %add3A_197 : vector<256x1xf32>, vector<256x1xf32>, vector<256x8xf32>
    }
    %scan3A_29 = arith.constant 10 : i32
    %div3A_30 = vector.broadcast %scan3A_28#1 : vector<256x1xf32> to vector<256x8xf32>
    %div3A_31 = arith.divf %scan3A_28#2, %div3A_30 : vector<256x8xf32>
    %slice3A_32 = vector.extract_strided_slice %mul3A_5 {offsets = [0, 16], sizes = [256, 8], strides = [1, 1]} : vector<256x32xf32> to vector<256x8xf32>
    %broadcast_in_dim3A_33 = arith.constant -1.000000e+30 : f32
    %broadcast_in_dim3A_34 = vector.broadcast %broadcast_in_dim3A_33 : f32 to vector<256x1xf32>
    %broadcast_in_dim3A_35 = arith.constant 0.000000e+00 : f32
    %broadcast_in_dim3A_36 = vector.broadcast %broadcast_in_dim3A_35 : f32 to vector<256x1xf32>
    %broadcast_in_dim3A_37 = arith.constant 0.000000e+00 : f32
    %broadcast_in_dim3A_38 = vector.broadcast %broadcast_in_dim3A_37 : f32 to vector<256x8xf32>
    %scan3A_39 = arith.constant 0 : i32
    %scan3A_40 = arith.constant 10 : i32
    %scan3A_41 = arith.addi %scan3A_39, %scan3A_40 : i32
    %scan3A_42 = arith.constant 1 : i32
    %scan3A_43:3 = scf.for %scan3A_161 = %scan3A_39 to %scan3A_41 step %scan3A_42 iter_args(%scan3A_162 = %broadcast_in_dim3A_34, %scan3A_163 = %broadcast_in_dim3A_36, %scan3A_164 = %broadcast_in_dim3A_38) -> (vector<256x1xf32>, vector<256x1xf32>, vector<256x8xf32>)  : i32 {
      %mul3A_165 = arith.constant 1024 : i32
      %mul3A_166 = arith.muli %scan3A_161, %mul3A_165 : i32
      %get3A_167 = arith.index_cast %mul3A_166 : i32 to index
      %get3A_168 = arith.constant 0 : index
      %get3A_169 = vector.load %arg2[%get3A_167, %get3A_168] : memref<10240x96xf32, #tpu.memory_space<vmem>>, vector<1024x96xf32>
      %slice3A_170 = vector.extract_strided_slice %get3A_169 {offsets = [0, 48], sizes = [1024, 8], strides = [1, 1]} : vector<1024x96xf32> to vector<1024x8xf32>
      %slice3A_171 = vector.extract_strided_slice %get3A_169 {offsets = [0, 80], sizes = [1024, 8], strides = [1, 1]} : vector<1024x96xf32> to vector<1024x8xf32>
      %dot_general3A_172 = arith.constant dense<0.000000e+00> : vector<256x1024xf32>
      %dot_general3A_173 = tpu.matmul %slice3A_32, %slice3A_170, %dot_general3A_172 {dimension_numbers = #tpu.dot_dimension_numbers<[1], [1], [0], [0], [0, 0, 1, 0], [], []>, transpose_lhs_hint = false} : vector<256x8xf32>, vector<1024x8xf32>, vector<256x1024xf32> -> vector<256x1024xf32>
      %mul3A_174 = arith.constant 1024 : i32
      %mul3A_175 = arith.muli %scan3A_161, %mul3A_174 : i32
      %iota3A = tpu.iota {dimensions = array<i32: 1>} : vector<256x1024xi32>
      %add3A_176 = vector.broadcast %mul3A_175 : i32 to vector<256x1024xi32>
      %add3A_177 = arith.addi %add3A_176, %iota3A : vector<256x1024xi32>
      %ge3A = arith.constant 10000 : i32
      %ge3A_178 = vector.broadcast %ge3A : i32 to vector<256x1024xi32>
      %ge3A_179 = arith.cmpi sge, %add3A_177, %ge3A_178 : vector<256x1024xi32>
      %jit3A = arith.constant -1.000000e+30 : f32
      %broadcast_in_dim3A_180 = vector.broadcast %jit3A : f32 to vector<256x1024xf32>
      %select_n3A = arith.select %ge3A_179, %broadcast_in_dim3A_180, %dot_general3A_173 : vector<256x1024xi1>, vector<256x1024xf32>
      %reduce_max3A = arith.constant dense<0xFF800000> : vector<256xf32>
      %reduce_max3A_181 = vector.multi_reduction <maximumf>, %select_n3A, %reduce_max3A [1] : vector<256x1024xf32> to vector<256xf32>
      %broadcast_in_dim3A_182 = vector.shape_cast %reduce_max3A_181 : vector<256xf32> to vector<256x1xf32>
      %max3A_183 = arith.maximumf %scan3A_162, %broadcast_in_dim3A_182 : vector<256x1xf32>
      %sub3A_184 = vector.broadcast %max3A_183 : vector<256x1xf32> to vector<256x1024xf32>
      %sub3A_185 = arith.subf %select_n3A, %sub3A_184 : vector<256x1024xf32>
      %exp3A = math.exp %sub3A_185 : vector<256x1024xf32>
      %sub3A_186 = arith.subf %scan3A_162, %max3A_183 : vector<256x1xf32>
      %exp3A_187 = math.exp %sub3A_186 : vector<256x1xf32>
      %mul3A_188 = arith.mulf %scan3A_163, %exp3A_187 : vector<256x1xf32>
      %reduce_sum3A_189 = arith.constant dense<0.000000e+00> : vector<256xf32>
      %reduce_sum3A_190 = vector.multi_reduction <add>, %exp3A, %reduce_sum3A_189 [1] : vector<256x1024xf32> to vector<256xf32>
      %broadcast_in_dim3A_191 = vector.shape_cast %reduce_sum3A_190 : vector<256xf32> to vector<256x1xf32>
      %add3A_192 = arith.addf %mul3A_188, %broadcast_in_dim3A_191 : vector<256x1xf32>
      %mul3A_193 = vector.broadcast %exp3A_187 : vector<256x1xf32> to vector<256x8xf32>
      %mul3A_194 = arith.mulf %scan3A_164, %mul3A_193 : vector<256x8xf32>
      %dot_general3A_195 = arith.constant dense<0.000000e+00> : vector<256x8xf32>
      %dot_general3A_196 = tpu.matmul %exp3A, %slice3A_171, %dot_general3A_195 {dimension_numbers = #tpu.dot_dimension_numbers<[1], [0], [0], [1], [0, 0, 1, 1], [], []>, transpose_lhs_hint = false} : vector<256x1024xf32>, vector<1024x8xf32>, vector<256x8xf32> -> vector<256x8xf32>
      %add3A_197 = arith.addf %mul3A_194, %dot_general3A_196 : vector<256x8xf32>
      scf.yield %max3A_183, %add3A_192, %add3A_197 : vector<256x1xf32>, vector<256x1xf32>, vector<256x8xf32>
    }
    %scan3A_44 = arith.constant 10 : i32
    %div3A_45 = vector.broadcast %scan3A_43#1 : vector<256x1xf32> to vector<256x8xf32>
    %div3A_46 = arith.divf %scan3A_43#2, %div3A_45 : vector<256x8xf32>
    %slice3A_47 = vector.extract_strided_slice %mul3A_5 {offsets = [0, 24], sizes = [256, 8], strides = [1, 1]} : vector<256x32xf32> to vector<256x8xf32>
    %broadcast_in_dim3A_48 = arith.constant -1.000000e+30 : f32
    %broadcast_in_dim3A_49 = vector.broadcast %broadcast_in_dim3A_48 : f32 to vector<256x1xf32>
    %broadcast_in_dim3A_50 = arith.constant 0.000000e+00 : f32
    %broadcast_in_dim3A_51 = vector.broadcast %broadcast_in_dim3A_50 : f32 to vector<256x1xf32>
    %broadcast_in_dim3A_52 = arith.constant 0.000000e+00 : f32
    %broadcast_in_dim3A_53 = vector.broadcast %broadcast_in_dim3A_52 : f32 to vector<256x8xf32>
    %scan3A_54 = arith.constant 0 : i32
    %scan3A_55 = arith.constant 10 : i32
    %scan3A_56 = arith.addi %scan3A_54, %scan3A_55 : i32
    %scan3A_57 = arith.constant 1 : i32
    %scan3A_58:3 = scf.for %scan3A_161 = %scan3A_54 to %scan3A_56 step %scan3A_57 iter_args(%scan3A_162 = %broadcast_in_dim3A_49, %scan3A_163 = %broadcast_in_dim3A_51, %scan3A_164 = %broadcast_in_dim3A_53) -> (vector<256x1xf32>, vector<256x1xf32>, vector<256x8xf32>)  : i32 {
      %mul3A_165 = arith.constant 1024 : i32
      %mul3A_166 = arith.muli %scan3A_161, %mul3A_165 : i32
      %get3A_167 = arith.index_cast %mul3A_166 : i32 to index
      %get3A_168 = arith.constant 0 : index
      %get3A_169 = vector.load %arg2[%get3A_167, %get3A_168] : memref<10240x96xf32, #tpu.memory_space<vmem>>, vector<1024x96xf32>
      %slice3A_170 = vector.extract_strided_slice %get3A_169 {offsets = [0, 56], sizes = [1024, 8], strides = [1, 1]} : vector<1024x96xf32> to vector<1024x8xf32>
      %slice3A_171 = vector.extract_strided_slice %get3A_169 {offsets = [0, 88], sizes = [1024, 8], strides = [1, 1]} : vector<1024x96xf32> to vector<1024x8xf32>
      %dot_general3A_172 = arith.constant dense<0.000000e+00> : vector<256x1024xf32>
      %dot_general3A_173 = tpu.matmul %slice3A_47, %slice3A_170, %dot_general3A_172 {dimension_numbers = #tpu.dot_dimension_numbers<[1], [1], [0], [0], [0, 0, 1, 0], [], []>, transpose_lhs_hint = false} : vector<256x8xf32>, vector<1024x8xf32>, vector<256x1024xf32> -> vector<256x1024xf32>
      %mul3A_174 = arith.constant 1024 : i32
      %mul3A_175 = arith.muli %scan3A_161, %mul3A_174 : i32
      %iota3A = tpu.iota {dimensions = array<i32: 1>} : vector<256x1024xi32>
      %add3A_176 = vector.broadcast %mul3A_175 : i32 to vector<256x1024xi32>
      %add3A_177 = arith.addi %add3A_176, %iota3A : vector<256x1024xi32>
      %ge3A = arith.constant 10000 : i32
      %ge3A_178 = vector.broadcast %ge3A : i32 to vector<256x1024xi32>
      %ge3A_179 = arith.cmpi sge, %add3A_177, %ge3A_178 : vector<256x1024xi32>
      %jit3A = arith.constant -1.000000e+30 : f32
      %broadcast_in_dim3A_180 = vector.broadcast %jit3A : f32 to vector<256x1024xf32>
      %select_n3A = arith.select %ge3A_179, %broadcast_in_dim3A_180, %dot_general3A_173 : vector<256x1024xi1>, vector<256x1024xf32>
      %reduce_max3A = arith.constant dense<0xFF800000> : vector<256xf32>
      %reduce_max3A_181 = vector.multi_reduction <maximumf>, %select_n3A, %reduce_max3A [1] : vector<256x1024xf32> to vector<256xf32>
      %broadcast_in_dim3A_182 = vector.shape_cast %reduce_max3A_181 : vector<256xf32> to vector<256x1xf32>
      %max3A_183 = arith.maximumf %scan3A_162, %broadcast_in_dim3A_182 : vector<256x1xf32>
      %sub3A_184 = vector.broadcast %max3A_183 : vector<256x1xf32> to vector<256x1024xf32>
      %sub3A_185 = arith.subf %select_n3A, %sub3A_184 : vector<256x1024xf32>
      %exp3A = math.exp %sub3A_185 : vector<256x1024xf32>
      %sub3A_186 = arith.subf %scan3A_162, %max3A_183 : vector<256x1xf32>
      %exp3A_187 = math.exp %sub3A_186 : vector<256x1xf32>
      %mul3A_188 = arith.mulf %scan3A_163, %exp3A_187 : vector<256x1xf32>
      %reduce_sum3A_189 = arith.constant dense<0.000000e+00> : vector<256xf32>
      %reduce_sum3A_190 = vector.multi_reduction <add>, %exp3A, %reduce_sum3A_189 [1] : vector<256x1024xf32> to vector<256xf32>
      %broadcast_in_dim3A_191 = vector.shape_cast %reduce_sum3A_190 : vector<256xf32> to vector<256x1xf32>
      %add3A_192 = arith.addf %mul3A_188, %broadcast_in_dim3A_191 : vector<256x1xf32>
      %mul3A_193 = vector.broadcast %exp3A_187 : vector<256x1xf32> to vector<256x8xf32>
      %mul3A_194 = arith.mulf %scan3A_164, %mul3A_193 : vector<256x8xf32>
      %dot_general3A_195 = arith.constant dense<0.000000e+00> : vector<256x8xf32>
      %dot_general3A_196 = tpu.matmul %exp3A, %slice3A_171, %dot_general3A_195 {dimension_numbers = #tpu.dot_dimension_numbers<[1], [0], [0], [1], [0, 0, 1, 1], [], []>, transpose_lhs_hint = false} : vector<256x1024xf32>, vector<1024x8xf32>, vector<256x8xf32> -> vector<256x8xf32>
      %add3A_197 = arith.addf %mul3A_194, %dot_general3A_196 : vector<256x8xf32>
      scf.yield %max3A_183, %add3A_192, %add3A_197 : vector<256x1xf32>, vector<256x1xf32>, vector<256x8xf32>
    }
    %scan3A_59 = arith.constant 10 : i32
    %div3A_60 = vector.broadcast %scan3A_58#1 : vector<256x1xf32> to vector<256x8xf32>
    %div3A_61 = arith.divf %scan3A_58#2, %div3A_60 : vector<256x8xf32>
    %concatenate3A = tpu.concatenate %div3A_16, %div3A_31, %div3A_46, %div3A_61 in 1 : vector<256x8xf32>, vector<256x8xf32>, vector<256x8xf32>, vector<256x8xf32> -> vector<256x32xf32>
    %get3A_62 = arith.constant 0 : index
    %get3A_63 = arith.constant 0 : index
    %get3A_64 = vector.load %arg3[%get3A_62, %get3A_63] : memref<32x32xf32, #tpu.memory_space<vmem>>, vector<32x32xf32>
    %dot_general3A = arith.constant dense<0.000000e+00> : vector<256x32xf32>
    %dot_general3A_65 = tpu.matmul %concatenate3A, %get3A_64, %dot_general3A {dimension_numbers = #tpu.dot_dimension_numbers<[1], [0], [0], [1], [0, 0, 1, 1], [], []>, transpose_lhs_hint = false} : vector<256x32xf32>, vector<32x32xf32>, vector<256x32xf32> -> vector<256x32xf32>
    %get3A_66 = arith.constant 0 : index
    %get3A_67 = arith.constant 0 : index
    %get3A_68 = vector.load %arg4[%get3A_66, %get3A_67] : memref<1x32xf32, #tpu.memory_space<vmem>>, vector<1x32xf32>
    %add3A = vector.broadcast %get3A_68 : vector<1x32xf32> to vector<256x32xf32>
    %add3A_69 = arith.addf %dot_general3A_65, %add3A : vector<256x32xf32>
    %get3A_70 = arith.constant 0 : index
    %get3A_71 = arith.constant 0 : index
    %get3A_72 = vector.load %arg1[%get3A_70, %get3A_71] : memref<256x32xf32, #tpu.memory_space<vmem>>, vector<256x32xf32>
    %add3A_73 = arith.addf %get3A_72, %add3A_69 : vector<256x32xf32>
    %get3A_74 = arith.constant 0 : index
    %get3A_75 = arith.constant 0 : index
    %get3A_76 = vector.load %arg5[%get3A_74, %get3A_75] : memref<1x32xf32, #tpu.memory_space<vmem>>, vector<1x32xf32>
    %get3A_77 = arith.constant 0 : index
    %get3A_78 = arith.constant 0 : index
    %get3A_79 = vector.load %arg6[%get3A_77, %get3A_78] : memref<1x32xf32, #tpu.memory_space<vmem>>, vector<1x32xf32>
    %reduce_sum3A = arith.constant dense<0.000000e+00> : vector<256xf32>
    %reduce_sum3A_80 = vector.multi_reduction <add>, %add3A_73, %reduce_sum3A [1] : vector<256x32xf32> to vector<256xf32>
    %broadcast_in_dim3A_81 = vector.shape_cast %reduce_sum3A_80 : vector<256xf32> to vector<256x1xf32>
    %div3A_82 = arith.constant 3.200000e+01 : f32
    %div3A_83 = vector.broadcast %div3A_82 : f32 to vector<256x1xf32>
    %div3A_84 = arith.divf %broadcast_in_dim3A_81, %div3A_83 : vector<256x1xf32>
    %sub3A = vector.broadcast %div3A_84 : vector<256x1xf32> to vector<256x32xf32>
    %sub3A_85 = arith.subf %add3A_73, %sub3A : vector<256x32xf32>
    %integer_pow3A = arith.mulf %sub3A_85, %sub3A_85 : vector<256x32xf32>
    %reduce_sum3A_86 = arith.constant dense<0.000000e+00> : vector<256xf32>
    %reduce_sum3A_87 = vector.multi_reduction <add>, %integer_pow3A, %reduce_sum3A_86 [1] : vector<256x32xf32> to vector<256xf32>
    %broadcast_in_dim3A_88 = vector.shape_cast %reduce_sum3A_87 : vector<256xf32> to vector<256x1xf32>
    %div3A_89 = arith.constant 3.200000e+01 : f32
    %div3A_90 = vector.broadcast %div3A_89 : f32 to vector<256x1xf32>
    %div3A_91 = arith.divf %broadcast_in_dim3A_88, %div3A_90 : vector<256x1xf32>
    %sub3A_92 = vector.broadcast %div3A_84 : vector<256x1xf32> to vector<256x32xf32>
    %sub3A_93 = arith.subf %add3A_73, %sub3A_92 : vector<256x32xf32>
    %add3A_94 = arith.constant 9.99999974E-6 : f32
    %add3A_95 = vector.broadcast %add3A_94 : f32 to vector<256x1xf32>
    %add3A_96 = arith.addf %div3A_91, %add3A_95 : vector<256x1xf32>
    %sqrt3A = math.sqrt %add3A_96 : vector<256x1xf32>
    %div3A_97 = vector.broadcast %sqrt3A : vector<256x1xf32> to vector<256x32xf32>
    %div3A_98 = arith.divf %sub3A_93, %div3A_97 : vector<256x32xf32>
    %mul3A_99 = vector.broadcast %get3A_76 : vector<1x32xf32> to vector<256x32xf32>
    %mul3A_100 = arith.mulf %div3A_98, %mul3A_99 : vector<256x32xf32>
    %add3A_101 = vector.broadcast %get3A_79 : vector<1x32xf32> to vector<256x32xf32>
    %add3A_102 = arith.addf %mul3A_100, %add3A_101 : vector<256x32xf32>
    %get3A_103 = arith.constant 0 : index
    %get3A_104 = arith.constant 0 : index
    %get3A_105 = vector.load %arg7[%get3A_103, %get3A_104] : memref<32x64xf32, #tpu.memory_space<vmem>>, vector<32x64xf32>
    %dot_general3A_106 = arith.constant dense<0.000000e+00> : vector<256x64xf32>
    %dot_general3A_107 = tpu.matmul %add3A_102, %get3A_105, %dot_general3A_106 {dimension_numbers = #tpu.dot_dimension_numbers<[1], [0], [0], [1], [0, 0, 1, 1], [], []>, transpose_lhs_hint = false} : vector<256x32xf32>, vector<32x64xf32>, vector<256x64xf32> -> vector<256x64xf32>
    %get3A_108 = arith.constant 0 : index
    %get3A_109 = arith.constant 0 : index
    %get3A_110 = vector.load %arg8[%get3A_108, %get3A_109] : memref<1x64xf32, #tpu.memory_space<vmem>>, vector<1x64xf32>
    %add3A_111 = vector.broadcast %get3A_110 : vector<1x64xf32> to vector<256x64xf32>
    %add3A_112 = arith.addf %dot_general3A_107, %add3A_111 : vector<256x64xf32>
    %max3A = arith.constant 0.000000e+00 : f32
    %max3A_113 = vector.broadcast %max3A : f32 to vector<256x64xf32>
    %max3A_114 = arith.maximumf %add3A_112, %max3A_113 : vector<256x64xf32>
    %get3A_115 = arith.constant 0 : index
    %get3A_116 = arith.constant 0 : index
    %get3A_117 = vector.load %arg9[%get3A_115, %get3A_116] : memref<64x32xf32, #tpu.memory_space<vmem>>, vector<64x32xf32>
    %dot_general3A_118 = arith.constant dense<0.000000e+00> : vector<256x32xf32>
    %dot_general3A_119 = tpu.matmul %max3A_114, %get3A_117, %dot_general3A_118 {dimension_numbers = #tpu.dot_dimension_numbers<[1], [0], [0], [1], [0, 0, 1, 1], [], []>, transpose_lhs_hint = false} : vector<256x64xf32>, vector<64x32xf32>, vector<256x32xf32> -> vector<256x32xf32>
    %get3A_120 = arith.constant 0 : index
    %get3A_121 = arith.constant 0 : index
    %get3A_122 = vector.load %arg10[%get3A_120, %get3A_121] : memref<1x32xf32, #tpu.memory_space<vmem>>, vector<1x32xf32>
    %add3A_123 = vector.broadcast %get3A_122 : vector<1x32xf32> to vector<256x32xf32>
    %add3A_124 = arith.addf %dot_general3A_119, %add3A_123 : vector<256x32xf32>
    %add3A_125 = arith.addf %add3A_102, %add3A_124 : vector<256x32xf32>
    %get3A_126 = arith.constant 0 : index
    %get3A_127 = arith.constant 0 : index
    %get3A_128 = vector.load %arg11[%get3A_126, %get3A_127] : memref<1x32xf32, #tpu.memory_space<vmem>>, vector<1x32xf32>
    %get3A_129 = arith.constant 0 : index
    %get3A_130 = arith.constant 0 : index
    %get3A_131 = vector.load %arg12[%get3A_129, %get3A_130] : memref<1x32xf32, #tpu.memory_space<vmem>>, vector<1x32xf32>
    %reduce_sum3A_132 = arith.constant dense<0.000000e+00> : vector<256xf32>
    %reduce_sum3A_133 = vector.multi_reduction <add>, %add3A_125, %reduce_sum3A_132 [1] : vector<256x32xf32> to vector<256xf32>
    %broadcast_in_dim3A_134 = vector.shape_cast %reduce_sum3A_133 : vector<256xf32> to vector<256x1xf32>
    %div3A_135 = arith.constant 3.200000e+01 : f32
    %div3A_136 = vector.broadcast %div3A_135 : f32 to vector<256x1xf32>
    %div3A_137 = arith.divf %broadcast_in_dim3A_134, %div3A_136 : vector<256x1xf32>
    %sub3A_138 = vector.broadcast %div3A_137 : vector<256x1xf32> to vector<256x32xf32>
    %sub3A_139 = arith.subf %add3A_125, %sub3A_138 : vector<256x32xf32>
    %integer_pow3A_140 = arith.mulf %sub3A_139, %sub3A_139 : vector<256x32xf32>
    %reduce_sum3A_141 = arith.constant dense<0.000000e+00> : vector<256xf32>
    %reduce_sum3A_142 = vector.multi_reduction <add>, %integer_pow3A_140, %reduce_sum3A_141 [1] : vector<256x32xf32> to vector<256xf32>
    %broadcast_in_dim3A_143 = vector.shape_cast %reduce_sum3A_142 : vector<256xf32> to vector<256x1xf32>
    %div3A_144 = arith.constant 3.200000e+01 : f32
    %div3A_145 = vector.broadcast %div3A_144 : f32 to vector<256x1xf32>
    %div3A_146 = arith.divf %broadcast_in_dim3A_143, %div3A_145 : vector<256x1xf32>
    %sub3A_147 = vector.broadcast %div3A_137 : vector<256x1xf32> to vector<256x32xf32>
    %sub3A_148 = arith.subf %add3A_125, %sub3A_147 : vector<256x32xf32>
    %add3A_149 = arith.constant 9.99999974E-6 : f32
    %add3A_150 = vector.broadcast %add3A_149 : f32 to vector<256x1xf32>
    %add3A_151 = arith.addf %div3A_146, %add3A_150 : vector<256x1xf32>
    %sqrt3A_152 = math.sqrt %add3A_151 : vector<256x1xf32>
    %div3A_153 = vector.broadcast %sqrt3A_152 : vector<256x1xf32> to vector<256x32xf32>
    %div3A_154 = arith.divf %sub3A_148, %div3A_153 : vector<256x32xf32>
    %mul3A_155 = vector.broadcast %get3A_128 : vector<1x32xf32> to vector<256x32xf32>
    %mul3A_156 = arith.mulf %div3A_154, %mul3A_155 : vector<256x32xf32>
    %add3A_157 = vector.broadcast %get3A_131 : vector<1x32xf32> to vector<256x32xf32>
    %add3A_158 = arith.addf %mul3A_156, %add3A_157 : vector<256x32xf32>
    %swap3A = arith.constant 0 : index
    %swap3A_159 = arith.constant 0 : index
    %swap3A_160 = vector.load %arg13[%swap3A, %swap3A_159] : memref<256x32xf32, #tpu.memory_space<vmem>>, vector<256x32xf32>
    tpu.vector_store %arg13[%swap3A, %swap3A_159], %add3A_158 {strides = array<i32>} : memref<256x32xf32, #tpu.memory_space<vmem>>, vector<256x32xf32>,
    return
  }
  func.func @transform_0(%arg0: i32) -> (i32, i32) {
    %c0_i32 = arith.constant 0 : i32
    %c0_i32_0 = arith.constant 0 : i32
    return %arg0, %c0_i32 : i32, i32
  }
  func.func @transform_1(%arg0: i32) -> (i32, i32) {
    %c0_i32 = arith.constant 0 : i32
    %c0_i32_0 = arith.constant 0 : i32
    %c0_i32_1 = arith.constant 0 : i32
    return %c0_i32, %c0_i32_0 : i32, i32
  }
  func.func @transform_2(%arg0: i32) -> (i32, i32) {
    %c0_i32 = arith.constant 0 : i32
    %c0_i32_0 = arith.constant 0 : i32
    %c0_i32_1 = arith.constant 0 : i32
    return %c0_i32, %c0_i32_0 : i32, i32
  }
  func.func @transform_3(%arg0: i32) -> (i32, i32) {
    %c0_i32 = arith.constant 0 : i32
    %c0_i32_0 = arith.constant 0 : i32
    %c0_i32_1 = arith.constant 0 : i32
    return %c0_i32, %c0_i32_0 : i32, i32
  }
  func.func @transform_4(%arg0: i32) -> (i32, i32) {
    %c0_i32 = arith.constant 0 : i32
    %c0_i32_0 = arith.constant 0 : i32
    %c0_i32_1 = arith.constant 0 : i32
    return %c0_i32, %c0_i32_0 : i32, i32
  }
  func.func @transform_5(%arg0: i32) -> (i32, i32) {
    %c0_i32 = arith.constant 0 : i32
    %c0_i32_0 = arith.constant 0 : i32
    %c0_i32_1 = arith.constant 0 : i32
    return %c0_i32, %c0_i32_0 : i32, i32
  }
  func.func @transform_6(%arg0: i32) -> (i32, i32) {
    %c0_i32 = arith.constant 0 : i32
    %c0_i32_0 = arith.constant 0 : i32
    %c0_i32_1 = arith.constant 0 : i32
    return %c0_i32, %c0_i32_0 : i32, i32
  }
  func.func @transform_7(%arg0: i32) -> (i32, i32) {
    %c0_i32 = arith.constant 0 : i32
    %c0_i32_0 = arith.constant 0 : i32
    %c0_i32_1 = arith.constant 0 : i32
    return %c0_i32, %c0_i32_0 : i32, i32
  }
  func.func @transform_8(%arg0: i32) -> (i32, i32) {
    %c0_i32 = arith.constant 0 : i32
    %c0_i32_0 = arith.constant 0 : i32
    %c0_i32_1 = arith.constant 0 : i32
    return %c0_i32, %c0_i32_0 : i32, i32
  }
  func.func @transform_9(%arg0: i32) -> (i32, i32) {
    %c0_i32 = arith.constant 0 : i32
    %c0_i32_0 = arith.constant 0 : i32
    %c0_i32_1 = arith.constant 0 : i32
    return %c0_i32, %c0_i32_0 : i32, i32
  }
  func.func @transform_10(%arg0: i32) -> (i32, i32) {
    %c0_i32 = arith.constant 0 : i32
    %c0_i32_0 = arith.constant 0 : i32
    %c0_i32_1 = arith.constant 0 : i32
    return %c0_i32, %c0_i32_0 : i32, i32
  }
  func.func @transform_11(%arg0: i32) -> (i32, i32) {
    %c0_i32 = arith.constant 0 : i32
    %c0_i32_0 = arith.constant 0 : i32
    %c0_i32_1 = arith.constant 0 : i32
    return %c0_i32, %c0_i32_0 : i32, i32
  }
  func.func @transform_12(%arg0: i32) -> (i32, i32) {
    %c0_i32 = arith.constant 0 : i32
    %c0_i32_0 = arith.constant 0 : i32
    return %arg0, %c0_i32 : i32, i32
  }
}

module attributes {stable_mosaic.version = 14 : i64} {
  func.func @body(%arg0: i32, %arg1: memref<1024x32xf32, #tpu.memory_space<vmem>>, %arg2: memref<32x32xf32, #tpu.memory_space<vmem>>, %arg3: memref<1x32xf32, #tpu.memory_space<vmem>>, %arg4: memref<32x7xf32, #tpu.memory_space<vmem>>, %arg5: memref<1x7xf32, #tpu.memory_space<vmem>>, %arg6: memref<1024x7xf32, #tpu.memory_space<vmem>>) attributes {dimension_semantics = [#tpu.dimension_semantics<arbitrary>], iteration_bounds = array<i64: 10>, scalar_prefetch = 0 : i64, scratch_operands = 0 : i64, tpu.core_type = #tpu.core_type<tc>, window_params = [{transform_indices = @transform_0, window_bounds = array<i64: 1024, 32>}, {pipeline_mode = #tpu.pipeline_mode<synchronous>, transform_indices = @transform_1, window_bounds = array<i64: 32, 32>}, {pipeline_mode = #tpu.pipeline_mode<synchronous>, transform_indices = @transform_2, window_bounds = array<i64: 1, 32>}, {pipeline_mode = #tpu.pipeline_mode<synchronous>, transform_indices = @transform_3, window_bounds = array<i64: 32, 7>}, {pipeline_mode = #tpu.pipeline_mode<synchronous>, transform_indices = @transform_4, window_bounds = array<i64: 1, 7>}, {transform_indices = @transform_5, window_bounds = array<i64: 1024, 7>}]} {
    %get3A = arith.constant 0 : index
    %get3A_0 = arith.constant 0 : index
    %get3A_1 = vector.load %arg1[%get3A, %get3A_0] : memref<1024x32xf32, #tpu.memory_space<vmem>>, vector<1024x32xf32>
    %get3A_2 = arith.constant 0 : index
    %get3A_3 = arith.constant 0 : index
    %get3A_4 = vector.load %arg2[%get3A_2, %get3A_3] : memref<32x32xf32, #tpu.memory_space<vmem>>, vector<32x32xf32>
    %dot_general3A = arith.constant dense<0.000000e+00> : vector<1024x32xf32>
    %dot_general3A_5 = tpu.matmul %get3A_1, %get3A_4, %dot_general3A {dimension_numbers = #tpu.dot_dimension_numbers<[1], [0], [0], [1], [0, 0, 1, 1], [], []>, transpose_lhs_hint = false} : vector<1024x32xf32>, vector<32x32xf32>, vector<1024x32xf32> -> vector<1024x32xf32>
    %get3A_6 = arith.constant 0 : index
    %get3A_7 = arith.constant 0 : index
    %get3A_8 = vector.load %arg3[%get3A_6, %get3A_7] : memref<1x32xf32, #tpu.memory_space<vmem>>, vector<1x32xf32>
    %add3A = vector.broadcast %get3A_8 : vector<1x32xf32> to vector<1024x32xf32>
    %add3A_9 = arith.addf %dot_general3A_5, %add3A : vector<1024x32xf32>
    %max3A = arith.constant 0.000000e+00 : f32
    %max3A_10 = vector.broadcast %max3A : f32 to vector<1024x32xf32>
    %max3A_11 = arith.maximumf %add3A_9, %max3A_10 : vector<1024x32xf32>
    %get3A_12 = arith.constant 0 : index
    %get3A_13 = arith.constant 0 : index
    %get3A_14 = vector.load %arg4[%get3A_12, %get3A_13] : memref<32x7xf32, #tpu.memory_space<vmem>>, vector<32x7xf32>
    %dot_general3A_15 = arith.constant dense<0.000000e+00> : vector<1024x7xf32>
    %dot_general3A_16 = tpu.matmul %max3A_11, %get3A_14, %dot_general3A_15 {dimension_numbers = #tpu.dot_dimension_numbers<[1], [0], [0], [1], [0, 0, 1, 1], [], []>, transpose_lhs_hint = false} : vector<1024x32xf32>, vector<32x7xf32>, vector<1024x7xf32> -> vector<1024x7xf32>
    %get3A_17 = arith.constant 0 : index
    %get3A_18 = arith.constant 0 : index
    %get3A_19 = vector.load %arg5[%get3A_17, %get3A_18] : memref<1x7xf32, #tpu.memory_space<vmem>>, vector<1x7xf32>
    %add3A_20 = vector.broadcast %get3A_19 : vector<1x7xf32> to vector<1024x7xf32>
    %add3A_21 = arith.addf %dot_general3A_16, %add3A_20 : vector<1024x7xf32>
    %swap3A = arith.constant 0 : index
    %swap3A_22 = arith.constant 0 : index
    %swap3A_23 = vector.load %arg6[%swap3A, %swap3A_22] : memref<1024x7xf32, #tpu.memory_space<vmem>>, vector<1024x7xf32>
    tpu.vector_store %arg6[%swap3A, %swap3A_22], %add3A_21 {strides = array<i32>} : memref<1024x7xf32, #tpu.memory_space<vmem>>, vector<1024x7xf32>,
    return
  }
  func.func @transform_0(%arg0: i32) -> (i32, i32) {
    %c0_i32 = arith.constant 0 : i32
    %c0_i32_0 = arith.constant 0 : i32
    return %arg0, %c0_i32 : i32, i32
  }
  func.func @transform_1(%arg0: i32) -> (i32, i32) {
    %c0_i32 = arith.constant 0 : i32
    %c0_i32_0 = arith.constant 0 : i32
    %c0_i32_1 = arith.constant 0 : i32
    return %c0_i32, %c0_i32_0 : i32, i32
  }
  func.func @transform_2(%arg0: i32) -> (i32, i32) {
    %c0_i32 = arith.constant 0 : i32
    %c0_i32_0 = arith.constant 0 : i32
    %c0_i32_1 = arith.constant 0 : i32
    return %c0_i32, %c0_i32_0 : i32, i32
  }
  func.func @transform_3(%arg0: i32) -> (i32, i32) {
    %c0_i32 = arith.constant 0 : i32
    %c0_i32_0 = arith.constant 0 : i32
    %c0_i32_1 = arith.constant 0 : i32
    return %c0_i32, %c0_i32_0 : i32, i32
  }
  func.func @transform_4(%arg0: i32) -> (i32, i32) {
    %c0_i32 = arith.constant 0 : i32
    %c0_i32_0 = arith.constant 0 : i32
    %c0_i32_1 = arith.constant 0 : i32
    return %c0_i32, %c0_i32_0 : i32, i32
  }
  func.func @transform_5(%arg0: i32) -> (i32, i32) {
    %c0_i32 = arith.constant 0 : i32
    %c0_i32_0 = arith.constant 0 : i32
    return %arg0, %c0_i32 : i32, i32
  }
}

</mosaic_0001>

<sc_bundles>
// kernel: kernel.16.cloned.1.call-start
scs
__scs_entry_jumppad:
0x0: {  	(pc) =	sbr.rel $0x88, $3  }
0x1: {  	(tag) =	ssettag $0x0;
	lr =	simm.s32 $0x1  }
0x2: {  	[smem:$0x3F6A] =	sst lr;
	_ =	strace $0xD0000000  }
0x3: {  	_ = 	snop  }
0x4: {  	_ = 	snop  }
0x5: {  	_ = 	snop  }
0x6: {  	_ = 	snop  }
0x7: {  	_ = 	snop  }
__scs_overlays_trampoline_lowered:
0x8: {  	[smem:$0x3F79] =	sst s0  }
0x9: {  	[smem:$0x3F7A] =	sst s1  }
0xa: {  	[smem:$0x3F7B] =	sst s2  }
0xb: {  	[smem:$0x3F7C] =	sst s3  }
0xc: {  	[smem:$0x3F7D] =	sst s4  }
0xd: {  	[smem:$0x3F7E] =	sst s5  }
0xe: {  	[smem:$0x3F7F] =	sst s6  }
0xf: {  	[smem:$0x3F80] =	sst s7  }
0x10: {  	[smem:$0x3F81] =	sst s8  }
0x11: {  	[smem:$0x3F82] =	sst s9;
	s0 =	simm.s32 @!p0 $0x0  }
0x12: {  	s1 =	sld [smem:$0x3F68];
	s0 =	simm.s32 @p0 $0x1  }
0x13: {  	[smem:$0x3F83] =	sst s0;
	s0 =	simm.s32 @!p1 $0x0  }
0x14: {  	s2 =	sld [smem:$0x3F67];
	s0 =	simm.s32 @p1 $0x1  }
0x15: {  	[smem:$0x3F84] =	sst s0;
	s0 =	simm.s32 @!p2 $0x0  }
0x16: {  	s3 =	sld [smem:$0x3FDB];
	s0 =	simm.s32 @p2 $0x1  }
0x17: {  	s4 =	simm.s32 $0x1BF5;
	[smem:$0x3F86] =	sst s0  }
0x18: {  	s0 =	sld [smem:$0x3F69];
	_ =	swait.ge [sflag:s4], $0x0  }
0x19: {  	s7 =	sld [smem:$0x3F6A]  }
0x1a: {  	s8 =	sadd.s32 $0xFFFFE003, lr  }
0x1b: {  	s9 =	sadd.s32 $0xFFFFFEF7, lr;
	s5 =	simm.s32 $0xFFFFFFFF;
	p2 =	slt.u32 s8, $0xFFFFF086  }
0x1c: {  	p1 =	slt.u32 s9, $0xF7A;
	s5 =	simm.s32 @!p2 $0x0  }
0x1d: {  	s5 =	simm.s32 @p1 $0x1;
	p0 =	seq.s32 s7, s2  }
0x1e: {  	s7 =	smul.u32 @!p0 $0xF7A, s2;
	p2 =	seq.s32 @!p0 s5, $0x0  }
0x1f: {  	s9 =	smul.u32 $0xF7A, s1;
	s8 =	simm.s32 @!p0 $0x1BF5;
	p2 =	por !p2, p0  }
0x20: {  	[sflag:s8] =	ssyncset.s32 @!p0 $0xFFFFF086;
	s6 =	sadd.s32 @!p0 s3, s7;
	s7 =	simm.s32 @!p0 $0x108  }
0x21: {  	s3 =	sadd.s32 s3, s9;
	s6 =	sadd.s32 @!p0 $0x88, s6;
	s7 =	simm.s32 @p2 $0x1082  }
0x22: {  	[simem:s7], [sflag:s8] =	dma.local @!p0 [hbm:s6], $0xF7A  }
0x23: {  	s9 =	sor.u32 $0xD0000000, s2;
	s6 =	simm.s32 $0x108;
	_ =	swait.ge @!p0 [sflag:s8], $0x0  }
0x24: {  	s3 =	sadd.s32 $0x88, s3;
	s6 =	simm.s32 @!p1 $0x1082;
	[sflag:s4] =	ssyncset.s32 $0xFFFFF086  }
0x25: {  	[simem:s6], [sflag:s4] =	dma.local [hbm:s3], $0xF7A  }
0x26: {  	[smem:$0x3F6A] =	sst s1;
	(tag) =	ssettag s2;
	_ =	strace s9  }
0x27: {  	s1 =	sld [smem:$0x3F7A]  }
0x28: {  	s2 =	sld [smem:$0x3F7B]  }
0x29: {  	s4 =	sld [smem:$0x3F7D]  }
0x2a: {  	p0 =	seq.s32 s5, $0x0;
	s5 =	sld [smem:$0x3F7E]  }
0x2b: {  	s6 =	sld [smem:$0x3F7F]  }
0x2c: {  	s7 =	sld [smem:$0x3F80]  }
0x2d: {  	s3 =	simm.s32 $0x108;
	s8 =	sld [smem:$0x3F81]  }
0x2e: {  	s3 =	simm.s32 @!p0 $0x1082;
	s9 =	sld [smem:$0x3F82]  }
0x2f: {  	lr =	sadd.s32 s0, s3;
	s0 =	sld [smem:$0x3F79]  }
0x30: {  	s3 =	sld [smem:$0x3F7C]  }
0x31: {  	[smem:$0x3F85] =	sst s10  }
0x32: {  	s10 =	sld [smem:$0x3F83];
	_ =	sdelay $0x3  }
0x33: {  	p0 =	seq.s32 s10, $0x1;
	s10 =	sld [smem:$0x3F85];
	_ =	sdelay $0x3  }
0x34: {  	[smem:$0x3F85] =	sst s10  }
0x35: {  	s10 =	sld [smem:$0x3F84];
	_ =	sdelay $0x3  }
0x36: {  	p1 =	seq.s32 s10, $0x1;
	s10 =	sld [smem:$0x3F85];
	_ =	sdelay $0x3  }
0x37: {  	[smem:$0x3F85] =	sst s10  }
0x38: {  	s10 =	sld [smem:$0x3F86]  }
0x39: {  	_ = 	snop;
	(pc) =	sbr.ind lr, $3  }
0x3a: {  	_ = 	snop  }
0x3b: {  	_ = 	snop  }
0x3c: {  	p2 =	seq.s32 s10, $0x1;
	s10 =	sld [smem:$0x3F85]  }
0x3d: {  	_ =	shalt  }
0x3e: {  	_ =	shalt  }
0x3f: {  	_ =	shalt  }
0x40: {  	_ =	shalt  }
0x41: {  	_ =	shalt  }
0x42: {  	_ =	shalt  }
0x43: {  	_ =	shalt  }
0x44: {  	_ =	shalt  }
0x45: {  	_ =	shalt  }
0x46: {  	_ =	shalt  }
0x47: {  	_ =	shalt  }
0x48: {  	_ =	shalt  }
0x49: {  	_ =	shalt  }
0x4a: {  	_ =	shalt  }
0x4b: {  	_ =	shalt  }
0x4c: {  	_ =	shalt  }
0x4d: {  	_ =	shalt  }
0x4e: {  	_ =	shalt  }
0x4f: {  	_ =	shalt  }
0x50: {  	_ =	shalt  }
0x51: {  	_ =	shalt  }
0x52: {  	_ =	shalt  }
0x53: {  	_ =	shalt  }
0x54: {  	_ =	shalt  }
0x55: {  	_ =	shalt  }
0x56: {  	_ =	shalt  }
0x57: {  	_ =	shalt  }
0x58: {  	_ =	shalt  }
0x59: {  	_ =	shalt  }
0x5a: {  	_ =	shalt  }
0x5b: {  	_ =	shalt  }
0x5c: {  	_ =	shalt  }
0x5d: {  	_ =	shalt  }
0x5e: {  	_ =	shalt  }
0x5f: {  	_ =	shalt  }
0x60: {  	_ =	shalt  }
0x61: {  	_ =	shalt  }
0x62: {  	_ =	shalt  }
0x63: {  	_ =	shalt  }
0x64: {  	_ =	shalt  }
0x65: {  	_ =	shalt  }
0x66: {  	_ =	shalt  }
0x67: {  	_ =	shalt  }
0x68: {  	_ =	shalt  }
0x69: {  	_ =	shalt  }
0x6a: {  	_ =	shalt  }
0x6b: {  	_ =	shalt  }
0x6c: {  	_ =	shalt  }
0x6d: {  	_ =	shalt  }
0x6e: {  	_ =	shalt  }
0x6f: {  	_ =	shalt  }
0x70: {  	_ =	shalt  }
0x71: {  	_ =	shalt  }
0x72: {  	_ =	shalt  }
0x73: {  	_ =	shalt  }
0x74: {  	_ =	shalt  }
0x75: {  	_ =	shalt  }
0x76: {  	_ =	shalt  }
0x77: {  	_ =	shalt  }
0x78: {  	_ =	shalt  }
0x79: {  	_ =	shalt  }
0x7a: {  	_ =	shalt  }
0x7b: {  	_ =	shalt  }
0x7c: {  	_ =	shalt  }
0x7d: {  	_ =	shalt  }
0x7e: {  	_ =	shalt  }
0x7f: {  	_ =	shalt  }
0x80: {  	_ =	shalt  }
0x81: {  	_ =	shalt  }
0x82: {  	_ =	shalt  }
0x83: {  	_ =	shalt  }
0x84: {  	_ =	shalt  }
0x85: {  	_ =	shalt  }
0x86: {  	_ =	shalt  }
0x87: {  	_ =	shalt  }
.Lfunc_end0:
.L_simem_size_0:
called_computation_lowered:
.L_overlay_start_0:
0x88: {  	s2 =	sld [smem:$0x3FD9]  }
0x89: {  	s3 =	sld [smem:$0x3FFE];
	_ =	sdelay $0x1  }
0x8a: {  	s1 =	srdreg.scid  }
0x8b: {  	s0 =	sand.u32 $0x1, s1  }
0x8c: {  	s16 =	sshll.u32 s0, $0xA;
	s2 =	sadd.s32 s3, s2  }
0x8d: {  	s2 =	sadd.s32 s2, s16  }
0x8e: {  	[smem:$0x3F91] =	sst s2  }
0x8f: {  	_ = 	snop  }
0x90: {  	(tm) =	ssettm $0x1  }
0x91: {  	s17 =	sld [smem:$0x3FFB];
	_ =	sdelay $0x3  }
0x92: {  	_ =	strace s17  }
0x93: {  	s2 =	sld [smem:$0x3FFC];
	_ =	sdelay $0x3  }
0x94: {  	_ =	strace s2  }
0x95: {  	s2 =	sld [smem:$0x3FFD];
	_ =	sdelay $0x3  }
0x96: {  	_ =	strace s2  }
0x97: {  	_ =	strace $0x8FFFFFFF  }
0x98: {  	s18 =	sld [smem:$0x3FDB];
	_ =	sdelay $0x1  }
0x99: {  	s19 =	simm.s32 $_scs_section_size  }
0x9a: {  	s4 =	simm.s32 $_size__tile_overlayer_lowered;
	s5 =	simm.s32 $_tile_overlayer_lowered  }
0x9b: {  	s22 =	simm.s32 $0x1BFF;
	s21 =	sshll.u32 s5, $0x1;
	s2 =	sadd.s32 s19, s18  }
0x9c: {  	s6 =	simm.s32 $0x0;
	s20 =	sshll.u32 s4, $0x1;
	s4 =	sadd.s32 s21, s2  }
0x9d: {  	[timem:s6], [sflag:s22] =	dma.local [hbm:s4], s20  }
0x9e: {  	_ =	swait.ge [sflag:s22], s20  }
0x9f: {  	s3 =	ssub.s32 $0x0, s20;
	[sflag:s22] =	ssyncset.done $0x0  }
0xa0: {  	[sflag:s22] =	ssyncadd.s32 s3;
	_ =	sdelay $0x1  }
0xa1: {  	s23 =	simm.s32 $0x1B8B  }
0xa2: {  	_ =	swait.ge [sflag:s23], $0x1  }
0xa3: {  	[sflag:s23] =	ssyncset.done $0x0  }
0xa4: {  	s25 =	simm.s32 $0x1B8E;
	s24 =	sld [smem:$0x3FFE];
	[sflag:s23] =	ssyncadd.s32 $0xFFFFFFFF  }
0xa5: {  	s26 =	simm.s32 $execute0_lowered;
	[smem:$0x3FD2] =	sst s25  }
0xa6: {  	s4 =	sshll.u32 s26, $0x1;
	_ =	strace $0x80000046;
	[dreg:$0x1] =	wrdreg $0xFFFFFFFF  }
0xa7: {  	s28 =	simm.s32 $_size_execute0_lowered;
	s2 =	sadd.s32 s2, s4;
	[dreg:$0x0] =	wrdreg $0x0  }
0xa8: {  	s4 =	sshll.u32 s28, $0x1;
	[dreg:$0x2] =	wrdreg s2  }
0xa9: {  	[dreg:$0x3] =	wrdreg s4  }
0xaa: {  	[dreg:$0x4] =	wrdreg $0xC0  }
0xab: {  	_ =	task [dreg:s6], $0x5FFFF  }
0xac: {  	[dreg:$0x1] =	wrdreg $0xFFFFFFFF  }
0xad: {  	[dreg:$0x0] =	wrdreg $0x60  }
0xae: {  	[dreg:$0x2] =	wrdreg s24  }
0xaf: {  	[dreg:$0x3] =	wrdreg $0x9  }
0xb0: {  	_ =	task.clear_ibuf [dreg:s6], $0x4FFFF;
	_ =	strace $0x90000046  }
0xb1: {  	s29 =	simm.s32 $0x9;
	_ =	strace $0x80000048  }
0xb2: {  	_ =	swait.ge [sflag:s29], $0x1  }
0xb3: {  	[sflag:s29] =	ssyncadd.s32 $0xFFFFFFFF  }
0xb4: {  	_ =	strace $0x90000048  }
0xb5: {  	_ =	sfence  }
0xb6: {  	s30 =	sld [smem:$0x0];
	_ =	sdelay $0x2  }
0xb7: {  	s31 =	sshll.u32 s1, $0xD;
	s1 =	sshrl.u32 s1, $0x2  }
0xb8: {  	s3 =	sand.u32 $0x4000, s31;
	s1 =	sadd.s32 s1, s30  }
0xb9: {  	s0 =	sor.u32 s3, s0;
	s1 =	sshll.u32 s1, $0x11  }
0xba: {  	s0 =	sor.u32 s1, s0  }
0xbb: {  	s0 =	sadd.s32 $0x8F2B, s0  }
0xbc: {  	[sflag:s0] =	ssyncadd.remote.s32 $0x1  }
0xbd: {  	_ =	sfence.sel $0xFFFF  }
0xbe: {  	[dreg:$0x0] =	wrdreg $0xFFFFFFFF;
	(pc) =	sbr.abs _section_cstart, $3  }
0xbf: {  	[dreg:$0x1] =	wrdreg $0xFFFFFFFF  }
0xc0: {  	_ =	task.clear_ibuf [dreg:s6], $0x2FFFF;
	_ =	strace $0x9FFFFFFF  }
0xc1: {  	(tm) =	ssettm $0x7FFFFFFF  }
tec
execute0_lowered:
.L_overlay_start_1:
0x0: {  	(tag) =	ssettag $0x1  }
0x1: {  	s4 =	rddreg [dreg:$0x0]  }
0x2: {  	s0 =	rddreg [dreg:$0x1];
	s2 =	simm.s32 $0x0;
	s3 =	srdreg.scid  }
0x3: {  	s1 =	stileid.u32;
	s10 =	simm.s32 $0x4200;
	s11 =	simm.s32 $0x100  }
0x4: {  	s12 =	simm.s32 $0x8200;
	s13 =	simm.s32 $0x180;
	s14 =	simm.s32 $0xC200  }
0x5: {  	s15 =	simm.s32 $0x1;
	s16 =	simm.s32 $0x0;
	s6 =	smul.u32 $0x2800, s1  }
0x6: {  	[smem:$0x7FF] =	sst s2;
	s5 =	sand.u32 $0x1, s3;
	s8 =	smul.u32 $0x28000, s1  }
0x7: {  	s3 =	sadd.s32 $0x36800, s4;
	s7 =	smul.u32 $0x1400, s5;
	s9 =	ssub.s32 $0x2, s5  }
0x8: {  	_ =	strace $0x80000047;
	s5 =	smul.u32 $0x14000, s5;
	s31 =	sshrl.u32 s9, $0x1  }
0x9: {  	s8 =	sadd.s32 s8, s4;
	s6 =	sadd.s32 s7, s6;
	s7 =	ssub.s32 s9, s31  }
0xa: {  	s5 =	sadd.s32 s5, s8;
	s8 =	simm.s32 $0x80;
	s6 =	sshrl.u32 s6, $0x3  }
0xb: {  	s9 =	simm.s32 $0x200;
	s5 =	sadd.s32 $0x63800, s5;
	s6 =	sadd.s32 s6, s4  }
0xc: {  	s4 =	smax.u32 s7, $0x1;
	s7 =	simm.s32 $0x2;
	s6 =	sadd.s32 $0x5E800, s6  }
.LBB2_1:
0xd: {  	s17 =	sadd.s32 $0x0, s6  }
0xe: {  	[tilespmem:s2], [sflag:$0x2] =	stream.linear.gather [hbm4b:s17+s2], $0x200, $0x38;
	[tilespmem:$0x10200] =	vst v63  }
0xf: {  	_ =	swait.ge [sflag:s7], $0x200  }
0x10: {  	[sflag:s7] =	ssyncset.done $0x0  }
0x11: {  	[sflag:s7] =	ssyncadd.s32 $0xFFFFFE00  }
0x12: {  	[tilespmem:s9], [sflag:$0x1] =	stream.indirect.gather [hbm4b:s3+s8], $0x80, s2, s8, $0xb8;
	[tilespmem:$0x10200] =	vst v63  }
0x13: {  	_ = 	snop  }
0x14: {  	[tilespmem:s10], [sflag:$0x1] =	stream.indirect.gather [hbm4b:s3+s8], $0x80, s8, s8, $0xb8;
	[tilespmem:$0x10200] =	vst v63  }
0x15: {  	_ = 	snop  }
0x16: {  	[tilespmem:s12], [sflag:$0x1] =	stream.indirect.gather [hbm4b:s3+s8], $0x80, s11, s8, $0xb8;
	[tilespmem:$0x10200] =	vst v63  }
0x17: {  	_ = 	snop  }
0x18: {  	[tilespmem:s14], [sflag:$0x1] =	stream.indirect.gather [hbm4b:s3+s8], $0x80, s13, s8, $0xb8;
	[tilespmem:$0x10200] =	vst v63  }
0x19: {  	_ =	swait.ge [sflag:s15], $0x4000  }
0x1a: {  	[sflag:s15] =	ssyncset.done $0x0  }
0x1b: {  	[sflag:s15] =	ssyncadd.s32 $0xFFFFC000  }
0x1c: {  	_ =	swait.ge [sflag:s15], $0x4000  }
0x1d: {  	[sflag:s15] =	ssyncset.done $0x0  }
0x1e: {  	[sflag:s15] =	ssyncadd.s32 $0xFFFFC000  }
0x1f: {  	_ =	swait.ge [sflag:s15], $0x4000  }
0x20: {  	[sflag:s15] =	ssyncset.done $0x0  }
0x21: {  	[sflag:s15] =	ssyncadd.s32 $0xFFFFC000  }
0x22: {  	_ =	swait.ge [sflag:s15], $0x4000  }
0x23: {  	[sflag:s15] =	ssyncset.done $0x0  }
0x24: {  	[sflag:s15] =	ssyncadd.s32 $0xFFFFC000  }
0x25: {  	[hbm4b:s5+s2] =	stream.linear.scatter [tilespmem:s9], [sflag:$0x2], $0x10000, $0x38;
	[tilespmem:$0x10200] =	vst v63  }
0x26: {  	s18 =	simm.s32 $0x40;
	_ =	swait.ge [sflag:s7], $0x10000  }
0x27: {  	s19 =	simm.s32 $0x80;
	s17 =	sadd.s32 $0x2000, s5;
	[sflag:s7] =	ssyncset.done $0x0  }
.LBB2_2:
0x28: {  	s20 =	sadd.s32 s18, s6  }
0x29: {  	[sflag:s7] =	ssyncadd.s32 $0xFFFF0000;
	s18 =	smov.u32 s19;
	s21 =	sadd.s32 $0x40, s19  }
0x2a: {  	[tilespmem:s2], [sflag:$0x2] =	stream.linear.gather [hbm4b:s20+s2], $0x200, $0x38;
	[tilespmem:$0x10200] =	vst v63  }
0x2b: {  	p0 =	sne.s32 s19, $0x240;
	_ =	swait.ge [sflag:s7], $0x200  }
0x2c: {  	[sflag:s7] =	ssyncset.done $0x0  }
0x2d: {  	[sflag:s7] =	ssyncadd.s32 $0xFFFFFE00  }
0x2e: {  	[tilespmem:s9], [sflag:$0x1] =	stream.indirect.gather [hbm4b:s3+s8], $0x80, s2, s8, $0xb8;
	[tilespmem:$0x10200] =	vst v63  }
0x2f: {  	_ = 	snop  }
0x30: {  	[tilespmem:s10], [sflag:$0x1] =	stream.indirect.gather [hbm4b:s3+s8], $0x80, s8, s8, $0xb8;
	[tilespmem:$0x10200] =	vst v63  }
0x31: {  	_ = 	snop  }
0x32: {  	[tilespmem:s12], [sflag:$0x1] =	stream.indirect.gather [hbm4b:s3+s8], $0x80, s11, s8, $0xb8;
	[tilespmem:$0x10200] =	vst v63  }
0x33: {  	_ = 	snop  }
0x34: {  	[tilespmem:s14], [sflag:$0x1] =	stream.indirect.gather [hbm4b:s3+s8], $0x80, s13, s8, $0xb8;
	[tilespmem:$0x10200] =	vst v63  }
0x35: {  	_ =	swait.ge [sflag:s15], $0x4000  }
0x36: {  	[sflag:s15] =	ssyncset.done $0x0  }
0x37: {  	[sflag:s15] =	ssyncadd.s32 $0xFFFFC000  }
0x38: {  	_ =	swait.ge [sflag:s15], $0x4000  }
0x39: {  	[sflag:s15] =	ssyncset.done $0x0  }
0x3a: {  	[sflag:s15] =	ssyncadd.s32 $0xFFFFC000  }
0x3b: {  	_ =	swait.ge [sflag:s15], $0x4000  }
0x3c: {  	[sflag:s15] =	ssyncset.done $0x0  }
0x3d: {  	[sflag:s15] =	ssyncadd.s32 $0xFFFFC000  }
0x3e: {  	_ =	swait.ge [sflag:s15], $0x4000  }
.Ltmp0:
0x3f: {  	[sflag:s15] =	ssyncset.done $0x0;
	(pc) =	sbr.rel @p0 .LBB2_2-.Ltmp0, $4  }
0x40: {  	[sflag:s15] =	ssyncadd.s32 $0xFFFFC000  }
0x41: {  	[hbm4b:s17+s2] =	stream.linear.scatter [tilespmem:s9], [sflag:$0x2], $0x10000, $0x38;
	[tilespmem:$0x10200] =	vst v63  }
0x42: {  	_ =	swait.ge [sflag:s7], $0x10000  }
0x43: {  	s19 =	smov.u32 s21;
	s17 =	sadd.s32 $0x2000, s17;
	[sflag:s7] =	ssyncset.done $0x0  }
0x44: {  	s18 =	sadd.s32 s18, s6;
	[sflag:s7] =	ssyncadd.s32 $0xFFFF0000  }
0x45: {  	[tilespmem:s2], [sflag:$0x2] =	stream.linear.gather [hbm4b:s18+s2], $0x200, $0x38;
	[tilespmem:$0x10200] =	vst v63  }
0x46: {  	_ =	swait.ge [sflag:s7], $0x200  }
0x47: {  	[sflag:s7] =	ssyncset.done $0x0  }
0x48: {  	[sflag:s7] =	ssyncadd.s32 $0xFFFFFE00  }
0x49: {  	[tilespmem:s9], [sflag:$0x1] =	stream.indirect.gather [hbm4b:s3+s8], $0x80, s2, s8, $0xb8;
	[tilespmem:$0x10200] =	vst v63  }
0x4a: {  	_ = 	snop  }
0x4b: {  	[tilespmem:s10], [sflag:$0x1] =	stream.indirect.gather [hbm4b:s3+s8], $0x80, s8, s8, $0xb8;
	[tilespmem:$0x10200] =	vst v63  }
0x4c: {  	_ = 	snop  }
0x4d: {  	[tilespmem:s12], [sflag:$0x1] =	stream.indirect.gather [hbm4b:s3+s8], $0x80, s11, s8, $0xb8;
	[tilespmem:$0x10200] =	vst v63  }
0x4e: {  	_ = 	snop  }
0x4f: {  	[tilespmem:s14], [sflag:$0x1] =	stream.indirect.gather [hbm4b:s3+s8], $0x80, s13, s8, $0xb8;
	[tilespmem:$0x10200] =	vst v63  }
0x50: {  	_ =	swait.ge [sflag:s15], $0x4000  }
0x51: {  	[sflag:s15] =	ssyncset.done $0x0  }
0x52: {  	[sflag:s15] =	ssyncadd.s32 $0xFFFFC000  }
0x53: {  	_ =	swait.ge [sflag:s15], $0x4000  }
0x54: {  	[sflag:s15] =	ssyncset.done $0x0  }
0x55: {  	[sflag:s15] =	ssyncadd.s32 $0xFFFFC000  }
0x56: {  	_ =	swait.ge [sflag:s15], $0x4000  }
0x57: {  	[sflag:s15] =	ssyncset.done $0x0  }
0x58: {  	[sflag:s15] =	ssyncadd.s32 $0xFFFFC000  }
0x59: {  	s16 =	sadd.s32 $0x1, s16;
	_ =	swait.ge [sflag:s15], $0x4000  }
0x5a: {  	p0 =	sne.s32 s16, s4;
	[sflag:s15] =	ssyncset.done $0x0  }
.Ltmp1:
0x5b: {  	[sflag:s15] =	ssyncadd.s32 $0xFFFFC000;
	(pc) =	sbr.rel @p0 .LBB2_1-.Ltmp1, $4  }
0x5c: {  	[hbm4b:s17+s2] =	stream.linear.scatter [tilespmem:s9], [sflag:$0x2], $0x10000, $0x38;
	[tilespmem:$0x10200] =	vst v63  }
0x5d: {  	_ =	swait.ge [sflag:s7], $0x10000  }
0x5e: {  	[sflag:s7] =	ssyncset.done $0x0  }
0x5f: {  	[sflag:s7] =	ssyncadd.s32 $0xFFFF0000  }
0x60: {  	_ =	sfence.sel $0x180000  }
0x61: {  	[bflag:$0x0] =	sbarrier.arrive $0xFFFF  }
0x62: {  	p0 =	sne.s32 s1, $0x0;
	_ =	strace $0x90000047  }
0x63: {  	s0 =	sadd.s32 @!p0 $0x100000, s0;
	[bflag:$0x2] =	sbarrier.arrive $0xFFFF  }
0x64: {  	[sflag:s0] =	ssyncadd.tile.s32 @!p0 $0x1;
	_ =	shalt  }
.Lfunc_end2:
_tile_overlayer_lowered:
.L_overlay_start_2:
0x65: {  	(tag) =	ssettag $0x2  }
0x66: {  	s0 =	rddreg [dreg:$0x0];
	s2 =	stileid.u32  }
0x67: {  	s1 =	rddreg [dreg:$0x1];
	p0 =	sne.s32 s2, $0x0  }
0x68: {  	s3 =	rddreg [dreg:$0x2];
	[bflag:$0x3] =	sbarrier.arrive $0xFFFF;
	s2 =	simm.s32 @!p0 $0x1C02  }
0x69: {  	[timem:s3], [sflag:s2] =	dma.local @!p0 [hbm:s0], s1  }
0x6a: {  	s0 =	simm.s32 @!p0 $0x2  }
0x6b: {  	_ =	swait.ge @!p0 [sflag:s0], s1  }
0x6c: {  	s1 =	ssub.s32 @!p0 $0x0, s1;
	[sflag:s0] =	ssyncset.done @!p0 $0x0  }
0x6d: {  	[sflag:s0] =	ssyncadd.s32 @!p0 s1  }
0x6e: {  	[bflag:$0x3] =	sbarrier.arrive $0xFFFF  }
0x6f: {  	_ =	shalt  }

// kernel: kernel.19.cloned.1.call-start
scs
__scs_entry_jumppad:
0x0: {  	(pc) =	sbr.rel $0x88, $3  }
0x1: {  	(tag) =	ssettag $0x0;
	lr =	simm.s32 $0x1  }
0x2: {  	[smem:$0x3F6A] =	sst lr;
	_ =	strace $0xD0000000  }
0x3: {  	_ = 	snop  }
0x4: {  	_ = 	snop  }
0x5: {  	_ = 	snop  }
0x6: {  	_ = 	snop  }
0x7: {  	_ = 	snop  }
__scs_overlays_trampoline_lowered:
0x8: {  	[smem:$0x3F79] =	sst s0  }
0x9: {  	[smem:$0x3F7A] =	sst s1  }
0xa: {  	[smem:$0x3F7B] =	sst s2  }
0xb: {  	[smem:$0x3F7C] =	sst s3  }
0xc: {  	[smem:$0x3F7D] =	sst s4  }
0xd: {  	[smem:$0x3F7E] =	sst s5  }
0xe: {  	[smem:$0x3F7F] =	sst s6  }
0xf: {  	[smem:$0x3F80] =	sst s7  }
0x10: {  	[smem:$0x3F81] =	sst s8  }
0x11: {  	[smem:$0x3F82] =	sst s9;
	s0 =	simm.s32 @!p0 $0x0  }
0x12: {  	s1 =	sld [smem:$0x3F68];
	s0 =	simm.s32 @p0 $0x1  }
0x13: {  	[smem:$0x3F83] =	sst s0;
	s0 =	simm.s32 @!p1 $0x0  }
0x14: {  	s2 =	sld [smem:$0x3F67];
	s0 =	simm.s32 @p1 $0x1  }
0x15: {  	[smem:$0x3F84] =	sst s0;
	s0 =	simm.s32 @!p2 $0x0  }
0x16: {  	s3 =	sld [smem:$0x3FDB];
	s0 =	simm.s32 @p2 $0x1  }
0x17: {  	s4 =	simm.s32 $0x1BF5;
	[smem:$0x3F86] =	sst s0  }
0x18: {  	s0 =	sld [smem:$0x3F69];
	_ =	swait.ge [sflag:s4], $0x0  }
0x19: {  	s7 =	sld [smem:$0x3F6A]  }
0x1a: {  	s8 =	sadd.s32 $0xFFFFE003, lr  }
0x1b: {  	s9 =	sadd.s32 $0xFFFFFEF7, lr;
	s5 =	simm.s32 $0xFFFFFFFF;
	p2 =	slt.u32 s8, $0xFFFFF086  }
0x1c: {  	p1 =	slt.u32 s9, $0xF7A;
	s5 =	simm.s32 @!p2 $0x0  }
0x1d: {  	s5 =	simm.s32 @p1 $0x1;
	p0 =	seq.s32 s7, s2  }
0x1e: {  	s7 =	smul.u32 @!p0 $0xF7A, s2;
	p2 =	seq.s32 @!p0 s5, $0x0  }
0x1f: {  	s9 =	smul.u32 $0xF7A, s1;
	s8 =	simm.s32 @!p0 $0x1BF5;
	p2 =	por !p2, p0  }
0x20: {  	[sflag:s8] =	ssyncset.s32 @!p0 $0xFFFFF086;
	s6 =	sadd.s32 @!p0 s3, s7;
	s7 =	simm.s32 @!p0 $0x108  }
0x21: {  	s3 =	sadd.s32 s3, s9;
	s6 =	sadd.s32 @!p0 $0x88, s6;
	s7 =	simm.s32 @p2 $0x1082  }
0x22: {  	[simem:s7], [sflag:s8] =	dma.local @!p0 [hbm:s6], $0xF7A  }
0x23: {  	s9 =	sor.u32 $0xD0000000, s2;
	s6 =	simm.s32 $0x108;
	_ =	swait.ge @!p0 [sflag:s8], $0x0  }
0x24: {  	s3 =	sadd.s32 $0x88, s3;
	s6 =	simm.s32 @!p1 $0x1082;
	[sflag:s4] =	ssyncset.s32 $0xFFFFF086  }
0x25: {  	[simem:s6], [sflag:s4] =	dma.local [hbm:s3], $0xF7A  }
0x26: {  	[smem:$0x3F6A] =	sst s1;
	(tag) =	ssettag s2;
	_ =	strace s9  }
0x27: {  	s1 =	sld [smem:$0x3F7A]  }
0x28: {  	s2 =	sld [smem:$0x3F7B]  }
0x29: {  	s4 =	sld [smem:$0x3F7D]  }
0x2a: {  	p0 =	seq.s32 s5, $0x0;
	s5 =	sld [smem:$0x3F7E]  }
0x2b: {  	s6 =	sld [smem:$0x3F7F]  }
0x2c: {  	s7 =	sld [smem:$0x3F80]  }
0x2d: {  	s3 =	simm.s32 $0x108;
	s8 =	sld [smem:$0x3F81]  }
0x2e: {  	s3 =	simm.s32 @!p0 $0x1082;
	s9 =	sld [smem:$0x3F82]  }
0x2f: {  	lr =	sadd.s32 s0, s3;
	s0 =	sld [smem:$0x3F79]  }
0x30: {  	s3 =	sld [smem:$0x3F7C]  }
0x31: {  	[smem:$0x3F85] =	sst s10  }
0x32: {  	s10 =	sld [smem:$0x3F83];
	_ =	sdelay $0x3  }
0x33: {  	p0 =	seq.s32 s10, $0x1;
	s10 =	sld [smem:$0x3F85];
	_ =	sdelay $0x3  }
0x34: {  	[smem:$0x3F85] =	sst s10  }
0x35: {  	s10 =	sld [smem:$0x3F84];
	_ =	sdelay $0x3  }
0x36: {  	p1 =	seq.s32 s10, $0x1;
	s10 =	sld [smem:$0x3F85];
	_ =	sdelay $0x3  }
0x37: {  	[smem:$0x3F85] =	sst s10  }
0x38: {  	s10 =	sld [smem:$0x3F86]  }
0x39: {  	_ = 	snop;
	(pc) =	sbr.ind lr, $3  }
0x3a: {  	_ = 	snop  }
0x3b: {  	_ = 	snop  }
0x3c: {  	p2 =	seq.s32 s10, $0x1;
	s10 =	sld [smem:$0x3F85]  }
0x3d: {  	_ =	shalt  }
0x3e: {  	_ =	shalt  }
0x3f: {  	_ =	shalt  }
0x40: {  	_ =	shalt  }
0x41: {  	_ =	shalt  }
0x42: {  	_ =	shalt  }
0x43: {  	_ =	shalt  }
0x44: {  	_ =	shalt  }
0x45: {  	_ =	shalt  }
0x46: {  	_ =	shalt  }
0x47: {  	_ =	shalt  }
0x48: {  	_ =	shalt  }
0x49: {  	_ =	shalt  }
0x4a: {  	_ =	shalt  }
0x4b: {  	_ =	shalt  }
0x4c: {  	_ =	shalt  }
0x4d: {  	_ =	shalt  }
0x4e: {  	_ =	shalt  }
0x4f: {  	_ =	shalt  }
0x50: {  	_ =	shalt  }
0x51: {  	_ =	shalt  }
0x52: {  	_ =	shalt  }
0x53: {  	_ =	shalt  }
0x54: {  	_ =	shalt  }
0x55: {  	_ =	shalt  }
0x56: {  	_ =	shalt  }
0x57: {  	_ =	shalt  }
0x58: {  	_ =	shalt  }
0x59: {  	_ =	shalt  }
0x5a: {  	_ =	shalt  }
0x5b: {  	_ =	shalt  }
0x5c: {  	_ =	shalt  }
0x5d: {  	_ =	shalt  }
0x5e: {  	_ =	shalt  }
0x5f: {  	_ =	shalt  }
0x60: {  	_ =	shalt  }
0x61: {  	_ =	shalt  }
0x62: {  	_ =	shalt  }
0x63: {  	_ =	shalt  }
0x64: {  	_ =	shalt  }
0x65: {  	_ =	shalt  }
0x66: {  	_ =	shalt  }
0x67: {  	_ =	shalt  }
0x68: {  	_ =	shalt  }
0x69: {  	_ =	shalt  }
0x6a: {  	_ =	shalt  }
0x6b: {  	_ =	shalt  }
0x6c: {  	_ =	shalt  }
0x6d: {  	_ =	shalt  }
0x6e: {  	_ =	shalt  }
0x6f: {  	_ =	shalt  }
0x70: {  	_ =	shalt  }
0x71: {  	_ =	shalt  }
0x72: {  	_ =	shalt  }
0x73: {  	_ =	shalt  }
0x74: {  	_ =	shalt  }
0x75: {  	_ =	shalt  }
0x76: {  	_ =	shalt  }
0x77: {  	_ =	shalt  }
0x78: {  	_ =	shalt  }
0x79: {  	_ =	shalt  }
0x7a: {  	_ =	shalt  }
0x7b: {  	_ =	shalt  }
0x7c: {  	_ =	shalt  }
0x7d: {  	_ =	shalt  }
0x7e: {  	_ =	shalt  }
0x7f: {  	_ =	shalt  }
0x80: {  	_ =	shalt  }
0x81: {  	_ =	shalt  }
0x82: {  	_ =	shalt  }
0x83: {  	_ =	shalt  }
0x84: {  	_ =	shalt  }
0x85: {  	_ =	shalt  }
0x86: {  	_ =	shalt  }
0x87: {  	_ =	shalt  }
.Lfunc_end0:
.L_simem_size_0:
called_computation.1_lowered:
.L_overlay_start_0:
0x88: {  	s2 =	sld [smem:$0x3FD9]  }
0x89: {  	s3 =	sld [smem:$0x3FFE];
	_ =	sdelay $0x1  }
0x8a: {  	s1 =	srdreg.scid  }
0x8b: {  	s0 =	sand.u32 $0x1, s1  }
0x8c: {  	s16 =	sshll.u32 s0, $0xA;
	s2 =	sadd.s32 s3, s2  }
0x8d: {  	s2 =	sadd.s32 s2, s16  }
0x8e: {  	[smem:$0x3F91] =	sst s2  }
0x8f: {  	_ = 	snop  }
0x90: {  	(tm) =	ssettm $0x1  }
0x91: {  	s17 =	sld [smem:$0x3FFB];
	_ =	sdelay $0x3  }
0x92: {  	_ =	strace s17  }
0x93: {  	s2 =	sld [smem:$0x3FFC];
	_ =	sdelay $0x3  }
0x94: {  	_ =	strace s2  }
0x95: {  	s2 =	sld [smem:$0x3FFD];
	_ =	sdelay $0x3  }
0x96: {  	_ =	strace s2  }
0x97: {  	_ =	strace $0x8FFFFFFF  }
0x98: {  	s18 =	sld [smem:$0x3FDB];
	_ =	sdelay $0x1  }
0x99: {  	s19 =	simm.s32 $_scs_section_size  }
0x9a: {  	s4 =	simm.s32 $_size__tile_overlayer_lowered;
	s5 =	simm.s32 $_tile_overlayer_lowered  }
0x9b: {  	s22 =	simm.s32 $0x1BFF;
	s21 =	sshll.u32 s5, $0x1;
	s2 =	sadd.s32 s19, s18  }
0x9c: {  	s6 =	simm.s32 $0x0;
	s20 =	sshll.u32 s4, $0x1;
	s4 =	sadd.s32 s21, s2  }
0x9d: {  	[timem:s6], [sflag:s22] =	dma.local [hbm:s4], s20  }
0x9e: {  	_ =	swait.ge [sflag:s22], s20  }
0x9f: {  	s3 =	ssub.s32 $0x0, s20;
	[sflag:s22] =	ssyncset.done $0x0  }
0xa0: {  	[sflag:s22] =	ssyncadd.s32 s3;
	_ =	sdelay $0x1  }
0xa1: {  	s23 =	simm.s32 $0x1B8B  }
0xa2: {  	_ =	swait.ge [sflag:s23], $0x1  }
0xa3: {  	[sflag:s23] =	ssyncset.done $0x0  }
0xa4: {  	s25 =	simm.s32 $0x1B8E;
	s24 =	sld [smem:$0x3FFE];
	[sflag:s23] =	ssyncadd.s32 $0xFFFFFFFF  }
0xa5: {  	s26 =	simm.s32 $execute0_lowered;
	[smem:$0x3FD2] =	sst s25  }
0xa6: {  	s4 =	sshll.u32 s26, $0x1;
	_ =	strace $0x80000049;
	[dreg:$0x1] =	wrdreg $0xFFFFFFFF  }
0xa7: {  	s28 =	simm.s32 $_size_execute0_lowered;
	s2 =	sadd.s32 s2, s4;
	[dreg:$0x0] =	wrdreg $0x0  }
0xa8: {  	s4 =	sshll.u32 s28, $0x1;
	[dreg:$0x2] =	wrdreg s2  }
0xa9: {  	[dreg:$0x3] =	wrdreg s4  }
0xaa: {  	[dreg:$0x4] =	wrdreg $0xC0  }
0xab: {  	_ =	task [dreg:s6], $0x5FFFF  }
0xac: {  	[dreg:$0x1] =	wrdreg $0xFFFFFFFF  }
0xad: {  	[dreg:$0x0] =	wrdreg $0x60  }
0xae: {  	[dreg:$0x2] =	wrdreg s24  }
0xaf: {  	[dreg:$0x3] =	wrdreg $0x40800  }
0xb0: {  	[dreg:$0x4] =	wrdreg $0x9  }
0xb1: {  	_ =	task.clear_ibuf [dreg:s6], $0x5FFFF;
	_ =	strace $0x90000049  }
0xb2: {  	s29 =	simm.s32 $0x9;
	_ =	strace $0x8000004B  }
0xb3: {  	_ =	swait.ge [sflag:s29], $0x1  }
0xb4: {  	[sflag:s29] =	ssyncadd.s32 $0xFFFFFFFF  }
0xb5: {  	_ =	strace $0x9000004B  }
0xb6: {  	_ =	sfence  }
0xb7: {  	s30 =	sld [smem:$0x0];
	_ =	sdelay $0x2  }
0xb8: {  	s31 =	sshll.u32 s1, $0xD;
	s1 =	sshrl.u32 s1, $0x2  }
0xb9: {  	s3 =	sand.u32 $0x4000, s31;
	s1 =	sadd.s32 s1, s30  }
0xba: {  	s0 =	sor.u32 s3, s0;
	s1 =	sshll.u32 s1, $0x11  }
0xbb: {  	s0 =	sor.u32 s1, s0  }
0xbc: {  	s0 =	sadd.s32 $0x8F2B, s0  }
0xbd: {  	[sflag:s0] =	ssyncadd.remote.s32 $0x1  }
0xbe: {  	_ =	sfence.sel $0xFFFF  }
0xbf: {  	[dreg:$0x0] =	wrdreg $0xFFFFFFFF;
	(pc) =	sbr.abs _section_cstart, $3  }
0xc0: {  	[dreg:$0x1] =	wrdreg $0xFFFFFFFF  }
0xc1: {  	_ =	task.clear_ibuf [dreg:s6], $0x2FFFF;
	_ =	strace $0x9FFFFFFF  }
0xc2: {  	(tm) =	ssettm $0x7FFFFFFF  }
0xc3: {  	_ =	shalt  }
tec
execute0_lowered:
.L_overlay_start_1:
0x0: {  	(tag) =	ssettag $0x1  }
0x1: {  	s0 =	stileid.u32  }
0x2: {  	s6 =	smul.u32 $0x2800, s0  }
0x3: {  	s1 =	srdreg.scid;
	s8 =	smul.u32 $0x28000, s0  }
0x4: {  	s4 =	rddreg [dreg:$0x0];
	s25 =	smul.u32 $0x14000, s0  }
0x5: {  	s2 =	rddreg [dreg:$0x1];
	s5 =	sand.u32 $0x1, s1;
	s12 =	smul.u32 $0x50000, s0  }
0x6: {  	s3 =	simm.s32 $0x0;
	s1 =	rddreg [dreg:$0x2];
	s7 =	smul.u32 $0x1400, s5  }
0x7: {  	[smem:$0x7FF] =	sst s3;
	s30 =	sshll.u32 s0, $0x6;
	s9 =	smul.u32 $0x140000, s5  }
0x8: {  	_ =	strace $0x8000004A;
	s28 =	ssub.s32 $0x2, s5;
	s31 =	smul.u32 $0x14000, s5  }
0x9: {  	s5 =	sor.u32 $0x1C01, s30;
	s8 =	sadd.s32 s8, s4;
	s26 =	sshrl.u32 s25, $0x3  }
0xa: {  	s11 =	sshrl.u32 s28, $0x1;
	s29 =	sshrl.u32 s12, $0x2;
	s12 =	simm.s32 $0x80  }
0xb: {  	s6 =	sadd.s32 s7, s6;
	s7 =	sadd.s32 s25, s9;
	s9 =	ssub.s32 s28, s11  }
0xc: {  	s13 =	sadd.s32 s29, s2;
	s8 =	sadd.s32 s31, s8;
	s11 =	simm.s32 $0x1  }
0xd: {  	s6 =	sshrl.u32 s6, $0x3;
	s7 =	sshrl.u32 s7, $0x3;
	s8 =	sadd.s32 $0x7D4800, s8  }
0xe: {  	s10 =	sadd.s32 s6, s4;
	s6 =	sadd.s32 s26, s4;
	s7 =	sadd.s32 s7, s4  }
0xf: {  	s4 =	sadd.s32 $0x36800, s6;
	s6 =	sadd.s32 $0x2E8800, s7;
	s7 =	smax.u32 s9, $0x1  }
0x10: {  	s9 =	sadd.s32 $0x2E3800, s10;
	s10 =	sshrl.u32 s13, $0x3;
	s13 =	simm.s32 $0x0  }
.LBB2_1:
0x11: {  	[spmem:s10], [sflag:s5] =	dma.local [hbm:s4], $0x2800  }
0x12: {  	_ =	swait.ge [sflag:s11], $0x2800  }
0x13: {  	[sflag:s11] =	ssyncset.done $0x0  }
0x14: {  	[sflag:s11] =	ssyncadd.s32 $0xFFFFD800  }
0x15: {  	s14 =	sadd.s32 $0x0, s9;
	[bflag:$0x0] =	sbarrier.arrive $0xFFFF  }
0x16: {  	[tilespmem:s3], [sflag:$0x1] =	stream.linear.gather [hbm4b:s14+s3], $0x80, $0x38;
	[tilespmem:$0x18080] =	vst v63  }
0x17: {  	_ =	swait.ge [sflag:s11], $0x80  }
0x18: {  	[sflag:s11] =	ssyncset.done $0x0  }
0x19: {  	[sflag:s11] =	ssyncadd.s32 $0xFFFFFF80  }
0x1a: {  	[tilespmem:s12], [sflag:$0x1] =	stream.linear.gather [hbm4b:s8+s3], $0x4000, $0x38;
	[tilespmem:$0x18080] =	vst v63  }
0x1b: {  	_ =	swait.ge [sflag:s11], $0x4000  }
0x1c: {  	[sflag:s11] =	ssyncset.done $0x0  }
0x1d: {  	[sflag:s11] =	ssyncadd.s32 $0xFFFFC000  }
0x1e: {  	[spmem:s2] =	stream.indirect.scatter.add.f32 [tilespmem:s12], [sflag:$0x1], $0x80, s3, s12, $0xb8;
	[tilespmem:$0x18080] =	vst v63  }
0x1f: {  	s15 =	simm.s32 $0x10;
	_ =	swait.ge [sflag:s11], $0x4000  }
0x20: {  	s16 =	simm.s32 $0x20;
	s14 =	sadd.s32 $0x800, s8;
	[sflag:s11] =	ssyncset.done $0x0  }
.LBB2_2:
0x21: {  	s17 =	sadd.s32 s15, s9  }
0x22: {  	[sflag:s11] =	ssyncadd.s32 $0xFFFFC000;
	s15 =	smov.u32 s16;
	s18 =	sadd.s32 $0x10, s16  }
0x23: {  	[tilespmem:s3], [sflag:$0x1] =	stream.linear.gather [hbm4b:s17+s3], $0x80, $0x38;
	[tilespmem:$0x18080] =	vst v63  }
0x24: {  	p0 =	sne.s32 s16, $0x270;
	_ =	swait.ge [sflag:s11], $0x80  }
0x25: {  	[sflag:s11] =	ssyncset.done $0x0  }
0x26: {  	[sflag:s11] =	ssyncadd.s32 $0xFFFFFF80  }
0x27: {  	[tilespmem:s12], [sflag:$0x1] =	stream.linear.gather [hbm4b:s14+s3], $0x4000, $0x38;
	[tilespmem:$0x18080] =	vst v63  }
0x28: {  	_ =	swait.ge [sflag:s11], $0x4000  }
.Ltmp0:
0x29: {  	[sflag:s11] =	ssyncset.done $0x0;
	(pc) =	sbr.rel @p0 .LBB2_2-.Ltmp0, $4  }
0x2a: {  	[sflag:s11] =	ssyncadd.s32 $0xFFFFC000  }
0x2b: {  	[spmem:s2] =	stream.indirect.scatter.add.f32 [tilespmem:s12], [sflag:$0x1], $0x80, s3, s12, $0xb8;
	[tilespmem:$0x18080] =	vst v63  }
0x2c: {  	_ =	swait.ge [sflag:s11], $0x4000  }
0x2d: {  	s16 =	smov.u32 s18;
	s14 =	sadd.s32 $0x800, s14;
	[sflag:s11] =	ssyncset.done $0x0  }
0x2e: {  	s15 =	sadd.s32 s15, s9;
	[sflag:s11] =	ssyncadd.s32 $0xFFFFC000  }
0x2f: {  	[tilespmem:s3], [sflag:$0x1] =	stream.linear.gather [hbm4b:s15+s3], $0x80, $0x38;
	[tilespmem:$0x18080] =	vst v63  }
0x30: {  	_ =	swait.ge [sflag:s11], $0x80  }
0x31: {  	[sflag:s11] =	ssyncset.done $0x0  }
0x32: {  	[sflag:s11] =	ssyncadd.s32 $0xFFFFFF80  }
0x33: {  	[tilespmem:s12], [sflag:$0x1] =	stream.linear.gather [hbm4b:s14+s3], $0x4000, $0x38;
	[tilespmem:$0x18080] =	vst v63  }
0x34: {  	_ =	swait.ge [sflag:s11], $0x4000  }
0x35: {  	[sflag:s11] =	ssyncset.done $0x0  }
0x36: {  	[sflag:s11] =	ssyncadd.s32 $0xFFFFC000  }
0x37: {  	[spmem:s2] =	stream.indirect.scatter.add.f32 [tilespmem:s12], [sflag:$0x1], $0x80, s3, s12, $0xb8;
	[tilespmem:$0x18080] =	vst v63  }
0x38: {  	_ =	swait.ge [sflag:s11], $0x4000  }
0x39: {  	s13 =	sadd.s32 $0x1, s13;
	[sflag:s11] =	ssyncset.done $0x0  }
0x3a: {  	p0 =	sne.s32 s13, s7;
	[sflag:s11] =	ssyncadd.s32 $0xFFFFC000  }
.Ltmp1:
0x3b: {  	[bflag:$0x0] =	sbarrier.arrive $0xFFFF;
	(pc) =	sbr.rel @p0 .LBB2_1-.Ltmp1, $4  }
0x3c: {  	[hbm:s6], [sflag:s5] =	dma.local [spmem:s10], $0x2800  }
0x3d: {  	_ =	swait.ge [sflag:s11], $0x2800  }
0x3e: {  	[sflag:s11] =	ssyncset.done $0x0  }
0x3f: {  	[sflag:s11] =	ssyncadd.s32 $0xFFFFD800  }
0x40: {  	_ =	sfence.sel $0x180000  }
0x41: {  	[bflag:$0x0] =	sbarrier.arrive $0xFFFF  }
0x42: {  	p0 =	sne.s32 s0, $0x0;
	_ =	strace $0x9000004A  }
0x43: {  	s0 =	sadd.s32 @!p0 $0x100000, s1;
	[bflag:$0x2] =	sbarrier.arrive $0xFFFF  }
0x44: {  	[sflag:s0] =	ssyncadd.tile.s32 @!p0 $0x1;
	_ =	shalt  }
.Lfunc_end2:
_tile_overlayer_lowered:
.L_overlay_start_2:
0x45: {  	(tag) =	ssettag $0x2  }
0x46: {  	s0 =	rddreg [dreg:$0x0];
	s2 =	stileid.u32  }
0x47: {  	s1 =	rddreg [dreg:$0x1];
	p0 =	sne.s32 s2, $0x0  }
0x48: {  	s3 =	rddreg [dreg:$0x2];
	[bflag:$0x3] =	sbarrier.arrive $0xFFFF;
	s2 =	simm.s32 @!p0 $0x1C01  }
0x49: {  	[timem:s3], [sflag:s2] =	dma.local @!p0 [hbm:s0], s1  }
0x4a: {  	s0 =	simm.s32 @!p0 $0x1  }
0x4b: {  	_ =	swait.ge @!p0 [sflag:s0], s1  }
0x4c: {  	s1 =	ssub.s32 @!p0 $0x0, s1;
	[sflag:s0] =	ssyncset.done @!p0 $0x0  }
0x4d: {  	[sflag:s0] =	ssyncadd.s32 @!p0 s1  }
0x4e: {  	[bflag:$0x3] =	sbarrier.arrive $0xFFFF  }
0x4f: {  	_ =	shalt  }

// kernel: kernel.22.cloned.1.call-start
scs
__scs_entry_jumppad:
0x0: {  	(pc) =	sbr.rel $0x88, $3  }
0x1: {  	(tag) =	ssettag $0x0;
	lr =	simm.s32 $0x1  }
0x2: {  	[smem:$0x3F6A] =	sst lr;
	_ =	strace $0xD0000000  }
0x3: {  	_ = 	snop  }
0x4: {  	_ = 	snop  }
0x5: {  	_ = 	snop  }
0x6: {  	_ = 	snop  }
0x7: {  	_ = 	snop  }
__scs_overlays_trampoline_lowered:
0x8: {  	[smem:$0x3F79] =	sst s0  }
0x9: {  	[smem:$0x3F7A] =	sst s1  }
0xa: {  	[smem:$0x3F7B] =	sst s2  }
0xb: {  	[smem:$0x3F7C] =	sst s3  }
0xc: {  	[smem:$0x3F7D] =	sst s4  }
0xd: {  	[smem:$0x3F7E] =	sst s5  }
0xe: {  	[smem:$0x3F7F] =	sst s6  }
0xf: {  	[smem:$0x3F80] =	sst s7  }
0x10: {  	[smem:$0x3F81] =	sst s8  }
0x11: {  	[smem:$0x3F82] =	sst s9;
	s0 =	simm.s32 @!p0 $0x0  }
0x12: {  	s1 =	sld [smem:$0x3F68];
	s0 =	simm.s32 @p0 $0x1  }
0x13: {  	[smem:$0x3F83] =	sst s0;
	s0 =	simm.s32 @!p1 $0x0  }
0x14: {  	s2 =	sld [smem:$0x3F67];
	s0 =	simm.s32 @p1 $0x1  }
0x15: {  	[smem:$0x3F84] =	sst s0;
	s0 =	simm.s32 @!p2 $0x0  }
0x16: {  	s3 =	sld [smem:$0x3FDB];
	s0 =	simm.s32 @p2 $0x1  }
0x17: {  	s4 =	simm.s32 $0x1BF5;
	[smem:$0x3F86] =	sst s0  }
0x18: {  	s0 =	sld [smem:$0x3F69];
	_ =	swait.ge [sflag:s4], $0x0  }
0x19: {  	s7 =	sld [smem:$0x3F6A]  }
0x1a: {  	s8 =	sadd.s32 $0xFFFFE003, lr  }
0x1b: {  	s9 =	sadd.s32 $0xFFFFFEF7, lr;
	s5 =	simm.s32 $0xFFFFFFFF;
	p2 =	slt.u32 s8, $0xFFFFF086  }
0x1c: {  	p1 =	slt.u32 s9, $0xF7A;
	s5 =	simm.s32 @!p2 $0x0  }
0x1d: {  	s5 =	simm.s32 @p1 $0x1;
	p0 =	seq.s32 s7, s2  }
0x1e: {  	s7 =	smul.u32 @!p0 $0xF7A, s2;
	p2 =	seq.s32 @!p0 s5, $0x0  }
0x1f: {  	s9 =	smul.u32 $0xF7A, s1;
	s8 =	simm.s32 @!p0 $0x1BF5;
	p2 =	por !p2, p0  }
0x20: {  	[sflag:s8] =	ssyncset.s32 @!p0 $0xFFFFF086;
	s6 =	sadd.s32 @!p0 s3, s7;
	s7 =	simm.s32 @!p0 $0x108  }
0x21: {  	s3 =	sadd.s32 s3, s9;
	s6 =	sadd.s32 @!p0 $0x88, s6;
	s7 =	simm.s32 @p2 $0x1082  }
0x22: {  	[simem:s7], [sflag:s8] =	dma.local @!p0 [hbm:s6], $0xF7A  }
0x23: {  	s9 =	sor.u32 $0xD0000000, s2;
	s6 =	simm.s32 $0x108;
	_ =	swait.ge @!p0 [sflag:s8], $0x0  }
0x24: {  	s3 =	sadd.s32 $0x88, s3;
	s6 =	simm.s32 @!p1 $0x1082;
	[sflag:s4] =	ssyncset.s32 $0xFFFFF086  }
0x25: {  	[simem:s6], [sflag:s4] =	dma.local [hbm:s3], $0xF7A  }
0x26: {  	[smem:$0x3F6A] =	sst s1;
	(tag) =	ssettag s2;
	_ =	strace s9  }
0x27: {  	s1 =	sld [smem:$0x3F7A]  }
0x28: {  	s2 =	sld [smem:$0x3F7B]  }
0x29: {  	s4 =	sld [smem:$0x3F7D]  }
0x2a: {  	p0 =	seq.s32 s5, $0x0;
	s5 =	sld [smem:$0x3F7E]  }
0x2b: {  	s6 =	sld [smem:$0x3F7F]  }
0x2c: {  	s7 =	sld [smem:$0x3F80]  }
0x2d: {  	s3 =	simm.s32 $0x108;
	s8 =	sld [smem:$0x3F81]  }
0x2e: {  	s3 =	simm.s32 @!p0 $0x1082;
	s9 =	sld [smem:$0x3F82]  }
0x2f: {  	lr =	sadd.s32 s0, s3;
	s0 =	sld [smem:$0x3F79]  }
0x30: {  	s3 =	sld [smem:$0x3F7C]  }
0x31: {  	[smem:$0x3F85] =	sst s10  }
0x32: {  	s10 =	sld [smem:$0x3F83];
	_ =	sdelay $0x3  }
0x33: {  	p0 =	seq.s32 s10, $0x1;
	s10 =	sld [smem:$0x3F85];
	_ =	sdelay $0x3  }
0x34: {  	[smem:$0x3F85] =	sst s10  }
0x35: {  	s10 =	sld [smem:$0x3F84];
	_ =	sdelay $0x3  }
0x36: {  	p1 =	seq.s32 s10, $0x1;
	s10 =	sld [smem:$0x3F85];
	_ =	sdelay $0x3  }
0x37: {  	[smem:$0x3F85] =	sst s10  }
0x38: {  	s10 =	sld [smem:$0x3F86]  }
0x39: {  	_ = 	snop;
	(pc) =	sbr.ind lr, $3  }
0x3a: {  	_ = 	snop  }
0x3b: {  	_ = 	snop  }
0x3c: {  	p2 =	seq.s32 s10, $0x1;
	s10 =	sld [smem:$0x3F85]  }
0x3d: {  	_ =	shalt  }
0x3e: {  	_ =	shalt  }
0x3f: {  	_ =	shalt  }
0x40: {  	_ =	shalt  }
0x41: {  	_ =	shalt  }
0x42: {  	_ =	shalt  }
0x43: {  	_ =	shalt  }
0x44: {  	_ =	shalt  }
0x45: {  	_ =	shalt  }
0x46: {  	_ =	shalt  }
0x47: {  	_ =	shalt  }
0x48: {  	_ =	shalt  }
0x49: {  	_ =	shalt  }
0x4a: {  	_ =	shalt  }
0x4b: {  	_ =	shalt  }
0x4c: {  	_ =	shalt  }
0x4d: {  	_ =	shalt  }
0x4e: {  	_ =	shalt  }
0x4f: {  	_ =	shalt  }
0x50: {  	_ =	shalt  }
0x51: {  	_ =	shalt  }
0x52: {  	_ =	shalt  }
0x53: {  	_ =	shalt  }
0x54: {  	_ =	shalt  }
0x55: {  	_ =	shalt  }
0x56: {  	_ =	shalt  }
0x57: {  	_ =	shalt  }
0x58: {  	_ =	shalt  }
0x59: {  	_ =	shalt  }
0x5a: {  	_ =	shalt  }
0x5b: {  	_ =	shalt  }
0x5c: {  	_ =	shalt  }
0x5d: {  	_ =	shalt  }
0x5e: {  	_ =	shalt  }
0x5f: {  	_ =	shalt  }
0x60: {  	_ =	shalt  }
0x61: {  	_ =	shalt  }
0x62: {  	_ =	shalt  }
0x63: {  	_ =	shalt  }
0x64: {  	_ =	shalt  }
0x65: {  	_ =	shalt  }
0x66: {  	_ =	shalt  }
0x67: {  	_ =	shalt  }
0x68: {  	_ =	shalt  }
0x69: {  	_ =	shalt  }
0x6a: {  	_ =	shalt  }
0x6b: {  	_ =	shalt  }
0x6c: {  	_ =	shalt  }
0x6d: {  	_ =	shalt  }
0x6e: {  	_ =	shalt  }
0x6f: {  	_ =	shalt  }
0x70: {  	_ =	shalt  }
0x71: {  	_ =	shalt  }
0x72: {  	_ =	shalt  }
0x73: {  	_ =	shalt  }
0x74: {  	_ =	shalt  }
0x75: {  	_ =	shalt  }
0x76: {  	_ =	shalt  }
0x77: {  	_ =	shalt  }
0x78: {  	_ =	shalt  }
0x79: {  	_ =	shalt  }
0x7a: {  	_ =	shalt  }
0x7b: {  	_ =	shalt  }
0x7c: {  	_ =	shalt  }
0x7d: {  	_ =	shalt  }
0x7e: {  	_ =	shalt  }
0x7f: {  	_ =	shalt  }
0x80: {  	_ =	shalt  }
0x81: {  	_ =	shalt  }
0x82: {  	_ =	shalt  }
0x83: {  	_ =	shalt  }
0x84: {  	_ =	shalt  }
0x85: {  	_ =	shalt  }
0x86: {  	_ =	shalt  }
0x87: {  	_ =	shalt  }
.Lfunc_end0:
.L_simem_size_0:
called_computation.2_lowered:
.L_overlay_start_0:
0x88: {  	s2 =	sld [smem:$0x3FD9]  }
0x89: {  	s3 =	sld [smem:$0x3FFE];
	_ =	sdelay $0x1  }
0x8a: {  	s1 =	srdreg.scid  }
0x8b: {  	s0 =	sand.u32 $0x1, s1  }
0x8c: {  	s16 =	sshll.u32 s0, $0xA;
	s2 =	sadd.s32 s3, s2  }
0x8d: {  	s2 =	sadd.s32 s2, s16  }
0x8e: {  	[smem:$0x3F91] =	sst s2  }
0x8f: {  	_ = 	snop  }
0x90: {  	(tm) =	ssettm $0x1  }
0x91: {  	s17 =	sld [smem:$0x3FFB];
	_ =	sdelay $0x3  }
0x92: {  	_ =	strace s17  }
0x93: {  	s2 =	sld [smem:$0x3FFC];
	_ =	sdelay $0x3  }
0x94: {  	_ =	strace s2  }
0x95: {  	s2 =	sld [smem:$0x3FFD];
	_ =	sdelay $0x3  }
0x96: {  	_ =	strace s2  }
0x97: {  	_ =	strace $0x8FFFFFFF  }
0x98: {  	s18 =	sld [smem:$0x3FDB];
	_ =	sdelay $0x1  }
0x99: {  	s19 =	simm.s32 $_scs_section_size  }
0x9a: {  	s4 =	simm.s32 $_size__tile_overlayer_lowered;
	s5 =	simm.s32 $_tile_overlayer_lowered  }
0x9b: {  	s22 =	simm.s32 $0x1BFF;
	s21 =	sshll.u32 s5, $0x1;
	s2 =	sadd.s32 s19, s18  }
0x9c: {  	s6 =	simm.s32 $0x0;
	s20 =	sshll.u32 s4, $0x1;
	s4 =	sadd.s32 s21, s2  }
0x9d: {  	[timem:s6], [sflag:s22] =	dma.local [hbm:s4], s20  }
0x9e: {  	_ =	swait.ge [sflag:s22], s20  }
0x9f: {  	s3 =	ssub.s32 $0x0, s20;
	[sflag:s22] =	ssyncset.done $0x0  }
0xa0: {  	[sflag:s22] =	ssyncadd.s32 s3;
	_ =	sdelay $0x1  }
0xa1: {  	s23 =	simm.s32 $0x1B8B  }
0xa2: {  	_ =	swait.ge [sflag:s23], $0x1  }
0xa3: {  	[sflag:s23] =	ssyncset.done $0x0  }
0xa4: {  	s25 =	simm.s32 $0x1B8E;
	s24 =	sld [smem:$0x3FFE];
	[sflag:s23] =	ssyncadd.s32 $0xFFFFFFFF  }
0xa5: {  	s26 =	simm.s32 $execute0_lowered;
	[smem:$0x3FD2] =	sst s25  }
0xa6: {  	s4 =	sshll.u32 s26, $0x1;
	_ =	strace $0x8000004C;
	[dreg:$0x1] =	wrdreg $0xFFFFFFFF  }
0xa7: {  	s28 =	simm.s32 $_size_execute0_lowered;
	s2 =	sadd.s32 s2, s4;
	[dreg:$0x0] =	wrdreg $0x0  }
0xa8: {  	s4 =	sshll.u32 s28, $0x1;
	[dreg:$0x2] =	wrdreg s2  }
0xa9: {  	[dreg:$0x3] =	wrdreg s4  }
0xaa: {  	[dreg:$0x4] =	wrdreg $0xC0  }
0xab: {  	_ =	task [dreg:s6], $0x5FFFF  }
0xac: {  	[dreg:$0x1] =	wrdreg $0xFFFFFFFF  }
0xad: {  	[dreg:$0x0] =	wrdreg $0x60  }
0xae: {  	[dreg:$0x2] =	wrdreg s24  }
0xaf: {  	[dreg:$0x3] =	wrdreg $0x9  }
0xb0: {  	_ =	task.clear_ibuf [dreg:s6], $0x4FFFF;
	_ =	strace $0x9000004C  }
0xb1: {  	s29 =	simm.s32 $0x9;
	_ =	strace $0x8000004E  }
0xb2: {  	_ =	swait.ge [sflag:s29], $0x1  }
0xb3: {  	[sflag:s29] =	ssyncadd.s32 $0xFFFFFFFF  }
0xb4: {  	_ =	strace $0x9000004E  }
0xb5: {  	_ =	sfence  }
0xb6: {  	s30 =	sld [smem:$0x0];
	_ =	sdelay $0x2  }
0xb7: {  	s31 =	sshll.u32 s1, $0xD;
	s1 =	sshrl.u32 s1, $0x2  }
0xb8: {  	s3 =	sand.u32 $0x4000, s31;
	s1 =	sadd.s32 s1, s30  }
0xb9: {  	s0 =	sor.u32 s3, s0;
	s1 =	sshll.u32 s1, $0x11  }
0xba: {  	s0 =	sor.u32 s1, s0  }
0xbb: {  	s0 =	sadd.s32 $0x8F2B, s0  }
0xbc: {  	[sflag:s0] =	ssyncadd.remote.s32 $0x1  }
0xbd: {  	_ =	sfence.sel $0xFFFF  }
0xbe: {  	[dreg:$0x0] =	wrdreg $0xFFFFFFFF;
	(pc) =	sbr.abs _section_cstart, $3  }
0xbf: {  	[dreg:$0x1] =	wrdreg $0xFFFFFFFF  }
0xc0: {  	_ =	task.clear_ibuf [dreg:s6], $0x2FFFF;
	_ =	strace $0x9FFFFFFF  }
0xc1: {  	(tm) =	ssettm $0x7FFFFFFF  }
tec
execute0_lowered:
.L_overlay_start_1:
0x0: {  	(tag) =	ssettag $0x1  }
0x1: {  	s4 =	rddreg [dreg:$0x0]  }
0x2: {  	s0 =	rddreg [dreg:$0x1];
	s2 =	simm.s32 $0x0;
	s3 =	srdreg.scid  }
0x3: {  	s1 =	stileid.u32;
	s10 =	simm.s32 $0x4200;
	s11 =	simm.s32 $0x100  }
0x4: {  	s12 =	simm.s32 $0x8200;
	s13 =	simm.s32 $0x180;
	s14 =	simm.s32 $0xC200  }
0x5: {  	s15 =	simm.s32 $0x1;
	s16 =	simm.s32 $0x0;
	s6 =	smul.u32 $0x2800, s1  }
0x6: {  	[smem:$0x7FF] =	sst s2;
	s5 =	sand.u32 $0x1, s3;
	s8 =	smul.u32 $0x28000, s1  }
0x7: {  	s3 =	sadd.s32 $0x9800, s4;
	s7 =	smul.u32 $0x1400, s5;
	s9 =	ssub.s32 $0x2, s5  }
0x8: {  	_ =	strace $0x8000004D;
	s5 =	smul.u32 $0x14000, s5;
	s31 =	sshrl.u32 s9, $0x1  }
0x9: {  	s8 =	sadd.s32 s8, s4;
	s6 =	sadd.s32 s7, s6;
	s7 =	ssub.s32 s9, s31  }
0xa: {  	s5 =	sadd.s32 s5, s8;
	s8 =	simm.s32 $0x80;
	s6 =	sshrl.u32 s6, $0x3  }
0xb: {  	s9 =	simm.s32 $0x200;
	s5 =	sadd.s32 $0x63800, s5;
	s6 =	sadd.s32 s6, s4  }
0xc: {  	s4 =	smax.u32 s7, $0x1;
	s7 =	simm.s32 $0x2;
	s6 =	sadd.s32 $0x5E800, s6  }
.LBB2_1:
0xd: {  	s17 =	sadd.s32 $0x0, s6  }
0xe: {  	[tilespmem:s2], [sflag:$0x2] =	stream.linear.gather [hbm4b:s17+s2], $0x200, $0x38;
	[tilespmem:$0x10200] =	vst v63  }
0xf: {  	_ =	swait.ge [sflag:s7], $0x200  }
0x10: {  	[sflag:s7] =	ssyncset.done $0x0  }
0x11: {  	[sflag:s7] =	ssyncadd.s32 $0xFFFFFE00  }
0x12: {  	[tilespmem:s9], [sflag:$0x1] =	stream.indirect.gather [hbm4b:s3+s8], $0x80, s2, s8, $0xb8;
	[tilespmem:$0x10200] =	vst v63  }
0x13: {  	_ = 	snop  }
0x14: {  	[tilespmem:s10], [sflag:$0x1] =	stream.indirect.gather [hbm4b:s3+s8], $0x80, s8, s8, $0xb8;
	[tilespmem:$0x10200] =	vst v63  }
0x15: {  	_ = 	snop  }
0x16: {  	[tilespmem:s12], [sflag:$0x1] =	stream.indirect.gather [hbm4b:s3+s8], $0x80, s11, s8, $0xb8;
	[tilespmem:$0x10200] =	vst v63  }
0x17: {  	_ = 	snop  }
0x18: {  	[tilespmem:s14], [sflag:$0x1] =	stream.indirect.gather [hbm4b:s3+s8], $0x80, s13, s8, $0xb8;
	[tilespmem:$0x10200] =	vst v63  }
0x19: {  	_ =	swait.ge [sflag:s15], $0x4000  }
0x1a: {  	[sflag:s15] =	ssyncset.done $0x0  }
0x1b: {  	[sflag:s15] =	ssyncadd.s32 $0xFFFFC000  }
0x1c: {  	_ =	swait.ge [sflag:s15], $0x4000  }
0x1d: {  	[sflag:s15] =	ssyncset.done $0x0  }
0x1e: {  	[sflag:s15] =	ssyncadd.s32 $0xFFFFC000  }
0x1f: {  	_ =	swait.ge [sflag:s15], $0x4000  }
0x20: {  	[sflag:s15] =	ssyncset.done $0x0  }
0x21: {  	[sflag:s15] =	ssyncadd.s32 $0xFFFFC000  }
0x22: {  	_ =	swait.ge [sflag:s15], $0x4000  }
0x23: {  	[sflag:s15] =	ssyncset.done $0x0  }
0x24: {  	[sflag:s15] =	ssyncadd.s32 $0xFFFFC000  }
0x25: {  	[hbm4b:s5+s2] =	stream.linear.scatter [tilespmem:s9], [sflag:$0x2], $0x10000, $0x38;
	[tilespmem:$0x10200] =	vst v63  }
0x26: {  	s18 =	simm.s32 $0x40;
	_ =	swait.ge [sflag:s7], $0x10000  }
0x27: {  	s19 =	simm.s32 $0x80;
	s17 =	sadd.s32 $0x2000, s5;
	[sflag:s7] =	ssyncset.done $0x0  }
.LBB2_2:
0x28: {  	s20 =	sadd.s32 s18, s6  }
0x29: {  	[sflag:s7] =	ssyncadd.s32 $0xFFFF0000;
	s18 =	smov.u32 s19;
	s21 =	sadd.s32 $0x40, s19  }
0x2a: {  	[tilespmem:s2], [sflag:$0x2] =	stream.linear.gather [hbm4b:s20+s2], $0x200, $0x38;
	[tilespmem:$0x10200] =	vst v63  }
0x2b: {  	p0 =	sne.s32 s19, $0x240;
	_ =	swait.ge [sflag:s7], $0x200  }
0x2c: {  	[sflag:s7] =	ssyncset.done $0x0  }
0x2d: {  	[sflag:s7] =	ssyncadd.s32 $0xFFFFFE00  }
0x2e: {  	[tilespmem:s9], [sflag:$0x1] =	stream.indirect.gather [hbm4b:s3+s8], $0x80, s2, s8, $0xb8;
	[tilespmem:$0x10200] =	vst v63  }
0x2f: {  	_ = 	snop  }
0x30: {  	[tilespmem:s10], [sflag:$0x1] =	stream.indirect.gather [hbm4b:s3+s8], $0x80, s8, s8, $0xb8;
	[tilespmem:$0x10200] =	vst v63  }
0x31: {  	_ = 	snop  }
0x32: {  	[tilespmem:s12], [sflag:$0x1] =	stream.indirect.gather [hbm4b:s3+s8], $0x80, s11, s8, $0xb8;
	[tilespmem:$0x10200] =	vst v63  }
0x33: {  	_ = 	snop  }
0x34: {  	[tilespmem:s14], [sflag:$0x1] =	stream.indirect.gather [hbm4b:s3+s8], $0x80, s13, s8, $0xb8;
	[tilespmem:$0x10200] =	vst v63  }
0x35: {  	_ =	swait.ge [sflag:s15], $0x4000  }
0x36: {  	[sflag:s15] =	ssyncset.done $0x0  }
0x37: {  	[sflag:s15] =	ssyncadd.s32 $0xFFFFC000  }
0x38: {  	_ =	swait.ge [sflag:s15], $0x4000  }
0x39: {  	[sflag:s15] =	ssyncset.done $0x0  }
0x3a: {  	[sflag:s15] =	ssyncadd.s32 $0xFFFFC000  }
0x3b: {  	_ =	swait.ge [sflag:s15], $0x4000  }
0x3c: {  	[sflag:s15] =	ssyncset.done $0x0  }
0x3d: {  	[sflag:s15] =	ssyncadd.s32 $0xFFFFC000  }
0x3e: {  	_ =	swait.ge [sflag:s15], $0x4000  }
.Ltmp0:
0x3f: {  	[sflag:s15] =	ssyncset.done $0x0;
	(pc) =	sbr.rel @p0 .LBB2_2-.Ltmp0, $4  }
0x40: {  	[sflag:s15] =	ssyncadd.s32 $0xFFFFC000  }
0x41: {  	[hbm4b:s17+s2] =	stream.linear.scatter [tilespmem:s9], [sflag:$0x2], $0x10000, $0x38;
	[tilespmem:$0x10200] =	vst v63  }
0x42: {  	_ =	swait.ge [sflag:s7], $0x10000  }
0x43: {  	s19 =	smov.u32 s21;
	s17 =	sadd.s32 $0x2000, s17;
	[sflag:s7] =	ssyncset.done $0x0  }
0x44: {  	s18 =	sadd.s32 s18, s6;
	[sflag:s7] =	ssyncadd.s32 $0xFFFF0000  }
0x45: {  	[tilespmem:s2], [sflag:$0x2] =	stream.linear.gather [hbm4b:s18+s2], $0x200, $0x38;
	[tilespmem:$0x10200] =	vst v63  }
0x46: {  	_ =	swait.ge [sflag:s7], $0x200  }
0x47: {  	[sflag:s7] =	ssyncset.done $0x0  }
0x48: {  	[sflag:s7] =	ssyncadd.s32 $0xFFFFFE00  }
0x49: {  	[tilespmem:s9], [sflag:$0x1] =	stream.indirect.gather [hbm4b:s3+s8], $0x80, s2, s8, $0xb8;
	[tilespmem:$0x10200] =	vst v63  }
0x4a: {  	_ = 	snop  }
0x4b: {  	[tilespmem:s10], [sflag:$0x1] =	stream.indirect.gather [hbm4b:s3+s8], $0x80, s8, s8, $0xb8;
	[tilespmem:$0x10200] =	vst v63  }
0x4c: {  	_ = 	snop  }
0x4d: {  	[tilespmem:s12], [sflag:$0x1] =	stream.indirect.gather [hbm4b:s3+s8], $0x80, s11, s8, $0xb8;
	[tilespmem:$0x10200] =	vst v63  }
0x4e: {  	_ = 	snop  }
0x4f: {  	[tilespmem:s14], [sflag:$0x1] =	stream.indirect.gather [hbm4b:s3+s8], $0x80, s13, s8, $0xb8;
	[tilespmem:$0x10200] =	vst v63  }
0x50: {  	_ =	swait.ge [sflag:s15], $0x4000  }
0x51: {  	[sflag:s15] =	ssyncset.done $0x0  }
0x52: {  	[sflag:s15] =	ssyncadd.s32 $0xFFFFC000  }
0x53: {  	_ =	swait.ge [sflag:s15], $0x4000  }
0x54: {  	[sflag:s15] =	ssyncset.done $0x0  }
0x55: {  	[sflag:s15] =	ssyncadd.s32 $0xFFFFC000  }
0x56: {  	_ =	swait.ge [sflag:s15], $0x4000  }
0x57: {  	[sflag:s15] =	ssyncset.done $0x0  }
0x58: {  	[sflag:s15] =	ssyncadd.s32 $0xFFFFC000  }
0x59: {  	s16 =	sadd.s32 $0x1, s16;
	_ =	swait.ge [sflag:s15], $0x4000  }
0x5a: {  	p0 =	sne.s32 s16, s4;
	[sflag:s15] =	ssyncset.done $0x0  }
.Ltmp1:
0x5b: {  	[sflag:s15] =	ssyncadd.s32 $0xFFFFC000;
	(pc) =	sbr.rel @p0 .LBB2_1-.Ltmp1, $4  }
0x5c: {  	[hbm4b:s17+s2] =	stream.linear.scatter [tilespmem:s9], [sflag:$0x2], $0x10000, $0x38;
	[tilespmem:$0x10200] =	vst v63  }
0x5d: {  	_ =	swait.ge [sflag:s7], $0x10000  }
0x5e: {  	[sflag:s7] =	ssyncset.done $0x0  }
0x5f: {  	[sflag:s7] =	ssyncadd.s32 $0xFFFF0000  }
0x60: {  	_ =	sfence.sel $0x180000  }
0x61: {  	[bflag:$0x0] =	sbarrier.arrive $0xFFFF  }
0x62: {  	p0 =	sne.s32 s1, $0x0;
	_ =	strace $0x9000004D  }
0x63: {  	s0 =	sadd.s32 @!p0 $0x100000, s0;
	[bflag:$0x2] =	sbarrier.arrive $0xFFFF  }
0x64: {  	[sflag:s0] =	ssyncadd.tile.s32 @!p0 $0x1;
	_ =	shalt  }
.Lfunc_end2:
_tile_overlayer_lowered:
.L_overlay_start_2:
0x65: {  	(tag) =	ssettag $0x2  }
0x66: {  	s0 =	rddreg [dreg:$0x0];
	s2 =	stileid.u32  }
0x67: {  	s1 =	rddreg [dreg:$0x1];
	p0 =	sne.s32 s2, $0x0  }
0x68: {  	s3 =	rddreg [dreg:$0x2];
	[bflag:$0x3] =	sbarrier.arrive $0xFFFF;
	s2 =	simm.s32 @!p0 $0x1C02  }
0x69: {  	[timem:s3], [sflag:s2] =	dma.local @!p0 [hbm:s0], s1  }
0x6a: {  	s0 =	simm.s32 @!p0 $0x2  }
0x6b: {  	_ =	swait.ge @!p0 [sflag:s0], s1  }
0x6c: {  	s1 =	ssub.s32 @!p0 $0x0, s1;
	[sflag:s0] =	ssyncset.done @!p0 $0x0  }
0x6d: {  	[sflag:s0] =	ssyncadd.s32 @!p0 s1  }
0x6e: {  	[bflag:$0x3] =	sbarrier.arrive $0xFFFF  }
0x6f: {  	_ =	shalt  }

// kernel: kernel.25.cloned.1.call-start
scs
__scs_entry_jumppad:
0x0: {  	(pc) =	sbr.rel $0x88, $3  }
0x1: {  	(tag) =	ssettag $0x0;
	lr =	simm.s32 $0x1  }
0x2: {  	[smem:$0x3F6A] =	sst lr;
	_ =	strace $0xD0000000  }
0x3: {  	_ = 	snop  }
0x4: {  	_ = 	snop  }
0x5: {  	_ = 	snop  }
0x6: {  	_ = 	snop  }
0x7: {  	_ = 	snop  }
__scs_overlays_trampoline_lowered:
0x8: {  	[smem:$0x3F79] =	sst s0  }
0x9: {  	[smem:$0x3F7A] =	sst s1  }
0xa: {  	[smem:$0x3F7B] =	sst s2  }
0xb: {  	[smem:$0x3F7C] =	sst s3  }
0xc: {  	[smem:$0x3F7D] =	sst s4  }
0xd: {  	[smem:$0x3F7E] =	sst s5  }
0xe: {  	[smem:$0x3F7F] =	sst s6  }
0xf: {  	[smem:$0x3F80] =	sst s7  }
0x10: {  	[smem:$0x3F81] =	sst s8  }
0x11: {  	[smem:$0x3F82] =	sst s9;
	s0 =	simm.s32 @!p0 $0x0  }
0x12: {  	s1 =	sld [smem:$0x3F68];
	s0 =	simm.s32 @p0 $0x1  }
0x13: {  	[smem:$0x3F83] =	sst s0;
	s0 =	simm.s32 @!p1 $0x0  }
0x14: {  	s2 =	sld [smem:$0x3F67];
	s0 =	simm.s32 @p1 $0x1  }
0x15: {  	[smem:$0x3F84] =	sst s0;
	s0 =	simm.s32 @!p2 $0x0  }
0x16: {  	s3 =	sld [smem:$0x3FDB];
	s0 =	simm.s32 @p2 $0x1  }
0x17: {  	s4 =	simm.s32 $0x1BF5;
	[smem:$0x3F86] =	sst s0  }
0x18: {  	s0 =	sld [smem:$0x3F69];
	_ =	swait.ge [sflag:s4], $0x0  }
0x19: {  	s7 =	sld [smem:$0x3F6A]  }
0x1a: {  	s8 =	sadd.s32 $0xFFFFE003, lr  }
0x1b: {  	s9 =	sadd.s32 $0xFFFFFEF7, lr;
	s5 =	simm.s32 $0xFFFFFFFF;
	p2 =	slt.u32 s8, $0xFFFFF086  }
0x1c: {  	p1 =	slt.u32 s9, $0xF7A;
	s5 =	simm.s32 @!p2 $0x0  }
0x1d: {  	s5 =	simm.s32 @p1 $0x1;
	p0 =	seq.s32 s7, s2  }
0x1e: {  	s7 =	smul.u32 @!p0 $0xF7A, s2;
	p2 =	seq.s32 @!p0 s5, $0x0  }
0x1f: {  	s9 =	smul.u32 $0xF7A, s1;
	s8 =	simm.s32 @!p0 $0x1BF5;
	p2 =	por !p2, p0  }
0x20: {  	[sflag:s8] =	ssyncset.s32 @!p0 $0xFFFFF086;
	s6 =	sadd.s32 @!p0 s3, s7;
	s7 =	simm.s32 @!p0 $0x108  }
0x21: {  	s3 =	sadd.s32 s3, s9;
	s6 =	sadd.s32 @!p0 $0x88, s6;
	s7 =	simm.s32 @p2 $0x1082  }
0x22: {  	[simem:s7], [sflag:s8] =	dma.local @!p0 [hbm:s6], $0xF7A  }
0x23: {  	s9 =	sor.u32 $0xD0000000, s2;
	s6 =	simm.s32 $0x108;
	_ =	swait.ge @!p0 [sflag:s8], $0x0  }
0x24: {  	s3 =	sadd.s32 $0x88, s3;
	s6 =	simm.s32 @!p1 $0x1082;
	[sflag:s4] =	ssyncset.s32 $0xFFFFF086  }
0x25: {  	[simem:s6], [sflag:s4] =	dma.local [hbm:s3], $0xF7A  }
0x26: {  	[smem:$0x3F6A] =	sst s1;
	(tag) =	ssettag s2;
	_ =	strace s9  }
0x27: {  	s1 =	sld [smem:$0x3F7A]  }
0x28: {  	s2 =	sld [smem:$0x3F7B]  }
0x29: {  	s4 =	sld [smem:$0x3F7D]  }
0x2a: {  	p0 =	seq.s32 s5, $0x0;
	s5 =	sld [smem:$0x3F7E]  }
0x2b: {  	s6 =	sld [smem:$0x3F7F]  }
0x2c: {  	s7 =	sld [smem:$0x3F80]  }
0x2d: {  	s3 =	simm.s32 $0x108;
	s8 =	sld [smem:$0x3F81]  }
0x2e: {  	s3 =	simm.s32 @!p0 $0x1082;
	s9 =	sld [smem:$0x3F82]  }
0x2f: {  	lr =	sadd.s32 s0, s3;
	s0 =	sld [smem:$0x3F79]  }
0x30: {  	s3 =	sld [smem:$0x3F7C]  }
0x31: {  	[smem:$0x3F85] =	sst s10  }
0x32: {  	s10 =	sld [smem:$0x3F83];
	_ =	sdelay $0x3  }
0x33: {  	p0 =	seq.s32 s10, $0x1;
	s10 =	sld [smem:$0x3F85];
	_ =	sdelay $0x3  }
0x34: {  	[smem:$0x3F85] =	sst s10  }
0x35: {  	s10 =	sld [smem:$0x3F84];
	_ =	sdelay $0x3  }
0x36: {  	p1 =	seq.s32 s10, $0x1;
	s10 =	sld [smem:$0x3F85];
	_ =	sdelay $0x3  }
0x37: {  	[smem:$0x3F85] =	sst s10  }
0x38: {  	s10 =	sld [smem:$0x3F86]  }
0x39: {  	_ = 	snop;
	(pc) =	sbr.ind lr, $3  }
0x3a: {  	_ = 	snop  }
0x3b: {  	_ = 	snop  }
0x3c: {  	p2 =	seq.s32 s10, $0x1;
	s10 =	sld [smem:$0x3F85]  }
0x3d: {  	_ =	shalt  }
0x3e: {  	_ =	shalt  }
0x3f: {  	_ =	shalt  }
0x40: {  	_ =	shalt  }
0x41: {  	_ =	shalt  }
0x42: {  	_ =	shalt  }
0x43: {  	_ =	shalt  }
0x44: {  	_ =	shalt  }
0x45: {  	_ =	shalt  }
0x46: {  	_ =	shalt  }
0x47: {  	_ =	shalt  }
0x48: {  	_ =	shalt  }
0x49: {  	_ =	shalt  }
0x4a: {  	_ =	shalt  }
0x4b: {  	_ =	shalt  }
0x4c: {  	_ =	shalt  }
0x4d: {  	_ =	shalt  }
0x4e: {  	_ =	shalt  }
0x4f: {  	_ =	shalt  }
0x50: {  	_ =	shalt  }
0x51: {  	_ =	shalt  }
0x52: {  	_ =	shalt  }
0x53: {  	_ =	shalt  }
0x54: {  	_ =	shalt  }
0x55: {  	_ =	shalt  }
0x56: {  	_ =	shalt  }
0x57: {  	_ =	shalt  }
0x58: {  	_ =	shalt  }
0x59: {  	_ =	shalt  }
0x5a: {  	_ =	shalt  }
0x5b: {  	_ =	shalt  }
0x5c: {  	_ =	shalt  }
0x5d: {  	_ =	shalt  }
0x5e: {  	_ =	shalt  }
0x5f: {  	_ =	shalt  }
0x60: {  	_ =	shalt  }
0x61: {  	_ =	shalt  }
0x62: {  	_ =	shalt  }
0x63: {  	_ =	shalt  }
0x64: {  	_ =	shalt  }
0x65: {  	_ =	shalt  }
0x66: {  	_ =	shalt  }
0x67: {  	_ =	shalt  }
0x68: {  	_ =	shalt  }
0x69: {  	_ =	shalt  }
0x6a: {  	_ =	shalt  }
0x6b: {  	_ =	shalt  }
0x6c: {  	_ =	shalt  }
0x6d: {  	_ =	shalt  }
0x6e: {  	_ =	shalt  }
0x6f: {  	_ =	shalt  }
0x70: {  	_ =	shalt  }
0x71: {  	_ =	shalt  }
0x72: {  	_ =	shalt  }
0x73: {  	_ =	shalt  }
0x74: {  	_ =	shalt  }
0x75: {  	_ =	shalt  }
0x76: {  	_ =	shalt  }
0x77: {  	_ =	shalt  }
0x78: {  	_ =	shalt  }
0x79: {  	_ =	shalt  }
0x7a: {  	_ =	shalt  }
0x7b: {  	_ =	shalt  }
0x7c: {  	_ =	shalt  }
0x7d: {  	_ =	shalt  }
0x7e: {  	_ =	shalt  }
0x7f: {  	_ =	shalt  }
0x80: {  	_ =	shalt  }
0x81: {  	_ =	shalt  }
0x82: {  	_ =	shalt  }
0x83: {  	_ =	shalt  }
0x84: {  	_ =	shalt  }
0x85: {  	_ =	shalt  }
0x86: {  	_ =	shalt  }
0x87: {  	_ =	shalt  }
.Lfunc_end0:
.L_simem_size_0:
called_computation.3_lowered:
.L_overlay_start_0:
0x88: {  	s2 =	sld [smem:$0x3FD9]  }
0x89: {  	s3 =	sld [smem:$0x3FFE];
	_ =	sdelay $0x1  }
0x8a: {  	s1 =	srdreg.scid  }
0x8b: {  	s0 =	sand.u32 $0x1, s1  }
0x8c: {  	s16 =	sshll.u32 s0, $0xA;
	s2 =	sadd.s32 s3, s2  }
0x8d: {  	s2 =	sadd.s32 s2, s16  }
0x8e: {  	[smem:$0x3F91] =	sst s2  }
0x8f: {  	_ = 	snop  }
0x90: {  	(tm) =	ssettm $0x1  }
0x91: {  	s17 =	sld [smem:$0x3FFB];
	_ =	sdelay $0x3  }
0x92: {  	_ =	strace s17  }
0x93: {  	s2 =	sld [smem:$0x3FFC];
	_ =	sdelay $0x3  }
0x94: {  	_ =	strace s2  }
0x95: {  	s2 =	sld [smem:$0x3FFD];
	_ =	sdelay $0x3  }
0x96: {  	_ =	strace s2  }
0x97: {  	_ =	strace $0x8FFFFFFF  }
0x98: {  	s18 =	sld [smem:$0x3FDB];
	_ =	sdelay $0x1  }
0x99: {  	s19 =	simm.s32 $_scs_section_size  }
0x9a: {  	s4 =	simm.s32 $_size__tile_overlayer_lowered;
	s5 =	simm.s32 $_tile_overlayer_lowered  }
0x9b: {  	s22 =	simm.s32 $0x1BFF;
	s21 =	sshll.u32 s5, $0x1;
	s2 =	sadd.s32 s19, s18  }
0x9c: {  	s6 =	simm.s32 $0x0;
	s20 =	sshll.u32 s4, $0x1;
	s4 =	sadd.s32 s21, s2  }
0x9d: {  	[timem:s6], [sflag:s22] =	dma.local [hbm:s4], s20  }
0x9e: {  	_ =	swait.ge [sflag:s22], s20  }
0x9f: {  	s3 =	ssub.s32 $0x0, s20;
	[sflag:s22] =	ssyncset.done $0x0  }
0xa0: {  	[sflag:s22] =	ssyncadd.s32 s3;
	_ =	sdelay $0x1  }
0xa1: {  	s23 =	simm.s32 $0x1B8B  }
0xa2: {  	_ =	swait.ge [sflag:s23], $0x1  }
0xa3: {  	[sflag:s23] =	ssyncset.done $0x0  }
0xa4: {  	s25 =	simm.s32 $0x1B8E;
	s24 =	sld [smem:$0x3FFE];
	[sflag:s23] =	ssyncadd.s32 $0xFFFFFFFF  }
0xa5: {  	s26 =	simm.s32 $execute0_lowered;
	[smem:$0x3FD2] =	sst s25  }
0xa6: {  	s4 =	sshll.u32 s26, $0x1;
	_ =	strace $0x8000004F;
	[dreg:$0x1] =	wrdreg $0xFFFFFFFF  }
0xa7: {  	s28 =	simm.s32 $_size_execute0_lowered;
	s2 =	sadd.s32 s2, s4;
	[dreg:$0x0] =	wrdreg $0x0  }
0xa8: {  	s4 =	sshll.u32 s28, $0x1;
	[dreg:$0x2] =	wrdreg s2  }
0xa9: {  	[dreg:$0x3] =	wrdreg s4  }
0xaa: {  	[dreg:$0x4] =	wrdreg $0xC0  }
0xab: {  	_ =	task [dreg:s6], $0x5FFFF  }
0xac: {  	[dreg:$0x1] =	wrdreg $0xFFFFFFFF  }
0xad: {  	[dreg:$0x0] =	wrdreg $0x60  }
0xae: {  	[dreg:$0x2] =	wrdreg s24  }
0xaf: {  	[dreg:$0x3] =	wrdreg $0x40800  }
0xb0: {  	[dreg:$0x4] =	wrdreg $0x9  }
0xb1: {  	_ =	task.clear_ibuf [dreg:s6], $0x5FFFF;
	_ =	strace $0x9000004F  }
0xb2: {  	s29 =	simm.s32 $0x9;
	_ =	strace $0x80000051  }
0xb3: {  	_ =	swait.ge [sflag:s29], $0x1  }
0xb4: {  	[sflag:s29] =	ssyncadd.s32 $0xFFFFFFFF  }
0xb5: {  	_ =	strace $0x90000051  }
0xb6: {  	_ =	sfence  }
0xb7: {  	s30 =	sld [smem:$0x0];
	_ =	sdelay $0x2  }
0xb8: {  	s31 =	sshll.u32 s1, $0xD;
	s1 =	sshrl.u32 s1, $0x2  }
0xb9: {  	s3 =	sand.u32 $0x4000, s31;
	s1 =	sadd.s32 s1, s30  }
0xba: {  	s0 =	sor.u32 s3, s0;
	s1 =	sshll.u32 s1, $0x11  }
0xbb: {  	s0 =	sor.u32 s1, s0  }
0xbc: {  	s0 =	sadd.s32 $0x8F2B, s0  }
0xbd: {  	[sflag:s0] =	ssyncadd.remote.s32 $0x1  }
0xbe: {  	_ =	sfence.sel $0xFFFF  }
0xbf: {  	[dreg:$0x0] =	wrdreg $0xFFFFFFFF;
	(pc) =	sbr.abs _section_cstart, $3  }
0xc0: {  	[dreg:$0x1] =	wrdreg $0xFFFFFFFF  }
0xc1: {  	_ =	task.clear_ibuf [dreg:s6], $0x2FFFF;
	_ =	strace $0x9FFFFFFF  }
0xc2: {  	(tm) =	ssettm $0x7FFFFFFF  }
0xc3: {  	_ =	shalt  }
tec
execute0_lowered:
.L_overlay_start_1:
0x0: {  	(tag) =	ssettag $0x1  }
0x1: {  	s0 =	stileid.u32  }
0x2: {  	s6 =	smul.u32 $0x2800, s0  }
0x3: {  	s1 =	srdreg.scid;
	s8 =	smul.u32 $0x28000, s0  }
0x4: {  	s4 =	rddreg [dreg:$0x0];
	s25 =	smul.u32 $0x14000, s0  }
0x5: {  	s2 =	rddreg [dreg:$0x1];
	s5 =	sand.u32 $0x1, s1;
	s12 =	smul.u32 $0x50000, s0  }
0x6: {  	s3 =	simm.s32 $0x0;
	s1 =	rddreg [dreg:$0x2];
	s7 =	smul.u32 $0x1400, s5  }
0x7: {  	[smem:$0x7FF] =	sst s3;
	s30 =	sshll.u32 s0, $0x6;
	s9 =	smul.u32 $0x140000, s5  }
0x8: {  	_ =	strace $0x80000050;
	s28 =	ssub.s32 $0x2, s5;
	s31 =	smul.u32 $0x14000, s5  }
0x9: {  	s5 =	sor.u32 $0x1C01, s30;
	s8 =	sadd.s32 s8, s4;
	s26 =	sshrl.u32 s25, $0x3  }
0xa: {  	s11 =	sshrl.u32 s28, $0x1;
	s29 =	sshrl.u32 s12, $0x2;
	s12 =	simm.s32 $0x80  }
0xb: {  	s6 =	sadd.s32 s7, s6;
	s7 =	sadd.s32 s25, s9;
	s9 =	ssub.s32 s28, s11  }
0xc: {  	s13 =	sadd.s32 s29, s2;
	s8 =	sadd.s32 s31, s8;
	s11 =	simm.s32 $0x1  }
0xd: {  	s6 =	sshrl.u32 s6, $0x3;
	s7 =	sshrl.u32 s7, $0x3;
	s8 =	sadd.s32 $0x7D4800, s8  }
0xe: {  	s10 =	sadd.s32 s6, s4;
	s6 =	sadd.s32 s26, s4;
	s7 =	sadd.s32 s7, s4  }
0xf: {  	s4 =	sadd.s32 $0x36800, s6;
	s6 =	sadd.s32 $0x5E800, s7;
	s7 =	smax.u32 s9, $0x1  }
0x10: {  	s9 =	sadd.s32 $0x2E3800, s10;
	s10 =	sshrl.u32 s13, $0x3;
	s13 =	simm.s32 $0x0  }
.LBB2_1:
0x11: {  	[spmem:s10], [sflag:s5] =	dma.local [hbm:s4], $0x2800  }
0x12: {  	_ =	swait.ge [sflag:s11], $0x2800  }
0x13: {  	[sflag:s11] =	ssyncset.done $0x0  }
0x14: {  	[sflag:s11] =	ssyncadd.s32 $0xFFFFD800  }
0x15: {  	s14 =	sadd.s32 $0x0, s9;
	[bflag:$0x0] =	sbarrier.arrive $0xFFFF  }
0x16: {  	[tilespmem:s3], [sflag:$0x1] =	stream.linear.gather [hbm4b:s14+s3], $0x80, $0x38;
	[tilespmem:$0x18080] =	vst v63  }
0x17: {  	_ =	swait.ge [sflag:s11], $0x80  }
0x18: {  	[sflag:s11] =	ssyncset.done $0x0  }
0x19: {  	[sflag:s11] =	ssyncadd.s32 $0xFFFFFF80  }
0x1a: {  	[tilespmem:s12], [sflag:$0x1] =	stream.linear.gather [hbm4b:s8+s3], $0x4000, $0x38;
	[tilespmem:$0x18080] =	vst v63  }
0x1b: {  	_ =	swait.ge [sflag:s11], $0x4000  }
0x1c: {  	[sflag:s11] =	ssyncset.done $0x0  }
0x1d: {  	[sflag:s11] =	ssyncadd.s32 $0xFFFFC000  }
0x1e: {  	[spmem:s2] =	stream.indirect.scatter.add.f32 [tilespmem:s12], [sflag:$0x1], $0x80, s3, s12, $0xb8;
	[tilespmem:$0x18080] =	vst v63  }
0x1f: {  	s15 =	simm.s32 $0x10;
	_ =	swait.ge [sflag:s11], $0x4000  }
0x20: {  	s16 =	simm.s32 $0x20;
	s14 =	sadd.s32 $0x800, s8;
	[sflag:s11] =	ssyncset.done $0x0  }
.LBB2_2:
0x21: {  	s17 =	sadd.s32 s15, s9  }
0x22: {  	[sflag:s11] =	ssyncadd.s32 $0xFFFFC000;
	s15 =	smov.u32 s16;
	s18 =	sadd.s32 $0x10, s16  }
0x23: {  	[tilespmem:s3], [sflag:$0x1] =	stream.linear.gather [hbm4b:s17+s3], $0x80, $0x38;
	[tilespmem:$0x18080] =	vst v63  }
0x24: {  	p0 =	sne.s32 s16, $0x270;
	_ =	swait.ge [sflag:s11], $0x80  }
0x25: {  	[sflag:s11] =	ssyncset.done $0x0  }
0x26: {  	[sflag:s11] =	ssyncadd.s32 $0xFFFFFF80  }
0x27: {  	[tilespmem:s12], [sflag:$0x1] =	stream.linear.gather [hbm4b:s14+s3], $0x4000, $0x38;
	[tilespmem:$0x18080] =	vst v63  }
0x28: {  	_ =	swait.ge [sflag:s11], $0x4000  }
.Ltmp0:
0x29: {  	[sflag:s11] =	ssyncset.done $0x0;
	(pc) =	sbr.rel @p0 .LBB2_2-.Ltmp0, $4  }
0x2a: {  	[sflag:s11] =	ssyncadd.s32 $0xFFFFC000  }
0x2b: {  	[spmem:s2] =	stream.indirect.scatter.add.f32 [tilespmem:s12], [sflag:$0x1], $0x80, s3, s12, $0xb8;
	[tilespmem:$0x18080] =	vst v63  }
0x2c: {  	_ =	swait.ge [sflag:s11], $0x4000  }
0x2d: {  	s16 =	smov.u32 s18;
	s14 =	sadd.s32 $0x800, s14;
	[sflag:s11] =	ssyncset.done $0x0  }
0x2e: {  	s15 =	sadd.s32 s15, s9;
	[sflag:s11] =	ssyncadd.s32 $0xFFFFC000  }
0x2f: {  	[tilespmem:s3], [sflag:$0x1] =	stream.linear.gather [hbm4b:s15+s3], $0x80, $0x38;
	[tilespmem:$0x18080] =	vst v63  }
0x30: {  	_ =	swait.ge [sflag:s11], $0x80  }
0x31: {  	[sflag:s11] =	ssyncset.done $0x0  }
0x32: {  	[sflag:s11] =	ssyncadd.s32 $0xFFFFFF80  }
0x33: {  	[tilespmem:s12], [sflag:$0x1] =	stream.linear.gather [hbm4b:s14+s3], $0x4000, $0x38;
	[tilespmem:$0x18080] =	vst v63  }
0x34: {  	_ =	swait.ge [sflag:s11], $0x4000  }
0x35: {  	[sflag:s11] =	ssyncset.done $0x0  }
0x36: {  	[sflag:s11] =	ssyncadd.s32 $0xFFFFC000  }
0x37: {  	[spmem:s2] =	stream.indirect.scatter.add.f32 [tilespmem:s12], [sflag:$0x1], $0x80, s3, s12, $0xb8;
	[tilespmem:$0x18080] =	vst v63  }
0x38: {  	_ =	swait.ge [sflag:s11], $0x4000  }
0x39: {  	s13 =	sadd.s32 $0x1, s13;
	[sflag:s11] =	ssyncset.done $0x0  }
0x3a: {  	p0 =	sne.s32 s13, s7;
	[sflag:s11] =	ssyncadd.s32 $0xFFFFC000  }
.Ltmp1:
0x3b: {  	[bflag:$0x0] =	sbarrier.arrive $0xFFFF;
	(pc) =	sbr.rel @p0 .LBB2_1-.Ltmp1, $4  }
0x3c: {  	[hbm:s6], [sflag:s5] =	dma.local [spmem:s10], $0x2800  }
0x3d: {  	_ =	swait.ge [sflag:s11], $0x2800  }
0x3e: {  	[sflag:s11] =	ssyncset.done $0x0  }
0x3f: {  	[sflag:s11] =	ssyncadd.s32 $0xFFFFD800  }
0x40: {  	_ =	sfence.sel $0x180000  }
0x41: {  	[bflag:$0x0] =	sbarrier.arrive $0xFFFF  }
0x42: {  	p0 =	sne.s32 s0, $0x0;
	_ =	strace $0x90000050  }
0x43: {  	s0 =	sadd.s32 @!p0 $0x100000, s1;
	[bflag:$0x2] =	sbarrier.arrive $0xFFFF  }
0x44: {  	[sflag:s0] =	ssyncadd.tile.s32 @!p0 $0x1;
	_ =	shalt  }
.Lfunc_end2:
_tile_overlayer_lowered:
.L_overlay_start_2:
0x45: {  	(tag) =	ssettag $0x2  }
0x46: {  	s0 =	rddreg [dreg:$0x0];
	s2 =	stileid.u32  }
0x47: {  	s1 =	rddreg [dreg:$0x1];
	p0 =	sne.s32 s2, $0x0  }
0x48: {  	s3 =	rddreg [dreg:$0x2];
	[bflag:$0x3] =	sbarrier.arrive $0xFFFF;
	s2 =	simm.s32 @!p0 $0x1C01  }
0x49: {  	[timem:s3], [sflag:s2] =	dma.local @!p0 [hbm:s0], s1  }
0x4a: {  	s0 =	simm.s32 @!p0 $0x1  }
0x4b: {  	_ =	swait.ge @!p0 [sflag:s0], s1  }
0x4c: {  	s1 =	ssub.s32 @!p0 $0x0, s1;
	[sflag:s0] =	ssyncset.done @!p0 $0x0  }
0x4d: {  	[sflag:s0] =	ssyncadd.s32 @!p0 s1  }
0x4e: {  	[bflag:$0x3] =	sbarrier.arrive $0xFFFF  }
0x4f: {  	_ =	shalt  }

</sc_bundles>
